<compile_context>
chip_gen: v7x
topology: tpu7x:2x2x1
jax: 0.10.2.dev20260603
libtpu: 0.0.44.dev20260713+nightly
codegen_flags: <defaults>
</compile_context>

<pallas_src>
import functools

import jax
import jax.numpy as jnp
from jax import lax
from jax.experimental import pallas as pl
from jax.experimental.pallas import tpu as pltpu
from jax.experimental.pallas import tpu_sc as plsc

CH = 128
NBUF = 8


@functools.lru_cache(maxsize=None)
def _build(nchunk: int, d: int, v: int, nw: int, nc: int):
    n_main = (nchunk // NBUF) * NBUF
    tail = nchunk - n_main
    mesh = plsc.VectorSubcoreMesh(core_axis_name="c", subcore_axis_name="s")

    @functools.partial(
        pl.kernel,
        mesh=mesh,
        compiler_params=pltpu.CompilerParams(use_tc_tiling_on_sc=False),
        out_type=jax.ShapeDtypeStruct((nw, nchunk, CH, d), jnp.float32),
        scratch_types=[
            pltpu.VMEM((nchunk, CH), jnp.int32),
            pltpu.VMEM((NBUF, CH, d), jnp.float32),
            pltpu.SemaphoreType.DMA((NBUF,)),
            pltpu.SemaphoreType.DMA((NBUF,)),
        ],
    )
    def gather_k(idx_hbm, table_hbm, out_hbm, idx_v, rows_v, sem_g, sem_s):
        wid = lax.axis_index("s") * nc + lax.axis_index("c")
        pltpu.sync_copy(idx_hbm.at[wid], idx_v)

        def fire_gather(ch, b):
            return pltpu.async_copy(
                table_hbm.at[idx_v.at[ch]], rows_v.at[b], sem_g.at[b]
            )

        def fire_store(ch, b):
            return pltpu.async_copy(
                rows_v.at[b], out_hbm.at[wid, ch], sem_s.at[b]
            )

        def wait_store(b):
            pltpu.make_async_copy(
                rows_v.at[b], out_hbm.at[wid, 0], sem_s.at[b]
            ).wait()

        def step(base, nch, first):
            gathers = []
            for b in range(nch):
                if not first:
                    wait_store(b)
                gathers.append(fire_gather(base + b, b))
            for b in range(nch):
                gathers[b].wait()
                fire_store(base + b, b)

        step(0, NBUF, True)

        def body(i, carry):
            step(i * NBUF, NBUF, False)
            return carry

        lax.fori_loop(1, n_main // NBUF, body, 0)
        if tail:
            step(n_main, tail, False)
        for b in range(NBUF):
            wait_store(b)

    return gather_k


def kernel(query_indices, seq_indices, table):
    b = query_indices.shape[0]
    v, d = table.shape
    idx = jnp.concatenate(
        [query_indices.astype(jnp.int32), seq_indices.astype(jnp.int32)], axis=1
    )
    total = idx.size
    info = plsc.get_sparse_core_info()
    nc, ns = info.num_cores, info.num_subcores
    nw = nc * ns
    assert total % (nw * CH) == 0
    nchunk = total // (nw * CH)
    idx3 = idx.reshape(nw, nchunk, CH)
    out = _build(nchunk, d, v, nw, nc)(idx3, table)
    return out.reshape(b, -1)

# --- scband reference (transcript-rebuilt; emitter-appended) ---
"""Pipeline reference for scband-sequence-embedding-group-impl-15032385536389 (READ-ONLY COPY).

The authoritative reference and input builder live on the scoring server;
editing this copy changes nothing except your own understanding.
"""

import jax, jax.numpy as jnp
import numpy as np

B = 4096
FQ = 26
L = 200
V = 1000000
D = 32


def setup_inputs(seed: int = 0) -> dict:
    key = jax.random.key(seed)
    k1, k2, k3 = jax.random.split(key, 3)
    query_indices = jax.random.randint(k1, (B, FQ), 0, V)
    seq_indices = jax.random.randint(k2, (B, L), 0, V)
    # Shared embedding table for the sequence feature group (EmbeddingCollection param)
    table = jax.random.normal(k3, (V, D), dtype=jnp.float32) * 0.01
    return {"query_indices": query_indices, "seq_indices": seq_indices, "table": table}


def reference(query_indices, seq_indices, table):
    # SequenceEmbeddingGroupImpl: lookup sparse query features and sparse sequence
    # features via the shared EmbeddingCollection, then concatenate per-group outputs.
    b = query_indices.shape[0]
    # query branch: [B, FQ] -> [B, FQ, D] -> [B, FQ*D]
    q = jnp.take(table, query_indices, axis=0).reshape(b, -1)
    # sequence branch: [B, L] -> [B, L, D] -> flattened [B, L*D] so the group
    # output is a single dense tensor (query_dim + sequence_dim concat)
    s = jnp.take(table, seq_indices, axis=0).reshape(b, -1)
    return jnp.concatenate([q, s], axis=1)

if __name__ == "__main__":
    import jax
    _d = setup_inputs()
    print(jax.jit(kernel)(*tuple(_d.values())))

</pallas_src>

<mosaic_0001>
#map = affine_map<(d0, d1) -> (0, 0, 0)>
#map1 = affine_map<(d0, d1) -> (0, 0)>
#map2 = affine_map<(d0, d1) -> (0, 0, 0, 0)>
module attributes {stable_mosaic.version = 14 : i64} {
  func.func @gather_k(%arg0: i32, %arg1: i32, %arg2: memref<32x226x128xi32, #tpu.memory_space<hbm>>, %arg3: memref<1000000x32xf32, #tpu.memory_space<hbm>>, %arg4: memref<32x226x128x32xf32, #tpu.memory_space<hbm>>, %arg5: memref<226x128xi32, #tpu.memory_space<vmem>>, %arg6: memref<8x128x32xf32, #tpu.memory_space<vmem>>, %arg7: memref<8x!tpu.dma_semaphore, #tpu.memory_space<semaphore_mem>>, %arg8: memref<8x!tpu.dma_semaphore, #tpu.memory_space<semaphore_mem>>) attributes {dimension_semantics = [#tpu.dimension_semantics<core_parallel>, #tpu.dimension_semantics<subcore_parallel>], iteration_bounds = array<i64: 2, 16>, scalar_prefetch = 0 : i64, scratch_operands = 4 : i64, tpu.core_type = #tpu.core_type<sc_vector_subcore>, window_params = [{transform_indices = #map}, {transform_indices = #map1}, {transform_indices = #map2}]} {
    %mul3A = arith.constant 2 : i32
    %mul3A_0 = arith.muli %arg1, %mul3A : i32
    %add3A = arith.addi %mul3A_0, %arg0 : i32
    "tpu.region"() ({
      %run_scoped3A = tpu.sem_alloc : memref<!tpu.dma_semaphore, #tpu.memory_space<semaphore_mem>>
      %dma_start3A_724 = arith.constant 0 : i32
      %dma_start3A_725 = arith.constant 0 : i32
      %dma_start3A_726 = tpu.memref_slice %arg2[%add3A, %dma_start3A_724, %dma_start3A_725] : memref<32x226x128xi32, #tpu.memory_space<hbm>> -> memref<1x226x128xi32, #tpu.memory_space<hbm>>
      %dma_start3A_727 = tpu.memref_squeeze %dma_start3A_726 : memref<1x226x128xi32, #tpu.memory_space<hbm>> -> memref<226x128xi32, #tpu.memory_space<hbm>>
      %dma_start3A_728 = arith.constant 0 : i32
      %dma_start3A_729 = arith.constant 0 : i32
      %dma_start3A_730 = tpu.memref_slice %arg2[%add3A, %dma_start3A_728, %dma_start3A_729] : memref<32x226x128xi32, #tpu.memory_space<hbm>> -> memref<1x226x128xi32, #tpu.memory_space<hbm>>
      %dma_start3A_731 = tpu.memref_squeeze %dma_start3A_730 : memref<1x226x128xi32, #tpu.memory_space<hbm>> -> memref<226x128xi32, #tpu.memory_space<hbm>>
      tpu.enqueue_dma source(%dma_start3A_731 : memref<226x128xi32, #tpu.memory_space<hbm>>) target(%arg5 : memref<226x128xi32, #tpu.memory_space<vmem>>) target_semaphore(%run_scoped3A : memref<!tpu.dma_semaphore, #tpu.memory_space<semaphore_mem>>)
      %dma_wait3A_732 = arith.constant 0 : i32
      %dma_wait3A_733 = arith.constant 0 : i32
      %dma_wait3A_734 = tpu.memref_slice %arg2[%add3A, %dma_wait3A_732, %dma_wait3A_733] : memref<32x226x128xi32, #tpu.memory_space<hbm>> -> memref<1x226x128xi32, #tpu.memory_space<hbm>>
      %dma_wait3A_735 = tpu.memref_squeeze %dma_wait3A_734 : memref<1x226x128xi32, #tpu.memory_space<hbm>> -> memref<226x128xi32, #tpu.memory_space<hbm>>
      %dma_wait3A_736 = arith.constant 0 : i32
      %dma_wait3A_737 = arith.constant 0 : i32
      %dma_wait3A_738 = tpu.memref_slice %arg2[%add3A, %dma_wait3A_736, %dma_wait3A_737] : memref<32x226x128xi32, #tpu.memory_space<hbm>> -> memref<1x226x128xi32, #tpu.memory_space<hbm>>
      %dma_wait3A_739 = tpu.memref_squeeze %dma_wait3A_738 : memref<1x226x128xi32, #tpu.memory_space<hbm>> -> memref<226x128xi32, #tpu.memory_space<hbm>>
      tpu.wait_dma2 semaphore(%run_scoped3A : memref<!tpu.dma_semaphore, #tpu.memory_space<semaphore_mem>>) src(%dma_wait3A_739 : memref<226x128xi32, #tpu.memory_space<hbm>>) dst(%arg5 : memref<226x128xi32, #tpu.memory_space<vmem>>)
      tpu.yield
    }) : () -> ()
    %dma_start3A = arith.constant 0 : i32
    %dma_start3A_1 = arith.constant 0 : i32
    %dma_start3A_2 = arith.constant 0 : i32
    %dma_start3A_3 = arith.constant 0 : i32
    %dma_start3A_4 = arith.constant 0 : i32
    %dma_start3A_5 = tpu.memref_slice %arg6[%dma_start3A_1, %dma_start3A_3, %dma_start3A_4] : memref<8x128x32xf32, #tpu.memory_space<vmem>> -> memref<1x128x32xf32, #tpu.memory_space<vmem>>
    %dma_start3A_6 = tpu.memref_squeeze %dma_start3A_5 : memref<1x128x32xf32, #tpu.memory_space<vmem>> -> memref<128x32xf32, #tpu.memory_space<vmem>>
    %dma_start3A_7 = arith.constant 0 : i32
    %dma_start3A_8 = tpu.memref_slice %arg5[%dma_start3A, %dma_start3A_7] : memref<226x128xi32, #tpu.memory_space<vmem>> -> memref<1x128xi32, #tpu.memory_space<vmem>>
    %dma_start3A_9 = tpu.memref_squeeze %dma_start3A_8 : memref<1x128xi32, #tpu.memory_space<vmem>> -> memref<128xi32, #tpu.memory_space<vmem>>
    %dma_start3A_10 = arith.constant 0 : i32
    %dma_start3A_11 = arith.constant 0 : i32
    %dma_start3A_12 = tpu.memref_slice %arg3[%dma_start3A_10, %dma_start3A_11] : memref<1000000x32xf32, #tpu.memory_space<hbm>> -> memref<1000000x32xf32, #tpu.memory_space<hbm>>
    %dma_start3A_13 = tpu.memref_slice %arg7[%dma_start3A_2] : memref<8x!tpu.dma_semaphore, #tpu.memory_space<semaphore_mem>> -> memref<1x!tpu.dma_semaphore, #tpu.memory_space<semaphore_mem>>
    %dma_start3A_14 = tpu.memref_squeeze %dma_start3A_13 : memref<1x!tpu.dma_semaphore, #tpu.memory_space<semaphore_mem>> -> memref<!tpu.dma_semaphore, #tpu.memory_space<semaphore_mem>>
    tpu.enqueue_indirect_dma source(%dma_start3A_12 : memref<1000000x32xf32, #tpu.memory_space<hbm>>) target(%dma_start3A_6 : memref<128x32xf32, #tpu.memory_space<vmem>>) offsets(%dma_start3A_9 : memref<128xi32, #tpu.memory_space<vmem>>) semaphore(%dma_start3A_14 : memref<!tpu.dma_semaphore, #tpu.memory_space<semaphore_mem>>)
    %dma_start3A_15 = arith.constant 1 : i32
    %dma_start3A_16 = arith.constant 1 : i32
    %dma_start3A_17 = arith.constant 1 : i32
    %dma_start3A_18 = arith.constant 0 : i32
    %dma_start3A_19 = arith.constant 0 : i32
    %dma_start3A_20 = tpu.memref_slice %arg6[%dma_start3A_16, %dma_start3A_18, %dma_start3A_19] : memref<8x128x32xf32, #tpu.memory_space<vmem>> -> memref<1x128x32xf32, #tpu.memory_space<vmem>>
    %dma_start3A_21 = tpu.memref_squeeze %dma_start3A_20 : memref<1x128x32xf32, #tpu.memory_space<vmem>> -> memref<128x32xf32, #tpu.memory_space<vmem>>
    %dma_start3A_22 = arith.constant 0 : i32
    %dma_start3A_23 = tpu.memref_slice %arg5[%dma_start3A_15, %dma_start3A_22] : memref<226x128xi32, #tpu.memory_space<vmem>> -> memref<1x128xi32, #tpu.memory_space<vmem>>
    %dma_start3A_24 = tpu.memref_squeeze %dma_start3A_23 : memref<1x128xi32, #tpu.memory_space<vmem>> -> memref<128xi32, #tpu.memory_space<vmem>>
    %dma_start3A_25 = arith.constant 0 : i32
    %dma_start3A_26 = arith.constant 0 : i32
    %dma_start3A_27 = tpu.memref_slice %arg3[%dma_start3A_25, %dma_start3A_26] : memref<1000000x32xf32, #tpu.memory_space<hbm>> -> memref<1000000x32xf32, #tpu.memory_space<hbm>>
    %dma_start3A_28 = tpu.memref_slice %arg7[%dma_start3A_17] : memref<8x!tpu.dma_semaphore, #tpu.memory_space<semaphore_mem>> -> memref<1x!tpu.dma_semaphore, #tpu.memory_space<semaphore_mem>>
    %dma_start3A_29 = tpu.memref_squeeze %dma_start3A_28 : memref<1x!tpu.dma_semaphore, #tpu.memory_space<semaphore_mem>> -> memref<!tpu.dma_semaphore, #tpu.memory_space<semaphore_mem>>
    tpu.enqueue_indirect_dma source(%dma_start3A_27 : memref<1000000x32xf32, #tpu.memory_space<hbm>>) target(%dma_start3A_21 : memref<128x32xf32, #tpu.memory_space<vmem>>) offsets(%dma_start3A_24 : memref<128xi32, #tpu.memory_space<vmem>>) semaphore(%dma_start3A_29 : memref<!tpu.dma_semaphore, #tpu.memory_space<semaphore_mem>>)
    %dma_start3A_30 = arith.constant 2 : i32
    %dma_start3A_31 = arith.constant 2 : i32
    %dma_start3A_32 = arith.constant 2 : i32
    %dma_start3A_33 = arith.constant 0 : i32
    %dma_start3A_34 = arith.constant 0 : i32
    %dma_start3A_35 = tpu.memref_slice %arg6[%dma_start3A_31, %dma_start3A_33, %dma_start3A_34] : memref<8x128x32xf32, #tpu.memory_space<vmem>> -> memref<1x128x32xf32, #tpu.memory_space<vmem>>
    %dma_start3A_36 = tpu.memref_squeeze %dma_start3A_35 : memref<1x128x32xf32, #tpu.memory_space<vmem>> -> memref<128x32xf32, #tpu.memory_space<vmem>>
    %dma_start3A_37 = arith.constant 0 : i32
    %dma_start3A_38 = tpu.memref_slice %arg5[%dma_start3A_30, %dma_start3A_37] : memref<226x128xi32, #tpu.memory_space<vmem>> -> memref<1x128xi32, #tpu.memory_space<vmem>>
    %dma_start3A_39 = tpu.memref_squeeze %dma_start3A_38 : memref<1x128xi32, #tpu.memory_space<vmem>> -> memref<128xi32, #tpu.memory_space<vmem>>
    %dma_start3A_40 = arith.constant 0 : i32
    %dma_start3A_41 = arith.constant 0 : i32
    %dma_start3A_42 = tpu.memref_slice %arg3[%dma_start3A_40, %dma_start3A_41] : memref<1000000x32xf32, #tpu.memory_space<hbm>> -> memref<1000000x32xf32, #tpu.memory_space<hbm>>
    %dma_start3A_43 = tpu.memref_slice %arg7[%dma_start3A_32] : memref<8x!tpu.dma_semaphore, #tpu.memory_space<semaphore_mem>> -> memref<1x!tpu.dma_semaphore, #tpu.memory_space<semaphore_mem>>
    %dma_start3A_44 = tpu.memref_squeeze %dma_start3A_43 : memref<1x!tpu.dma_semaphore, #tpu.memory_space<semaphore_mem>> -> memref<!tpu.dma_semaphore, #tpu.memory_space<semaphore_mem>>
    tpu.enqueue_indirect_dma source(%dma_start3A_42 : memref<1000000x32xf32, #tpu.memory_space<hbm>>) target(%dma_start3A_36 : memref<128x32xf32, #tpu.memory_space<vmem>>) offsets(%dma_start3A_39 : memref<128xi32, #tpu.memory_space<vmem>>) semaphore(%dma_start3A_44 : memref<!tpu.dma_semaphore, #tpu.memory_space<semaphore_mem>>)
    %dma_start3A_45 = arith.constant 3 : i32
    %dma_start3A_46 = arith.constant 3 : i32
    %dma_start3A_47 = arith.constant 3 : i32
    %dma_start3A_48 = arith.constant 0 : i32
    %dma_start3A_49 = arith.constant 0 : i32
    %dma_start3A_50 = tpu.memref_slice %arg6[%dma_start3A_46, %dma_start3A_48, %dma_start3A_49] : memref<8x128x32xf32, #tpu.memory_space<vmem>> -> memref<1x128x32xf32, #tpu.memory_space<vmem>>
    %dma_start3A_51 = tpu.memref_squeeze %dma_start3A_50 : memref<1x128x32xf32, #tpu.memory_space<vmem>> -> memref<128x32xf32, #tpu.memory_space<vmem>>
    %dma_start3A_52 = arith.constant 0 : i32
    %dma_start3A_53 = tpu.memref_slice %arg5[%dma_start3A_45, %dma_start3A_52] : memref<226x128xi32, #tpu.memory_space<vmem>> -> memref<1x128xi32, #tpu.memory_space<vmem>>
    %dma_start3A_54 = tpu.memref_squeeze %dma_start3A_53 : memref<1x128xi32, #tpu.memory_space<vmem>> -> memref<128xi32, #tpu.memory_space<vmem>>
    %dma_start3A_55 = arith.constant 0 : i32
    %dma_start3A_56 = arith.constant 0 : i32
    %dma_start3A_57 = tpu.memref_slice %arg3[%dma_start3A_55, %dma_start3A_56] : memref<1000000x32xf32, #tpu.memory_space<hbm>> -> memref<1000000x32xf32, #tpu.memory_space<hbm>>
    %dma_start3A_58 = tpu.memref_slice %arg7[%dma_start3A_47] : memref<8x!tpu.dma_semaphore, #tpu.memory_space<semaphore_mem>> -> memref<1x!tpu.dma_semaphore, #tpu.memory_space<semaphore_mem>>
    %dma_start3A_59 = tpu.memref_squeeze %dma_start3A_58 : memref<1x!tpu.dma_semaphore, #tpu.memory_space<semaphore_mem>> -> memref<!tpu.dma_semaphore, #tpu.memory_space<semaphore_mem>>
    tpu.enqueue_indirect_dma source(%dma_start3A_57 : memref<1000000x32xf32, #tpu.memory_space<hbm>>) target(%dma_start3A_51 : memref<128x32xf32, #tpu.memory_space<vmem>>) offsets(%dma_start3A_54 : memref<128xi32, #tpu.memory_space<vmem>>) semaphore(%dma_start3A_59 : memref<!tpu.dma_semaphore, #tpu.memory_space<semaphore_mem>>)
    %dma_start3A_60 = arith.constant 4 : i32
    %dma_start3A_61 = arith.constant 4 : i32
    %dma_start3A_62 = arith.constant 4 : i32
    %dma_start3A_63 = arith.constant 0 : i32
    %dma_start3A_64 = arith.constant 0 : i32
    %dma_start3A_65 = tpu.memref_slice %arg6[%dma_start3A_61, %dma_start3A_63, %dma_start3A_64] : memref<8x128x32xf32, #tpu.memory_space<vmem>> -> memref<1x128x32xf32, #tpu.memory_space<vmem>>
    %dma_start3A_66 = tpu.memref_squeeze %dma_start3A_65 : memref<1x128x32xf32, #tpu.memory_space<vmem>> -> memref<128x32xf32, #tpu.memory_space<vmem>>
    %dma_start3A_67 = arith.constant 0 : i32
    %dma_start3A_68 = tpu.memref_slice %arg5[%dma_start3A_60, %dma_start3A_67] : memref<226x128xi32, #tpu.memory_space<vmem>> -> memref<1x128xi32, #tpu.memory_space<vmem>>
    %dma_start3A_69 = tpu.memref_squeeze %dma_start3A_68 : memref<1x128xi32, #tpu.memory_space<vmem>> -> memref<128xi32, #tpu.memory_space<vmem>>
    %dma_start3A_70 = arith.constant 0 : i32
    %dma_start3A_71 = arith.constant 0 : i32
    %dma_start3A_72 = tpu.memref_slice %arg3[%dma_start3A_70, %dma_start3A_71] : memref<1000000x32xf32, #tpu.memory_space<hbm>> -> memref<1000000x32xf32, #tpu.memory_space<hbm>>
    %dma_start3A_73 = tpu.memref_slice %arg7[%dma_start3A_62] : memref<8x!tpu.dma_semaphore, #tpu.memory_space<semaphore_mem>> -> memref<1x!tpu.dma_semaphore, #tpu.memory_space<semaphore_mem>>
    %dma_start3A_74 = tpu.memref_squeeze %dma_start3A_73 : memref<1x!tpu.dma_semaphore, #tpu.memory_space<semaphore_mem>> -> memref<!tpu.dma_semaphore, #tpu.memory_space<semaphore_mem>>
    tpu.enqueue_indirect_dma source(%dma_start3A_72 : memref<1000000x32xf32, #tpu.memory_space<hbm>>) target(%dma_start3A_66 : memref<128x32xf32, #tpu.memory_space<vmem>>) offsets(%dma_start3A_69 : memref<128xi32, #tpu.memory_space<vmem>>) semaphore(%dma_start3A_74 : memref<!tpu.dma_semaphore, #tpu.memory_space<semaphore_mem>>)
    %dma_start3A_75 = arith.constant 5 : i32
    %dma_start3A_76 = arith.constant 5 : i32
    %dma_start3A_77 = arith.constant 5 : i32
    %dma_start3A_78 = arith.constant 0 : i32
    %dma_start3A_79 = arith.constant 0 : i32
    %dma_start3A_80 = tpu.memref_slice %arg6[%dma_start3A_76, %dma_start3A_78, %dma_start3A_79] : memref<8x128x32xf32, #tpu.memory_space<vmem>> -> memref<1x128x32xf32, #tpu.memory_space<vmem>>
    %dma_start3A_81 = tpu.memref_squeeze %dma_start3A_80 : memref<1x128x32xf32, #tpu.memory_space<vmem>> -> memref<128x32xf32, #tpu.memory_space<vmem>>
    %dma_start3A_82 = arith.constant 0 : i32
    %dma_start3A_83 = tpu.memref_slice %arg5[%dma_start3A_75, %dma_start3A_82] : memref<226x128xi32, #tpu.memory_space<vmem>> -> memref<1x128xi32, #tpu.memory_space<vmem>>
    %dma_start3A_84 = tpu.memref_squeeze %dma_start3A_83 : memref<1x128xi32, #tpu.memory_space<vmem>> -> memref<128xi32, #tpu.memory_space<vmem>>
    %dma_start3A_85 = arith.constant 0 : i32
    %dma_start3A_86 = arith.constant 0 : i32
    %dma_start3A_87 = tpu.memref_slice %arg3[%dma_start3A_85, %dma_start3A_86] : memref<1000000x32xf32, #tpu.memory_space<hbm>> -> memref<1000000x32xf32, #tpu.memory_space<hbm>>
    %dma_start3A_88 = tpu.memref_slice %arg7[%dma_start3A_77] : memref<8x!tpu.dma_semaphore, #tpu.memory_space<semaphore_mem>> -> memref<1x!tpu.dma_semaphore, #tpu.memory_space<semaphore_mem>>
    %dma_start3A_89 = tpu.memref_squeeze %dma_start3A_88 : memref<1x!tpu.dma_semaphore, #tpu.memory_space<semaphore_mem>> -> memref<!tpu.dma_semaphore, #tpu.memory_space<semaphore_mem>>
    tpu.enqueue_indirect_dma source(%dma_start3A_87 : memref<1000000x32xf32, #tpu.memory_space<hbm>>) target(%dma_start3A_81 : memref<128x32xf32, #tpu.memory_space<vmem>>) offsets(%dma_start3A_84 : memref<128xi32, #tpu.memory_space<vmem>>) semaphore(%dma_start3A_89 : memref<!tpu.dma_semaphore, #tpu.memory_space<semaphore_mem>>)
    %dma_start3A_90 = arith.constant 6 : i32
    %dma_start3A_91 = arith.constant 6 : i32
    %dma_start3A_92 = arith.constant 6 : i32
    %dma_start3A_93 = arith.constant 0 : i32
    %dma_start3A_94 = arith.constant 0 : i32
    %dma_start3A_95 = tpu.memref_slice %arg6[%dma_start3A_91, %dma_start3A_93, %dma_start3A_94] : memref<8x128x32xf32, #tpu.memory_space<vmem>> -> memref<1x128x32xf32, #tpu.memory_space<vmem>>
    %dma_start3A_96 = tpu.memref_squeeze %dma_start3A_95 : memref<1x128x32xf32, #tpu.memory_space<vmem>> -> memref<128x32xf32, #tpu.memory_space<vmem>>
    %dma_start3A_97 = arith.constant 0 : i32
    %dma_start3A_98 = tpu.memref_slice %arg5[%dma_start3A_90, %dma_start3A_97] : memref<226x128xi32, #tpu.memory_space<vmem>> -> memref<1x128xi32, #tpu.memory_space<vmem>>
    %dma_start3A_99 = tpu.memref_squeeze %dma_start3A_98 : memref<1x128xi32, #tpu.memory_space<vmem>> -> memref<128xi32, #tpu.memory_space<vmem>>
    %dma_start3A_100 = arith.constant 0 : i32
    %dma_start3A_101 = arith.constant 0 : i32
    %dma_start3A_102 = tpu.memref_slice %arg3[%dma_start3A_100, %dma_start3A_101] : memref<1000000x32xf32, #tpu.memory_space<hbm>> -> memref<1000000x32xf32, #tpu.memory_space<hbm>>
    %dma_start3A_103 = tpu.memref_slice %arg7[%dma_start3A_92] : memref<8x!tpu.dma_semaphore, #tpu.memory_space<semaphore_mem>> -> memref<1x!tpu.dma_semaphore, #tpu.memory_space<semaphore_mem>>
    %dma_start3A_104 = tpu.memref_squeeze %dma_start3A_103 : memref<1x!tpu.dma_semaphore, #tpu.memory_space<semaphore_mem>> -> memref<!tpu.dma_semaphore, #tpu.memory_space<semaphore_mem>>
    tpu.enqueue_indirect_dma source(%dma_start3A_102 : memref<1000000x32xf32, #tpu.memory_space<hbm>>) target(%dma_start3A_96 : memref<128x32xf32, #tpu.memory_space<vmem>>) offsets(%dma_start3A_99 : memref<128xi32, #tpu.memory_space<vmem>>) semaphore(%dma_start3A_104 : memref<!tpu.dma_semaphore, #tpu.memory_space<semaphore_mem>>)
    %dma_start3A_105 = arith.constant 7 : i32
    %dma_start3A_106 = arith.constant 7 : i32
    %dma_start3A_107 = arith.constant 7 : i32
    %dma_start3A_108 = arith.constant 0 : i32
    %dma_start3A_109 = arith.constant 0 : i32
    %dma_start3A_110 = tpu.memref_slice %arg6[%dma_start3A_106, %dma_start3A_108, %dma_start3A_109] : memref<8x128x32xf32, #tpu.memory_space<vmem>> -> memref<1x128x32xf32, #tpu.memory_space<vmem>>
    %dma_start3A_111 = tpu.memref_squeeze %dma_start3A_110 : memref<1x128x32xf32, #tpu.memory_space<vmem>> -> memref<128x32xf32, #tpu.memory_space<vmem>>
    %dma_start3A_112 = arith.constant 0 : i32
    %dma_start3A_113 = tpu.memref_slice %arg5[%dma_start3A_105, %dma_start3A_112] : memref<226x128xi32, #tpu.memory_space<vmem>> -> memref<1x128xi32, #tpu.memory_space<vmem>>
    %dma_start3A_114 = tpu.memref_squeeze %dma_start3A_113 : memref<1x128xi32, #tpu.memory_space<vmem>> -> memref<128xi32, #tpu.memory_space<vmem>>
    %dma_start3A_115 = arith.constant 0 : i32
    %dma_start3A_116 = arith.constant 0 : i32
    %dma_start3A_117 = tpu.memref_slice %arg3[%dma_start3A_115, %dma_start3A_116] : memref<1000000x32xf32, #tpu.memory_space<hbm>> -> memref<1000000x32xf32, #tpu.memory_space<hbm>>
    %dma_start3A_118 = tpu.memref_slice %arg7[%dma_start3A_107] : memref<8x!tpu.dma_semaphore, #tpu.memory_space<semaphore_mem>> -> memref<1x!tpu.dma_semaphore, #tpu.memory_space<semaphore_mem>>
    %dma_start3A_119 = tpu.memref_squeeze %dma_start3A_118 : memref<1x!tpu.dma_semaphore, #tpu.memory_space<semaphore_mem>> -> memref<!tpu.dma_semaphore, #tpu.memory_space<semaphore_mem>>
    tpu.enqueue_indirect_dma source(%dma_start3A_117 : memref<1000000x32xf32, #tpu.memory_space<hbm>>) target(%dma_start3A_111 : memref<128x32xf32, #tpu.memory_space<vmem>>) offsets(%dma_start3A_114 : memref<128xi32, #tpu.memory_space<vmem>>) semaphore(%dma_start3A_119 : memref<!tpu.dma_semaphore, #tpu.memory_space<semaphore_mem>>)
    %dma_wait3A = arith.constant 0 : i32
    %dma_wait3A_120 = arith.constant 0 : i32
    %dma_wait3A_121 = arith.constant 0 : i32
    %dma_wait3A_122 = arith.constant 0 : i32
    %dma_wait3A_123 = arith.constant 0 : i32
    %dma_wait3A_124 = tpu.memref_slice %arg6[%dma_wait3A_120, %dma_wait3A_122, %dma_wait3A_123] : memref<8x128x32xf32, #tpu.memory_space<vmem>> -> memref<1x128x32xf32, #tpu.memory_space<vmem>>
    %dma_wait3A_125 = tpu.memref_squeeze %dma_wait3A_124 : memref<1x128x32xf32, #tpu.memory_space<vmem>> -> memref<128x32xf32, #tpu.memory_space<vmem>>
    %dma_wait3A_126 = arith.constant 0 : i32
    %dma_wait3A_127 = tpu.memref_slice %arg5[%dma_wait3A, %dma_wait3A_126] : memref<226x128xi32, #tpu.memory_space<vmem>> -> memref<1x128xi32, #tpu.memory_space<vmem>>
    %dma_wait3A_128 = tpu.memref_squeeze %dma_wait3A_127 : memref<1x128xi32, #tpu.memory_space<vmem>> -> memref<128xi32, #tpu.memory_space<vmem>>
    %dma_wait3A_129 = arith.constant 0 : i32
    %dma_wait3A_130 = arith.constant 0 : i32
    %dma_wait3A_131 = tpu.memref_slice %arg3[%dma_wait3A_129, %dma_wait3A_130] : memref<1000000x32xf32, #tpu.memory_space<hbm>> -> memref<1000000x32xf32, #tpu.memory_space<hbm>>
    %dma_wait3A_132 = tpu.memref_slice %arg7[%dma_wait3A_121] : memref<8x!tpu.dma_semaphore, #tpu.memory_space<semaphore_mem>> -> memref<1x!tpu.dma_semaphore, #tpu.memory_space<semaphore_mem>>
    %dma_wait3A_133 = tpu.memref_squeeze %dma_wait3A_132 : memref<1x!tpu.dma_semaphore, #tpu.memory_space<semaphore_mem>> -> memref<!tpu.dma_semaphore, #tpu.memory_space<semaphore_mem>>
    tpu.wait_indirect_dma semaphore(%dma_wait3A_133 : memref<!tpu.dma_semaphore, #tpu.memory_space<semaphore_mem>>) src(%dma_wait3A_131 : memref<1000000x32xf32, #tpu.memory_space<hbm>>) dst(%dma_wait3A_125 : memref<128x32xf32, #tpu.memory_space<vmem>>)
    %dma_start3A_134 = arith.constant 0 : i32
    %dma_start3A_135 = arith.constant 0 : i32
    %dma_start3A_136 = arith.constant 0 : i32
    %dma_start3A_137 = arith.constant 0 : i32
    %dma_start3A_138 = arith.constant 0 : i32
    %dma_start3A_139 = tpu.memref_slice %arg6[%dma_start3A_134, %dma_start3A_137, %dma_start3A_138] : memref<8x128x32xf32, #tpu.memory_space<vmem>> -> memref<1x128x32xf32, #tpu.memory_space<vmem>>
    %dma_start3A_140 = tpu.memref_squeeze %dma_start3A_139 : memref<1x128x32xf32, #tpu.memory_space<vmem>> -> memref<128x32xf32, #tpu.memory_space<vmem>>
    %dma_start3A_141 = arith.constant 0 : i32
    %dma_start3A_142 = arith.constant 0 : i32
    %dma_start3A_143 = tpu.memref_slice %arg4[%add3A, %dma_start3A_135, %dma_start3A_141, %dma_start3A_142] : memref<32x226x128x32xf32, #tpu.memory_space<hbm>> -> memref<1x1x128x32xf32, #tpu.memory_space<hbm>>
    %dma_start3A_144 = tpu.memref_squeeze %dma_start3A_143 : memref<1x1x128x32xf32, #tpu.memory_space<hbm>> -> memref<128x32xf32, #tpu.memory_space<hbm>>
    %dma_start3A_145 = tpu.memref_slice %arg8[%dma_start3A_136] : memref<8x!tpu.dma_semaphore, #tpu.memory_space<semaphore_mem>> -> memref<1x!tpu.dma_semaphore, #tpu.memory_space<semaphore_mem>>
    %dma_start3A_146 = tpu.memref_squeeze %dma_start3A_145 : memref<1x!tpu.dma_semaphore, #tpu.memory_space<semaphore_mem>> -> memref<!tpu.dma_semaphore, #tpu.memory_space<semaphore_mem>>
    %dma_start3A_147 = arith.constant 0 : i32
    %dma_start3A_148 = arith.constant 0 : i32
    %dma_start3A_149 = tpu.memref_slice %arg4[%add3A, %dma_start3A_135, %dma_start3A_147, %dma_start3A_148] : memref<32x226x128x32xf32, #tpu.memory_space<hbm>> -> memref<1x1x128x32xf32, #tpu.memory_space<hbm>>
    %dma_start3A_150 = tpu.memref_squeeze %dma_start3A_149 : memref<1x1x128x32xf32, #tpu.memory_space<hbm>> -> memref<128x32xf32, #tpu.memory_space<hbm>>
    %dma_start3A_151 = arith.constant 0 : i32
    %dma_start3A_152 = arith.constant 0 : i32
    %dma_start3A_153 = tpu.memref_slice %arg6[%dma_start3A_134, %dma_start3A_151, %dma_start3A_152] : memref<8x128x32xf32, #tpu.memory_space<vmem>> -> memref<1x128x32xf32, #tpu.memory_space<vmem>>
    %dma_start3A_154 = tpu.memref_squeeze %dma_start3A_153 : memref<1x128x32xf32, #tpu.memory_space<vmem>> -> memref<128x32xf32, #tpu.memory_space<vmem>>
    tpu.enqueue_dma source(%dma_start3A_154 : memref<128x32xf32, #tpu.memory_space<vmem>>) target(%dma_start3A_150 : memref<128x32xf32, #tpu.memory_space<hbm>>) target_semaphore(%dma_start3A_146 : memref<!tpu.dma_semaphore, #tpu.memory_space<semaphore_mem>>)
    %dma_wait3A_155 = arith.constant 1 : i32
    %dma_wait3A_156 = arith.constant 1 : i32
    %dma_wait3A_157 = arith.constant 1 : i32
    %dma_wait3A_158 = arith.constant 0 : i32
    %dma_wait3A_159 = arith.constant 0 : i32
    %dma_wait3A_160 = tpu.memref_slice %arg6[%dma_wait3A_156, %dma_wait3A_158, %dma_wait3A_159] : memref<8x128x32xf32, #tpu.memory_space<vmem>> -> memref<1x128x32xf32, #tpu.memory_space<vmem>>
    %dma_wait3A_161 = tpu.memref_squeeze %dma_wait3A_160 : memref<1x128x32xf32, #tpu.memory_space<vmem>> -> memref<128x32xf32, #tpu.memory_space<vmem>>
    %dma_wait3A_162 = arith.constant 0 : i32
    %dma_wait3A_163 = tpu.memref_slice %arg5[%dma_wait3A_155, %dma_wait3A_162] : memref<226x128xi32, #tpu.memory_space<vmem>> -> memref<1x128xi32, #tpu.memory_space<vmem>>
    %dma_wait3A_164 = tpu.memref_squeeze %dma_wait3A_163 : memref<1x128xi32, #tpu.memory_space<vmem>> -> memref<128xi32, #tpu.memory_space<vmem>>
    %dma_wait3A_165 = arith.constant 0 : i32
    %dma_wait3A_166 = arith.constant 0 : i32
    %dma_wait3A_167 = tpu.memref_slice %arg3[%dma_wait3A_165, %dma_wait3A_166] : memref<1000000x32xf32, #tpu.memory_space<hbm>> -> memref<1000000x32xf32, #tpu.memory_space<hbm>>
    %dma_wait3A_168 = tpu.memref_slice %arg7[%dma_wait3A_157] : memref<8x!tpu.dma_semaphore, #tpu.memory_space<semaphore_mem>> -> memref<1x!tpu.dma_semaphore, #tpu.memory_space<semaphore_mem>>
    %dma_wait3A_169 = tpu.memref_squeeze %dma_wait3A_168 : memref<1x!tpu.dma_semaphore, #tpu.memory_space<semaphore_mem>> -> memref<!tpu.dma_semaphore, #tpu.memory_space<semaphore_mem>>
    tpu.wait_indirect_dma semaphore(%dma_wait3A_169 : memref<!tpu.dma_semaphore, #tpu.memory_space<semaphore_mem>>) src(%dma_wait3A_167 : memref<1000000x32xf32, #tpu.memory_space<hbm>>) dst(%dma_wait3A_161 : memref<128x32xf32, #tpu.memory_space<vmem>>)
    %dma_start3A_170 = arith.constant 1 : i32
    %dma_start3A_171 = arith.constant 1 : i32
    %dma_start3A_172 = arith.constant 1 : i32
    %dma_start3A_173 = arith.constant 0 : i32
    %dma_start3A_174 = arith.constant 0 : i32
    %dma_start3A_175 = tpu.memref_slice %arg6[%dma_start3A_170, %dma_start3A_173, %dma_start3A_174] : memref<8x128x32xf32, #tpu.memory_space<vmem>> -> memref<1x128x32xf32, #tpu.memory_space<vmem>>
    %dma_start3A_176 = tpu.memref_squeeze %dma_start3A_175 : memref<1x128x32xf32, #tpu.memory_space<vmem>> -> memref<128x32xf32, #tpu.memory_space<vmem>>
    %dma_start3A_177 = arith.constant 0 : i32
    %dma_start3A_178 = arith.constant 0 : i32
    %dma_start3A_179 = tpu.memref_slice %arg4[%add3A, %dma_start3A_171, %dma_start3A_177, %dma_start3A_178] : memref<32x226x128x32xf32, #tpu.memory_space<hbm>> -> memref<1x1x128x32xf32, #tpu.memory_space<hbm>>
    %dma_start3A_180 = tpu.memref_squeeze %dma_start3A_179 : memref<1x1x128x32xf32, #tpu.memory_space<hbm>> -> memref<128x32xf32, #tpu.memory_space<hbm>>
    %dma_start3A_181 = tpu.memref_slice %arg8[%dma_start3A_172] : memref<8x!tpu.dma_semaphore, #tpu.memory_space<semaphore_mem>> -> memref<1x!tpu.dma_semaphore, #tpu.memory_space<semaphore_mem>>
    %dma_start3A_182 = tpu.memref_squeeze %dma_start3A_181 : memref<1x!tpu.dma_semaphore, #tpu.memory_space<semaphore_mem>> -> memref<!tpu.dma_semaphore, #tpu.memory_space<semaphore_mem>>
    %dma_start3A_183 = arith.constant 0 : i32
    %dma_start3A_184 = arith.constant 0 : i32
    %dma_start3A_185 = tpu.memref_slice %arg4[%add3A, %dma_start3A_171, %dma_start3A_183, %dma_start3A_184] : memref<32x226x128x32xf32, #tpu.memory_space<hbm>> -> memref<1x1x128x32xf32, #tpu.memory_space<hbm>>
    %dma_start3A_186 = tpu.memref_squeeze %dma_start3A_185 : memref<1x1x128x32xf32, #tpu.memory_space<hbm>> -> memref<128x32xf32, #tpu.memory_space<hbm>>
    %dma_start3A_187 = arith.constant 0 : i32
    %dma_start3A_188 = arith.constant 0 : i32
    %dma_start3A_189 = tpu.memref_slice %arg6[%dma_start3A_170, %dma_start3A_187, %dma_start3A_188] : memref<8x128x32xf32, #tpu.memory_space<vmem>> -> memref<1x128x32xf32, #tpu.memory_space<vmem>>
    %dma_start3A_190 = tpu.memref_squeeze %dma_start3A_189 : memref<1x128x32xf32, #tpu.memory_space<vmem>> -> memref<128x32xf32, #tpu.memory_space<vmem>>
    tpu.enqueue_dma source(%dma_start3A_190 : memref<128x32xf32, #tpu.memory_space<vmem>>) target(%dma_start3A_186 : memref<128x32xf32, #tpu.memory_space<hbm>>) target_semaphore(%dma_start3A_182 : memref<!tpu.dma_semaphore, #tpu.memory_space<semaphore_mem>>)
    %dma_wait3A_191 = arith.constant 2 : i32
    %dma_wait3A_192 = arith.constant 2 : i32
    %dma_wait3A_193 = arith.constant 2 : i32
    %dma_wait3A_194 = arith.constant 0 : i32
    %dma_wait3A_195 = arith.constant 0 : i32
    %dma_wait3A_196 = tpu.memref_slice %arg6[%dma_wait3A_192, %dma_wait3A_194, %dma_wait3A_195] : memref<8x128x32xf32, #tpu.memory_space<vmem>> -> memref<1x128x32xf32, #tpu.memory_space<vmem>>
    %dma_wait3A_197 = tpu.memref_squeeze %dma_wait3A_196 : memref<1x128x32xf32, #tpu.memory_space<vmem>> -> memref<128x32xf32, #tpu.memory_space<vmem>>
    %dma_wait3A_198 = arith.constant 0 : i32
    %dma_wait3A_199 = tpu.memref_slice %arg5[%dma_wait3A_191, %dma_wait3A_198] : memref<226x128xi32, #tpu.memory_space<vmem>> -> memref<1x128xi32, #tpu.memory_space<vmem>>
    %dma_wait3A_200 = tpu.memref_squeeze %dma_wait3A_199 : memref<1x128xi32, #tpu.memory_space<vmem>> -> memref<128xi32, #tpu.memory_space<vmem>>
    %dma_wait3A_201 = arith.constant 0 : i32
    %dma_wait3A_202 = arith.constant 0 : i32
    %dma_wait3A_203 = tpu.memref_slice %arg3[%dma_wait3A_201, %dma_wait3A_202] : memref<1000000x32xf32, #tpu.memory_space<hbm>> -> memref<1000000x32xf32, #tpu.memory_space<hbm>>
    %dma_wait3A_204 = tpu.memref_slice %arg7[%dma_wait3A_193] : memref<8x!tpu.dma_semaphore, #tpu.memory_space<semaphore_mem>> -> memref<1x!tpu.dma_semaphore, #tpu.memory_space<semaphore_mem>>
    %dma_wait3A_205 = tpu.memref_squeeze %dma_wait3A_204 : memref<1x!tpu.dma_semaphore, #tpu.memory_space<semaphore_mem>> -> memref<!tpu.dma_semaphore, #tpu.memory_space<semaphore_mem>>
    tpu.wait_indirect_dma semaphore(%dma_wait3A_205 : memref<!tpu.dma_semaphore, #tpu.memory_space<semaphore_mem>>) src(%dma_wait3A_203 : memref<1000000x32xf32, #tpu.memory_space<hbm>>) dst(%dma_wait3A_197 : memref<128x32xf32, #tpu.memory_space<vmem>>)
    %dma_start3A_206 = arith.constant 2 : i32
    %dma_start3A_207 = arith.constant 2 : i32
    %dma_start3A_208 = arith.constant 2 : i32
    %dma_start3A_209 = arith.constant 0 : i32
    %dma_start3A_210 = arith.constant 0 : i32
    %dma_start3A_211 = tpu.memref_slice %arg6[%dma_start3A_206, %dma_start3A_209, %dma_start3A_210] : memref<8x128x32xf32, #tpu.memory_space<vmem>> -> memref<1x128x32xf32, #tpu.memory_space<vmem>>
    %dma_start3A_212 = tpu.memref_squeeze %dma_start3A_211 : memref<1x128x32xf32, #tpu.memory_space<vmem>> -> memref<128x32xf32, #tpu.memory_space<vmem>>
    %dma_start3A_213 = arith.constant 0 : i32
    %dma_start3A_214 = arith.constant 0 : i32
    %dma_start3A_215 = tpu.memref_slice %arg4[%add3A, %dma_start3A_207, %dma_start3A_213, %dma_start3A_214] : memref<32x226x128x32xf32, #tpu.memory_space<hbm>> -> memref<1x1x128x32xf32, #tpu.memory_space<hbm>>
    %dma_start3A_216 = tpu.memref_squeeze %dma_start3A_215 : memref<1x1x128x32xf32, #tpu.memory_space<hbm>> -> memref<128x32xf32, #tpu.memory_space<hbm>>
    %dma_start3A_217 = tpu.memref_slice %arg8[%dma_start3A_208] : memref<8x!tpu.dma_semaphore, #tpu.memory_space<semaphore_mem>> -> memref<1x!tpu.dma_semaphore, #tpu.memory_space<semaphore_mem>>
    %dma_start3A_218 = tpu.memref_squeeze %dma_start3A_217 : memref<1x!tpu.dma_semaphore, #tpu.memory_space<semaphore_mem>> -> memref<!tpu.dma_semaphore, #tpu.memory_space<semaphore_mem>>
    %dma_start3A_219 = arith.constant 0 : i32
    %dma_start3A_220 = arith.constant 0 : i32
    %dma_start3A_221 = tpu.memref_slice %arg4[%add3A, %dma_start3A_207, %dma_start3A_219, %dma_start3A_220] : memref<32x226x128x32xf32, #tpu.memory_space<hbm>> -> memref<1x1x128x32xf32, #tpu.memory_space<hbm>>
    %dma_start3A_222 = tpu.memref_squeeze %dma_start3A_221 : memref<1x1x128x32xf32, #tpu.memory_space<hbm>> -> memref<128x32xf32, #tpu.memory_space<hbm>>
    %dma_start3A_223 = arith.constant 0 : i32
    %dma_start3A_224 = arith.constant 0 : i32
    %dma_start3A_225 = tpu.memref_slice %arg6[%dma_start3A_206, %dma_start3A_223, %dma_start3A_224] : memref<8x128x32xf32, #tpu.memory_space<vmem>> -> memref<1x128x32xf32, #tpu.memory_space<vmem>>
    %dma_start3A_226 = tpu.memref_squeeze %dma_start3A_225 : memref<1x128x32xf32, #tpu.memory_space<vmem>> -> memref<128x32xf32, #tpu.memory_space<vmem>>
    tpu.enqueue_dma source(%dma_start3A_226 : memref<128x32xf32, #tpu.memory_space<vmem>>) target(%dma_start3A_222 : memref<128x32xf32, #tpu.memory_space<hbm>>) target_semaphore(%dma_start3A_218 : memref<!tpu.dma_semaphore, #tpu.memory_space<semaphore_mem>>)
    %dma_wait3A_227 = arith.constant 3 : i32
    %dma_wait3A_228 = arith.constant 3 : i32
    %dma_wait3A_229 = arith.constant 3 : i32
    %dma_wait3A_230 = arith.constant 0 : i32
    %dma_wait3A_231 = arith.constant 0 : i32
    %dma_wait3A_232 = tpu.memref_slice %arg6[%dma_wait3A_228, %dma_wait3A_230, %dma_wait3A_231] : memref<8x128x32xf32, #tpu.memory_space<vmem>> -> memref<1x128x32xf32, #tpu.memory_space<vmem>>
    %dma_wait3A_233 = tpu.memref_squeeze %dma_wait3A_232 : memref<1x128x32xf32, #tpu.memory_space<vmem>> -> memref<128x32xf32, #tpu.memory_space<vmem>>
    %dma_wait3A_234 = arith.constant 0 : i32
    %dma_wait3A_235 = tpu.memref_slice %arg5[%dma_wait3A_227, %dma_wait3A_234] : memref<226x128xi32, #tpu.memory_space<vmem>> -> memref<1x128xi32, #tpu.memory_space<vmem>>
    %dma_wait3A_236 = tpu.memref_squeeze %dma_wait3A_235 : memref<1x128xi32, #tpu.memory_space<vmem>> -> memref<128xi32, #tpu.memory_space<vmem>>
    %dma_wait3A_237 = arith.constant 0 : i32
    %dma_wait3A_238 = arith.constant 0 : i32
    %dma_wait3A_239 = tpu.memref_slice %arg3[%dma_wait3A_237, %dma_wait3A_238] : memref<1000000x32xf32, #tpu.memory_space<hbm>> -> memref<1000000x32xf32, #tpu.memory_space<hbm>>
    %dma_wait3A_240 = tpu.memref_slice %arg7[%dma_wait3A_229] : memref<8x!tpu.dma_semaphore, #tpu.memory_space<semaphore_mem>> -> memref<1x!tpu.dma_semaphore, #tpu.memory_space<semaphore_mem>>
    %dma_wait3A_241 = tpu.memref_squeeze %dma_wait3A_240 : memref<1x!tpu.dma_semaphore, #tpu.memory_space<semaphore_mem>> -> memref<!tpu.dma_semaphore, #tpu.memory_space<semaphore_mem>>
    tpu.wait_indirect_dma semaphore(%dma_wait3A_241 : memref<!tpu.dma_semaphore, #tpu.memory_space<semaphore_mem>>) src(%dma_wait3A_239 : memref<1000000x32xf32, #tpu.memory_space<hbm>>) dst(%dma_wait3A_233 : memref<128x32xf32, #tpu.memory_space<vmem>>)
    %dma_start3A_242 = arith.constant 3 : i32
    %dma_start3A_243 = arith.constant 3 : i32
    %dma_start3A_244 = arith.constant 3 : i32
    %dma_start3A_245 = arith.constant 0 : i32
    %dma_start3A_246 = arith.constant 0 : i32
    %dma_start3A_247 = tpu.memref_slice %arg6[%dma_start3A_242, %dma_start3A_245, %dma_start3A_246] : memref<8x128x32xf32, #tpu.memory_space<vmem>> -> memref<1x128x32xf32, #tpu.memory_space<vmem>>
    %dma_start3A_248 = tpu.memref_squeeze %dma_start3A_247 : memref<1x128x32xf32, #tpu.memory_space<vmem>> -> memref<128x32xf32, #tpu.memory_space<vmem>>
    %dma_start3A_249 = arith.constant 0 : i32
    %dma_start3A_250 = arith.constant 0 : i32
    %dma_start3A_251 = tpu.memref_slice %arg4[%add3A, %dma_start3A_243, %dma_start3A_249, %dma_start3A_250] : memref<32x226x128x32xf32, #tpu.memory_space<hbm>> -> memref<1x1x128x32xf32, #tpu.memory_space<hbm>>
    %dma_start3A_252 = tpu.memref_squeeze %dma_start3A_251 : memref<1x1x128x32xf32, #tpu.memory_space<hbm>> -> memref<128x32xf32, #tpu.memory_space<hbm>>
    %dma_start3A_253 = tpu.memref_slice %arg8[%dma_start3A_244] : memref<8x!tpu.dma_semaphore, #tpu.memory_space<semaphore_mem>> -> memref<1x!tpu.dma_semaphore, #tpu.memory_space<semaphore_mem>>
    %dma_start3A_254 = tpu.memref_squeeze %dma_start3A_253 : memref<1x!tpu.dma_semaphore, #tpu.memory_space<semaphore_mem>> -> memref<!tpu.dma_semaphore, #tpu.memory_space<semaphore_mem>>
    %dma_start3A_255 = arith.constant 0 : i32
    %dma_start3A_256 = arith.constant 0 : i32
    %dma_start3A_257 = tpu.memref_slice %arg4[%add3A, %dma_start3A_243, %dma_start3A_255, %dma_start3A_256] : memref<32x226x128x32xf32, #tpu.memory_space<hbm>> -> memref<1x1x128x32xf32, #tpu.memory_space<hbm>>
    %dma_start3A_258 = tpu.memref_squeeze %dma_start3A_257 : memref<1x1x128x32xf32, #tpu.memory_space<hbm>> -> memref<128x32xf32, #tpu.memory_space<hbm>>
    %dma_start3A_259 = arith.constant 0 : i32
    %dma_start3A_260 = arith.constant 0 : i32
    %dma_start3A_261 = tpu.memref_slice %arg6[%dma_start3A_242, %dma_start3A_259, %dma_start3A_260] : memref<8x128x32xf32, #tpu.memory_space<vmem>> -> memref<1x128x32xf32, #tpu.memory_space<vmem>>
    %dma_start3A_262 = tpu.memref_squeeze %dma_start3A_261 : memref<1x128x32xf32, #tpu.memory_space<vmem>> -> memref<128x32xf32, #tpu.memory_space<vmem>>
    tpu.enqueue_dma source(%dma_start3A_262 : memref<128x32xf32, #tpu.memory_space<vmem>>) target(%dma_start3A_258 : memref<128x32xf32, #tpu.memory_space<hbm>>) target_semaphore(%dma_start3A_254 : memref<!tpu.dma_semaphore, #tpu.memory_space<semaphore_mem>>)
    %dma_wait3A_263 = arith.constant 4 : i32
    %dma_wait3A_264 = arith.constant 4 : i32
    %dma_wait3A_265 = arith.constant 4 : i32
    %dma_wait3A_266 = arith.constant 0 : i32
    %dma_wait3A_267 = arith.constant 0 : i32
    %dma_wait3A_268 = tpu.memref_slice %arg6[%dma_wait3A_264, %dma_wait3A_266, %dma_wait3A_267] : memref<8x128x32xf32, #tpu.memory_space<vmem>> -> memref<1x128x32xf32, #tpu.memory_space<vmem>>
    %dma_wait3A_269 = tpu.memref_squeeze %dma_wait3A_268 : memref<1x128x32xf32, #tpu.memory_space<vmem>> -> memref<128x32xf32, #tpu.memory_space<vmem>>
    %dma_wait3A_270 = arith.constant 0 : i32
    %dma_wait3A_271 = tpu.memref_slice %arg5[%dma_wait3A_263, %dma_wait3A_270] : memref<226x128xi32, #tpu.memory_space<vmem>> -> memref<1x128xi32, #tpu.memory_space<vmem>>
    %dma_wait3A_272 = tpu.memref_squeeze %dma_wait3A_271 : memref<1x128xi32, #tpu.memory_space<vmem>> -> memref<128xi32, #tpu.memory_space<vmem>>
    %dma_wait3A_273 = arith.constant 0 : i32
    %dma_wait3A_274 = arith.constant 0 : i32
    %dma_wait3A_275 = tpu.memref_slice %arg3[%dma_wait3A_273, %dma_wait3A_274] : memref<1000000x32xf32, #tpu.memory_space<hbm>> -> memref<1000000x32xf32, #tpu.memory_space<hbm>>
    %dma_wait3A_276 = tpu.memref_slice %arg7[%dma_wait3A_265] : memref<8x!tpu.dma_semaphore, #tpu.memory_space<semaphore_mem>> -> memref<1x!tpu.dma_semaphore, #tpu.memory_space<semaphore_mem>>
    %dma_wait3A_277 = tpu.memref_squeeze %dma_wait3A_276 : memref<1x!tpu.dma_semaphore, #tpu.memory_space<semaphore_mem>> -> memref<!tpu.dma_semaphore, #tpu.memory_space<semaphore_mem>>
    tpu.wait_indirect_dma semaphore(%dma_wait3A_277 : memref<!tpu.dma_semaphore, #tpu.memory_space<semaphore_mem>>) src(%dma_wait3A_275 : memref<1000000x32xf32, #tpu.memory_space<hbm>>) dst(%dma_wait3A_269 : memref<128x32xf32, #tpu.memory_space<vmem>>)
    %dma_start3A_278 = arith.constant 4 : i32
    %dma_start3A_279 = arith.constant 4 : i32
    %dma_start3A_280 = arith.constant 4 : i32
    %dma_start3A_281 = arith.constant 0 : i32
    %dma_start3A_282 = arith.constant 0 : i32
    %dma_start3A_283 = tpu.memref_slice %arg6[%dma_start3A_278, %dma_start3A_281, %dma_start3A_282] : memref<8x128x32xf32, #tpu.memory_space<vmem>> -> memref<1x128x32xf32, #tpu.memory_space<vmem>>
    %dma_start3A_284 = tpu.memref_squeeze %dma_start3A_283 : memref<1x128x32xf32, #tpu.memory_space<vmem>> -> memref<128x32xf32, #tpu.memory_space<vmem>>
    %dma_start3A_285 = arith.constant 0 : i32
    %dma_start3A_286 = arith.constant 0 : i32
    %dma_start3A_287 = tpu.memref_slice %arg4[%add3A, %dma_start3A_279, %dma_start3A_285, %dma_start3A_286] : memref<32x226x128x32xf32, #tpu.memory_space<hbm>> -> memref<1x1x128x32xf32, #tpu.memory_space<hbm>>
    %dma_start3A_288 = tpu.memref_squeeze %dma_start3A_287 : memref<1x1x128x32xf32, #tpu.memory_space<hbm>> -> memref<128x32xf32, #tpu.memory_space<hbm>>
    %dma_start3A_289 = tpu.memref_slice %arg8[%dma_start3A_280] : memref<8x!tpu.dma_semaphore, #tpu.memory_space<semaphore_mem>> -> memref<1x!tpu.dma_semaphore, #tpu.memory_space<semaphore_mem>>
    %dma_start3A_290 = tpu.memref_squeeze %dma_start3A_289 : memref<1x!tpu.dma_semaphore, #tpu.memory_space<semaphore_mem>> -> memref<!tpu.dma_semaphore, #tpu.memory_space<semaphore_mem>>
    %dma_start3A_291 = arith.constant 0 : i32
    %dma_start3A_292 = arith.constant 0 : i32
    %dma_start3A_293 = tpu.memref_slice %arg4[%add3A, %dma_start3A_279, %dma_start3A_291, %dma_start3A_292] : memref<32x226x128x32xf32, #tpu.memory_space<hbm>> -> memref<1x1x128x32xf32, #tpu.memory_space<hbm>>
    %dma_start3A_294 = tpu.memref_squeeze %dma_start3A_293 : memref<1x1x128x32xf32, #tpu.memory_space<hbm>> -> memref<128x32xf32, #tpu.memory_space<hbm>>
    %dma_start3A_295 = arith.constant 0 : i32
    %dma_start3A_296 = arith.constant 0 : i32
    %dma_start3A_297 = tpu.memref_slice %arg6[%dma_start3A_278, %dma_start3A_295, %dma_start3A_296] : memref<8x128x32xf32, #tpu.memory_space<vmem>> -> memref<1x128x32xf32, #tpu.memory_space<vmem>>
    %dma_start3A_298 = tpu.memref_squeeze %dma_start3A_297 : memref<1x128x32xf32, #tpu.memory_space<vmem>> -> memref<128x32xf32, #tpu.memory_space<vmem>>
    tpu.enqueue_dma source(%dma_start3A_298 : memref<128x32xf32, #tpu.memory_space<vmem>>) target(%dma_start3A_294 : memref<128x32xf32, #tpu.memory_space<hbm>>) target_semaphore(%dma_start3A_290 : memref<!tpu.dma_semaphore, #tpu.memory_space<semaphore_mem>>)
    %dma_wait3A_299 = arith.constant 5 : i32
    %dma_wait3A_300 = arith.constant 5 : i32
    %dma_wait3A_301 = arith.constant 5 : i32
    %dma_wait3A_302 = arith.constant 0 : i32
    %dma_wait3A_303 = arith.constant 0 : i32
    %dma_wait3A_304 = tpu.memref_slice %arg6[%dma_wait3A_300, %dma_wait3A_302, %dma_wait3A_303] : memref<8x128x32xf32, #tpu.memory_space<vmem>> -> memref<1x128x32xf32, #tpu.memory_space<vmem>>
    %dma_wait3A_305 = tpu.memref_squeeze %dma_wait3A_304 : memref<1x128x32xf32, #tpu.memory_space<vmem>> -> memref<128x32xf32, #tpu.memory_space<vmem>>
    %dma_wait3A_306 = arith.constant 0 : i32
    %dma_wait3A_307 = tpu.memref_slice %arg5[%dma_wait3A_299, %dma_wait3A_306] : memref<226x128xi32, #tpu.memory_space<vmem>> -> memref<1x128xi32, #tpu.memory_space<vmem>>
    %dma_wait3A_308 = tpu.memref_squeeze %dma_wait3A_307 : memref<1x128xi32, #tpu.memory_space<vmem>> -> memref<128xi32, #tpu.memory_space<vmem>>
    %dma_wait3A_309 = arith.constant 0 : i32
    %dma_wait3A_310 = arith.constant 0 : i32
    %dma_wait3A_311 = tpu.memref_slice %arg3[%dma_wait3A_309, %dma_wait3A_310] : memref<1000000x32xf32, #tpu.memory_space<hbm>> -> memref<1000000x32xf32, #tpu.memory_space<hbm>>
    %dma_wait3A_312 = tpu.memref_slice %arg7[%dma_wait3A_301] : memref<8x!tpu.dma_semaphore, #tpu.memory_space<semaphore_mem>> -> memref<1x!tpu.dma_semaphore, #tpu.memory_space<semaphore_mem>>
    %dma_wait3A_313 = tpu.memref_squeeze %dma_wait3A_312 : memref<1x!tpu.dma_semaphore, #tpu.memory_space<semaphore_mem>> -> memref<!tpu.dma_semaphore, #tpu.memory_space<semaphore_mem>>
    tpu.wait_indirect_dma semaphore(%dma_wait3A_313 : memref<!tpu.dma_semaphore, #tpu.memory_space<semaphore_mem>>) src(%dma_wait3A_311 : memref<1000000x32xf32, #tpu.memory_space<hbm>>) dst(%dma_wait3A_305 : memref<128x32xf32, #tpu.memory_space<vmem>>)
    %dma_start3A_314 = arith.constant 5 : i32
    %dma_start3A_315 = arith.constant 5 : i32
    %dma_start3A_316 = arith.constant 5 : i32
    %dma_start3A_317 = arith.constant 0 : i32
    %dma_start3A_318 = arith.constant 0 : i32
    %dma_start3A_319 = tpu.memref_slice %arg6[%dma_start3A_314, %dma_start3A_317, %dma_start3A_318] : memref<8x128x32xf32, #tpu.memory_space<vmem>> -> memref<1x128x32xf32, #tpu.memory_space<vmem>>
    %dma_start3A_320 = tpu.memref_squeeze %dma_start3A_319 : memref<1x128x32xf32, #tpu.memory_space<vmem>> -> memref<128x32xf32, #tpu.memory_space<vmem>>
    %dma_start3A_321 = arith.constant 0 : i32
    %dma_start3A_322 = arith.constant 0 : i32
    %dma_start3A_323 = tpu.memref_slice %arg4[%add3A, %dma_start3A_315, %dma_start3A_321, %dma_start3A_322] : memref<32x226x128x32xf32, #tpu.memory_space<hbm>> -> memref<1x1x128x32xf32, #tpu.memory_space<hbm>>
    %dma_start3A_324 = tpu.memref_squeeze %dma_start3A_323 : memref<1x1x128x32xf32, #tpu.memory_space<hbm>> -> memref<128x32xf32, #tpu.memory_space<hbm>>
    %dma_start3A_325 = tpu.memref_slice %arg8[%dma_start3A_316] : memref<8x!tpu.dma_semaphore, #tpu.memory_space<semaphore_mem>> -> memref<1x!tpu.dma_semaphore, #tpu.memory_space<semaphore_mem>>
    %dma_start3A_326 = tpu.memref_squeeze %dma_start3A_325 : memref<1x!tpu.dma_semaphore, #tpu.memory_space<semaphore_mem>> -> memref<!tpu.dma_semaphore, #tpu.memory_space<semaphore_mem>>
    %dma_start3A_327 = arith.constant 0 : i32
    %dma_start3A_328 = arith.constant 0 : i32
    %dma_start3A_329 = tpu.memref_slice %arg4[%add3A, %dma_start3A_315, %dma_start3A_327, %dma_start3A_328] : memref<32x226x128x32xf32, #tpu.memory_space<hbm>> -> memref<1x1x128x32xf32, #tpu.memory_space<hbm>>
    %dma_start3A_330 = tpu.memref_squeeze %dma_start3A_329 : memref<1x1x128x32xf32, #tpu.memory_space<hbm>> -> memref<128x32xf32, #tpu.memory_space<hbm>>
    %dma_start3A_331 = arith.constant 0 : i32
    %dma_start3A_332 = arith.constant 0 : i32
    %dma_start3A_333 = tpu.memref_slice %arg6[%dma_start3A_314, %dma_start3A_331, %dma_start3A_332] : memref<8x128x32xf32, #tpu.memory_space<vmem>> -> memref<1x128x32xf32, #tpu.memory_space<vmem>>
    %dma_start3A_334 = tpu.memref_squeeze %dma_start3A_333 : memref<1x128x32xf32, #tpu.memory_space<vmem>> -> memref<128x32xf32, #tpu.memory_space<vmem>>
    tpu.enqueue_dma source(%dma_start3A_334 : memref<128x32xf32, #tpu.memory_space<vmem>>) target(%dma_start3A_330 : memref<128x32xf32, #tpu.memory_space<hbm>>) target_semaphore(%dma_start3A_326 : memref<!tpu.dma_semaphore, #tpu.memory_space<semaphore_mem>>)
    %dma_wait3A_335 = arith.constant 6 : i32
    %dma_wait3A_336 = arith.constant 6 : i32
    %dma_wait3A_337 = arith.constant 6 : i32
    %dma_wait3A_338 = arith.constant 0 : i32
    %dma_wait3A_339 = arith.constant 0 : i32
    %dma_wait3A_340 = tpu.memref_slice %arg6[%dma_wait3A_336, %dma_wait3A_338, %dma_wait3A_339] : memref<8x128x32xf32, #tpu.memory_space<vmem>> -> memref<1x128x32xf32, #tpu.memory_space<vmem>>
    %dma_wait3A_341 = tpu.memref_squeeze %dma_wait3A_340 : memref<1x128x32xf32, #tpu.memory_space<vmem>> -> memref<128x32xf32, #tpu.memory_space<vmem>>
    %dma_wait3A_342 = arith.constant 0 : i32
    %dma_wait3A_343 = tpu.memref_slice %arg5[%dma_wait3A_335, %dma_wait3A_342] : memref<226x128xi32, #tpu.memory_space<vmem>> -> memref<1x128xi32, #tpu.memory_space<vmem>>
    %dma_wait3A_344 = tpu.memref_squeeze %dma_wait3A_343 : memref<1x128xi32, #tpu.memory_space<vmem>> -> memref<128xi32, #tpu.memory_space<vmem>>
    %dma_wait3A_345 = arith.constant 0 : i32
    %dma_wait3A_346 = arith.constant 0 : i32
    %dma_wait3A_347 = tpu.memref_slice %arg3[%dma_wait3A_345, %dma_wait3A_346] : memref<1000000x32xf32, #tpu.memory_space<hbm>> -> memref<1000000x32xf32, #tpu.memory_space<hbm>>
    %dma_wait3A_348 = tpu.memref_slice %arg7[%dma_wait3A_337] : memref<8x!tpu.dma_semaphore, #tpu.memory_space<semaphore_mem>> -> memref<1x!tpu.dma_semaphore, #tpu.memory_space<semaphore_mem>>
    %dma_wait3A_349 = tpu.memref_squeeze %dma_wait3A_348 : memref<1x!tpu.dma_semaphore, #tpu.memory_space<semaphore_mem>> -> memref<!tpu.dma_semaphore, #tpu.memory_space<semaphore_mem>>
    tpu.wait_indirect_dma semaphore(%dma_wait3A_349 : memref<!tpu.dma_semaphore, #tpu.memory_space<semaphore_mem>>) src(%dma_wait3A_347 : memref<1000000x32xf32, #tpu.memory_space<hbm>>) dst(%dma_wait3A_341 : memref<128x32xf32, #tpu.memory_space<vmem>>)
    %dma_start3A_350 = arith.constant 6 : i32
    %dma_start3A_351 = arith.constant 6 : i32
    %dma_start3A_352 = arith.constant 6 : i32
    %dma_start3A_353 = arith.constant 0 : i32
    %dma_start3A_354 = arith.constant 0 : i32
    %dma_start3A_355 = tpu.memref_slice %arg6[%dma_start3A_350, %dma_start3A_353, %dma_start3A_354] : memref<8x128x32xf32, #tpu.memory_space<vmem>> -> memref<1x128x32xf32, #tpu.memory_space<vmem>>
    %dma_start3A_356 = tpu.memref_squeeze %dma_start3A_355 : memref<1x128x32xf32, #tpu.memory_space<vmem>> -> memref<128x32xf32, #tpu.memory_space<vmem>>
    %dma_start3A_357 = arith.constant 0 : i32
    %dma_start3A_358 = arith.constant 0 : i32
    %dma_start3A_359 = tpu.memref_slice %arg4[%add3A, %dma_start3A_351, %dma_start3A_357, %dma_start3A_358] : memref<32x226x128x32xf32, #tpu.memory_space<hbm>> -> memref<1x1x128x32xf32, #tpu.memory_space<hbm>>
    %dma_start3A_360 = tpu.memref_squeeze %dma_start3A_359 : memref<1x1x128x32xf32, #tpu.memory_space<hbm>> -> memref<128x32xf32, #tpu.memory_space<hbm>>
    %dma_start3A_361 = tpu.memref_slice %arg8[%dma_start3A_352] : memref<8x!tpu.dma_semaphore, #tpu.memory_space<semaphore_mem>> -> memref<1x!tpu.dma_semaphore, #tpu.memory_space<semaphore_mem>>
    %dma_start3A_362 = tpu.memref_squeeze %dma_start3A_361 : memref<1x!tpu.dma_semaphore, #tpu.memory_space<semaphore_mem>> -> memref<!tpu.dma_semaphore, #tpu.memory_space<semaphore_mem>>
    %dma_start3A_363 = arith.constant 0 : i32
    %dma_start3A_364 = arith.constant 0 : i32
    %dma_start3A_365 = tpu.memref_slice %arg4[%add3A, %dma_start3A_351, %dma_start3A_363, %dma_start3A_364] : memref<32x226x128x32xf32, #tpu.memory_space<hbm>> -> memref<1x1x128x32xf32, #tpu.memory_space<hbm>>
    %dma_start3A_366 = tpu.memref_squeeze %dma_start3A_365 : memref<1x1x128x32xf32, #tpu.memory_space<hbm>> -> memref<128x32xf32, #tpu.memory_space<hbm>>
    %dma_start3A_367 = arith.constant 0 : i32
    %dma_start3A_368 = arith.constant 0 : i32
    %dma_start3A_369 = tpu.memref_slice %arg6[%dma_start3A_350, %dma_start3A_367, %dma_start3A_368] : memref<8x128x32xf32, #tpu.memory_space<vmem>> -> memref<1x128x32xf32, #tpu.memory_space<vmem>>
    %dma_start3A_370 = tpu.memref_squeeze %dma_start3A_369 : memref<1x128x32xf32, #tpu.memory_space<vmem>> -> memref<128x32xf32, #tpu.memory_space<vmem>>
    tpu.enqueue_dma source(%dma_start3A_370 : memref<128x32xf32, #tpu.memory_space<vmem>>) target(%dma_start3A_366 : memref<128x32xf32, #tpu.memory_space<hbm>>) target_semaphore(%dma_start3A_362 : memref<!tpu.dma_semaphore, #tpu.memory_space<semaphore_mem>>)
    %dma_wait3A_371 = arith.constant 7 : i32
    %dma_wait3A_372 = arith.constant 7 : i32
    %dma_wait3A_373 = arith.constant 7 : i32
    %dma_wait3A_374 = arith.constant 0 : i32
    %dma_wait3A_375 = arith.constant 0 : i32
    %dma_wait3A_376 = tpu.memref_slice %arg6[%dma_wait3A_372, %dma_wait3A_374, %dma_wait3A_375] : memref<8x128x32xf32, #tpu.memory_space<vmem>> -> memref<1x128x32xf32, #tpu.memory_space<vmem>>
    %dma_wait3A_377 = tpu.memref_squeeze %dma_wait3A_376 : memref<1x128x32xf32, #tpu.memory_space<vmem>> -> memref<128x32xf32, #tpu.memory_space<vmem>>
    %dma_wait3A_378 = arith.constant 0 : i32
    %dma_wait3A_379 = tpu.memref_slice %arg5[%dma_wait3A_371, %dma_wait3A_378] : memref<226x128xi32, #tpu.memory_space<vmem>> -> memref<1x128xi32, #tpu.memory_space<vmem>>
    %dma_wait3A_380 = tpu.memref_squeeze %dma_wait3A_379 : memref<1x128xi32, #tpu.memory_space<vmem>> -> memref<128xi32, #tpu.memory_space<vmem>>
    %dma_wait3A_381 = arith.constant 0 : i32
    %dma_wait3A_382 = arith.constant 0 : i32
    %dma_wait3A_383 = tpu.memref_slice %arg3[%dma_wait3A_381, %dma_wait3A_382] : memref<1000000x32xf32, #tpu.memory_space<hbm>> -> memref<1000000x32xf32, #tpu.memory_space<hbm>>
    %dma_wait3A_384 = tpu.memref_slice %arg7[%dma_wait3A_373] : memref<8x!tpu.dma_semaphore, #tpu.memory_space<semaphore_mem>> -> memref<1x!tpu.dma_semaphore, #tpu.memory_space<semaphore_mem>>
    %dma_wait3A_385 = tpu.memref_squeeze %dma_wait3A_384 : memref<1x!tpu.dma_semaphore, #tpu.memory_space<semaphore_mem>> -> memref<!tpu.dma_semaphore, #tpu.memory_space<semaphore_mem>>
    tpu.wait_indirect_dma semaphore(%dma_wait3A_385 : memref<!tpu.dma_semaphore, #tpu.memory_space<semaphore_mem>>) src(%dma_wait3A_383 : memref<1000000x32xf32, #tpu.memory_space<hbm>>) dst(%dma_wait3A_377 : memref<128x32xf32, #tpu.memory_space<vmem>>)
    %dma_start3A_386 = arith.constant 7 : i32
    %dma_start3A_387 = arith.constant 7 : i32
    %dma_start3A_388 = arith.constant 7 : i32
    %dma_start3A_389 = arith.constant 0 : i32
    %dma_start3A_390 = arith.constant 0 : i32
    %dma_start3A_391 = tpu.memref_slice %arg6[%dma_start3A_386, %dma_start3A_389, %dma_start3A_390] : memref<8x128x32xf32, #tpu.memory_space<vmem>> -> memref<1x128x32xf32, #tpu.memory_space<vmem>>
    %dma_start3A_392 = tpu.memref_squeeze %dma_start3A_391 : memref<1x128x32xf32, #tpu.memory_space<vmem>> -> memref<128x32xf32, #tpu.memory_space<vmem>>
    %dma_start3A_393 = arith.constant 0 : i32
    %dma_start3A_394 = arith.constant 0 : i32
    %dma_start3A_395 = tpu.memref_slice %arg4[%add3A, %dma_start3A_387, %dma_start3A_393, %dma_start3A_394] : memref<32x226x128x32xf32, #tpu.memory_space<hbm>> -> memref<1x1x128x32xf32, #tpu.memory_space<hbm>>
    %dma_start3A_396 = tpu.memref_squeeze %dma_start3A_395 : memref<1x1x128x32xf32, #tpu.memory_space<hbm>> -> memref<128x32xf32, #tpu.memory_space<hbm>>
    %dma_start3A_397 = tpu.memref_slice %arg8[%dma_start3A_388] : memref<8x!tpu.dma_semaphore, #tpu.memory_space<semaphore_mem>> -> memref<1x!tpu.dma_semaphore, #tpu.memory_space<semaphore_mem>>
    %dma_start3A_398 = tpu.memref_squeeze %dma_start3A_397 : memref<1x!tpu.dma_semaphore, #tpu.memory_space<semaphore_mem>> -> memref<!tpu.dma_semaphore, #tpu.memory_space<semaphore_mem>>
    %dma_start3A_399 = arith.constant 0 : i32
    %dma_start3A_400 = arith.constant 0 : i32
    %dma_start3A_401 = tpu.memref_slice %arg4[%add3A, %dma_start3A_387, %dma_start3A_399, %dma_start3A_400] : memref<32x226x128x32xf32, #tpu.memory_space<hbm>> -> memref<1x1x128x32xf32, #tpu.memory_space<hbm>>
    %dma_start3A_402 = tpu.memref_squeeze %dma_start3A_401 : memref<1x1x128x32xf32, #tpu.memory_space<hbm>> -> memref<128x32xf32, #tpu.memory_space<hbm>>
    %dma_start3A_403 = arith.constant 0 : i32
    %dma_start3A_404 = arith.constant 0 : i32
    %dma_start3A_405 = tpu.memref_slice %arg6[%dma_start3A_386, %dma_start3A_403, %dma_start3A_404] : memref<8x128x32xf32, #tpu.memory_space<vmem>> -> memref<1x128x32xf32, #tpu.memory_space<vmem>>
    %dma_start3A_406 = tpu.memref_squeeze %dma_start3A_405 : memref<1x128x32xf32, #tpu.memory_space<vmem>> -> memref<128x32xf32, #tpu.memory_space<vmem>>
    tpu.enqueue_dma source(%dma_start3A_406 : memref<128x32xf32, #tpu.memory_space<vmem>>) target(%dma_start3A_402 : memref<128x32xf32, #tpu.memory_space<hbm>>) target_semaphore(%dma_start3A_398 : memref<!tpu.dma_semaphore, #tpu.memory_space<semaphore_mem>>)
    %scan3A = arith.constant 0 : i32
    %scan3A_407 = arith.constant 1 : i32
    %scan3A_408 = arith.constant 27 : i32
    %scan3A_409 = arith.addi %scan3A_407, %scan3A_408 : i32
    %scan3A_410 = arith.constant 1 : i32
    scf.for %scan3A_724 = %scan3A_407 to %scan3A_409 step %scan3A_410  : i32 {
      %mul3A_725 = arith.constant 8 : i32
      %mul3A_726 = arith.muli %scan3A_724, %mul3A_725 : i32
      %dma_wait3A_727 = arith.constant 0 : i32
      %dma_wait3A_728 = arith.constant 0 : i32
      %dma_wait3A_729 = arith.constant 0 : i32
      %dma_wait3A_730 = arith.constant 0 : i32
      %dma_wait3A_731 = arith.constant 0 : i32
      %dma_wait3A_732 = tpu.memref_slice %arg6[%dma_wait3A_727, %dma_wait3A_730, %dma_wait3A_731] : memref<8x128x32xf32, #tpu.memory_space<vmem>> -> memref<1x128x32xf32, #tpu.memory_space<vmem>>
      %dma_wait3A_733 = tpu.memref_squeeze %dma_wait3A_732 : memref<1x128x32xf32, #tpu.memory_space<vmem>> -> memref<128x32xf32, #tpu.memory_space<vmem>>
      %dma_wait3A_734 = arith.constant 0 : i32
      %dma_wait3A_735 = arith.constant 0 : i32
      %dma_wait3A_736 = tpu.memref_slice %arg4[%add3A, %dma_wait3A_728, %dma_wait3A_734, %dma_wait3A_735] : memref<32x226x128x32xf32, #tpu.memory_space<hbm>> -> memref<1x1x128x32xf32, #tpu.memory_space<hbm>>
      %dma_wait3A_737 = tpu.memref_squeeze %dma_wait3A_736 : memref<1x1x128x32xf32, #tpu.memory_space<hbm>> -> memref<128x32xf32, #tpu.memory_space<hbm>>
      %dma_wait3A_738 = tpu.memref_slice %arg8[%dma_wait3A_729] : memref<8x!tpu.dma_semaphore, #tpu.memory_space<semaphore_mem>> -> memref<1x!tpu.dma_semaphore, #tpu.memory_space<semaphore_mem>>
      %dma_wait3A_739 = tpu.memref_squeeze %dma_wait3A_738 : memref<1x!tpu.dma_semaphore, #tpu.memory_space<semaphore_mem>> -> memref<!tpu.dma_semaphore, #tpu.memory_space<semaphore_mem>>
      %dma_wait3A_740 = arith.constant 0 : i32
      %dma_wait3A_741 = arith.constant 0 : i32
      %dma_wait3A_742 = tpu.memref_slice %arg4[%add3A, %dma_wait3A_728, %dma_wait3A_740, %dma_wait3A_741] : memref<32x226x128x32xf32, #tpu.memory_space<hbm>> -> memref<1x1x128x32xf32, #tpu.memory_space<hbm>>
      %dma_wait3A_743 = tpu.memref_squeeze %dma_wait3A_742 : memref<1x1x128x32xf32, #tpu.memory_space<hbm>> -> memref<128x32xf32, #tpu.memory_space<hbm>>
      %dma_wait3A_744 = arith.constant 0 : i32
      %dma_wait3A_745 = arith.constant 0 : i32
      %dma_wait3A_746 = tpu.memref_slice %arg6[%dma_wait3A_727, %dma_wait3A_744, %dma_wait3A_745] : memref<8x128x32xf32, #tpu.memory_space<vmem>> -> memref<1x128x32xf32, #tpu.memory_space<vmem>>
      %dma_wait3A_747 = tpu.memref_squeeze %dma_wait3A_746 : memref<1x128x32xf32, #tpu.memory_space<vmem>> -> memref<128x32xf32, #tpu.memory_space<vmem>>
      tpu.wait_dma2 semaphore(%dma_wait3A_739 : memref<!tpu.dma_semaphore, #tpu.memory_space<semaphore_mem>>) src(%dma_wait3A_747 : memref<128x32xf32, #tpu.memory_space<vmem>>) dst(%dma_wait3A_743 : memref<128x32xf32, #tpu.memory_space<hbm>>)
      %add3A_748 = arith.constant 0 : i32
      %add3A_749 = arith.addi %mul3A_726, %add3A_748 : i32
      %dma_start3A_750 = arith.constant 0 : i32
      %dma_start3A_751 = arith.constant 0 : i32
      %dma_start3A_752 = arith.constant 0 : i32
      %dma_start3A_753 = arith.constant 0 : i32
      %dma_start3A_754 = tpu.memref_slice %arg6[%dma_start3A_750, %dma_start3A_752, %dma_start3A_753] : memref<8x128x32xf32, #tpu.memory_space<vmem>> -> memref<1x128x32xf32, #tpu.memory_space<vmem>>
      %dma_start3A_755 = tpu.memref_squeeze %dma_start3A_754 : memref<1x128x32xf32, #tpu.memory_space<vmem>> -> memref<128x32xf32, #tpu.memory_space<vmem>>
      %dma_start3A_756 = arith.constant 0 : i32
      %dma_start3A_757 = tpu.memref_slice %arg5[%add3A_749, %dma_start3A_756] : memref<226x128xi32, #tpu.memory_space<vmem>> -> memref<1x128xi32, #tpu.memory_space<vmem>>
      %dma_start3A_758 = tpu.memref_squeeze %dma_start3A_757 : memref<1x128xi32, #tpu.memory_space<vmem>> -> memref<128xi32, #tpu.memory_space<vmem>>
      %dma_start3A_759 = arith.constant 0 : i32
      %dma_start3A_760 = arith.constant 0 : i32
      %dma_start3A_761 = tpu.memref_slice %arg3[%dma_start3A_759, %dma_start3A_760] : memref<1000000x32xf32, #tpu.memory_space<hbm>> -> memref<1000000x32xf32, #tpu.memory_space<hbm>>
      %dma_start3A_762 = tpu.memref_slice %arg7[%dma_start3A_751] : memref<8x!tpu.dma_semaphore, #tpu.memory_space<semaphore_mem>> -> memref<1x!tpu.dma_semaphore, #tpu.memory_space<semaphore_mem>>
      %dma_start3A_763 = tpu.memref_squeeze %dma_start3A_762 : memref<1x!tpu.dma_semaphore, #tpu.memory_space<semaphore_mem>> -> memref<!tpu.dma_semaphore, #tpu.memory_space<semaphore_mem>>
      tpu.enqueue_indirect_dma source(%dma_start3A_761 : memref<1000000x32xf32, #tpu.memory_space<hbm>>) target(%dma_start3A_755 : memref<128x32xf32, #tpu.memory_space<vmem>>) offsets(%dma_start3A_758 : memref<128xi32, #tpu.memory_space<vmem>>) semaphore(%dma_start3A_763 : memref<!tpu.dma_semaphore, #tpu.memory_space<semaphore_mem>>)
      %dma_wait3A_764 = arith.constant 1 : i32
      %dma_wait3A_765 = arith.constant 0 : i32
      %dma_wait3A_766 = arith.constant 1 : i32
      %dma_wait3A_767 = arith.constant 0 : i32
      %dma_wait3A_768 = arith.constant 0 : i32
      %dma_wait3A_769 = tpu.memref_slice %arg6[%dma_wait3A_764, %dma_wait3A_767, %dma_wait3A_768] : memref<8x128x32xf32, #tpu.memory_space<vmem>> -> memref<1x128x32xf32, #tpu.memory_space<vmem>>
      %dma_wait3A_770 = tpu.memref_squeeze %dma_wait3A_769 : memref<1x128x32xf32, #tpu.memory_space<vmem>> -> memref<128x32xf32, #tpu.memory_space<vmem>>
      %dma_wait3A_771 = arith.constant 0 : i32
      %dma_wait3A_772 = arith.constant 0 : i32
      %dma_wait3A_773 = tpu.memref_slice %arg4[%add3A, %dma_wait3A_765, %dma_wait3A_771, %dma_wait3A_772] : memref<32x226x128x32xf32, #tpu.memory_space<hbm>> -> memref<1x1x128x32xf32, #tpu.memory_space<hbm>>
      %dma_wait3A_774 = tpu.memref_squeeze %dma_wait3A_773 : memref<1x1x128x32xf32, #tpu.memory_space<hbm>> -> memref<128x32xf32, #tpu.memory_space<hbm>>
      %dma_wait3A_775 = tpu.memref_slice %arg8[%dma_wait3A_766] : memref<8x!tpu.dma_semaphore, #tpu.memory_space<semaphore_mem>> -> memref<1x!tpu.dma_semaphore, #tpu.memory_space<semaphore_mem>>
      %dma_wait3A_776 = tpu.memref_squeeze %dma_wait3A_775 : memref<1x!tpu.dma_semaphore, #tpu.memory_space<semaphore_mem>> -> memref<!tpu.dma_semaphore, #tpu.memory_space<semaphore_mem>>
      %dma_wait3A_777 = arith.constant 0 : i32
      %dma_wait3A_778 = arith.constant 0 : i32
      %dma_wait3A_779 = tpu.memref_slice %arg4[%add3A, %dma_wait3A_765, %dma_wait3A_777, %dma_wait3A_778] : memref<32x226x128x32xf32, #tpu.memory_space<hbm>> -> memref<1x1x128x32xf32, #tpu.memory_space<hbm>>
      %dma_wait3A_780 = tpu.memref_squeeze %dma_wait3A_779 : memref<1x1x128x32xf32, #tpu.memory_space<hbm>> -> memref<128x32xf32, #tpu.memory_space<hbm>>
      %dma_wait3A_781 = arith.constant 0 : i32
      %dma_wait3A_782 = arith.constant 0 : i32
      %dma_wait3A_783 = tpu.memref_slice %arg6[%dma_wait3A_764, %dma_wait3A_781, %dma_wait3A_782] : memref<8x128x32xf32, #tpu.memory_space<vmem>> -> memref<1x128x32xf32, #tpu.memory_space<vmem>>
      %dma_wait3A_784 = tpu.memref_squeeze %dma_wait3A_783 : memref<1x128x32xf32, #tpu.memory_space<vmem>> -> memref<128x32xf32, #tpu.memory_space<vmem>>
      tpu.wait_dma2 semaphore(%dma_wait3A_776 : memref<!tpu.dma_semaphore, #tpu.memory_space<semaphore_mem>>) src(%dma_wait3A_784 : memref<128x32xf32, #tpu.memory_space<vmem>>) dst(%dma_wait3A_780 : memref<128x32xf32, #tpu.memory_space<hbm>>)
      %add3A_785 = arith.constant 1 : i32
      %add3A_786 = arith.addi %mul3A_726, %add3A_785 : i32
      %dma_start3A_787 = arith.constant 1 : i32
      %dma_start3A_788 = arith.constant 1 : i32
      %dma_start3A_789 = arith.constant 0 : i32
      %dma_start3A_790 = arith.constant 0 : i32
      %dma_start3A_791 = tpu.memref_slice %arg6[%dma_start3A_787, %dma_start3A_789, %dma_start3A_790] : memref<8x128x32xf32, #tpu.memory_space<vmem>> -> memref<1x128x32xf32, #tpu.memory_space<vmem>>
      %dma_start3A_792 = tpu.memref_squeeze %dma_start3A_791 : memref<1x128x32xf32, #tpu.memory_space<vmem>> -> memref<128x32xf32, #tpu.memory_space<vmem>>
      %dma_start3A_793 = arith.constant 0 : i32
      %dma_start3A_794 = tpu.memref_slice %arg5[%add3A_786, %dma_start3A_793] : memref<226x128xi32, #tpu.memory_space<vmem>> -> memref<1x128xi32, #tpu.memory_space<vmem>>
      %dma_start3A_795 = tpu.memref_squeeze %dma_start3A_794 : memref<1x128xi32, #tpu.memory_space<vmem>> -> memref<128xi32, #tpu.memory_space<vmem>>
      %dma_start3A_796 = arith.constant 0 : i32
      %dma_start3A_797 = arith.constant 0 : i32
      %dma_start3A_798 = tpu.memref_slice %arg3[%dma_start3A_796, %dma_start3A_797] : memref<1000000x32xf32, #tpu.memory_space<hbm>> -> memref<1000000x32xf32, #tpu.memory_space<hbm>>
      %dma_start3A_799 = tpu.memref_slice %arg7[%dma_start3A_788] : memref<8x!tpu.dma_semaphore, #tpu.memory_space<semaphore_mem>> -> memref<1x!tpu.dma_semaphore, #tpu.memory_space<semaphore_mem>>
      %dma_start3A_800 = tpu.memref_squeeze %dma_start3A_799 : memref<1x!tpu.dma_semaphore, #tpu.memory_space<semaphore_mem>> -> memref<!tpu.dma_semaphore, #tpu.memory_space<semaphore_mem>>
      tpu.enqueue_indirect_dma source(%dma_start3A_798 : memref<1000000x32xf32, #tpu.memory_space<hbm>>) target(%dma_start3A_792 : memref<128x32xf32, #tpu.memory_space<vmem>>) offsets(%dma_start3A_795 : memref<128xi32, #tpu.memory_space<vmem>>) semaphore(%dma_start3A_800 : memref<!tpu.dma_semaphore, #tpu.memory_space<semaphore_mem>>)
      %dma_wait3A_801 = arith.constant 2 : i32
      %dma_wait3A_802 = arith.constant 0 : i32
      %dma_wait3A_803 = arith.constant 2 : i32
      %dma_wait3A_804 = arith.constant 0 : i32
      %dma_wait3A_805 = arith.constant 0 : i32
      %dma_wait3A_806 = tpu.memref_slice %arg6[%dma_wait3A_801, %dma_wait3A_804, %dma_wait3A_805] : memref<8x128x32xf32, #tpu.memory_space<vmem>> -> memref<1x128x32xf32, #tpu.memory_space<vmem>>
      %dma_wait3A_807 = tpu.memref_squeeze %dma_wait3A_806 : memref<1x128x32xf32, #tpu.memory_space<vmem>> -> memref<128x32xf32, #tpu.memory_space<vmem>>
      %dma_wait3A_808 = arith.constant 0 : i32
      %dma_wait3A_809 = arith.constant 0 : i32
      %dma_wait3A_810 = tpu.memref_slice %arg4[%add3A, %dma_wait3A_802, %dma_wait3A_808, %dma_wait3A_809] : memref<32x226x128x32xf32, #tpu.memory_space<hbm>> -> memref<1x1x128x32xf32, #tpu.memory_space<hbm>>
      %dma_wait3A_811 = tpu.memref_squeeze %dma_wait3A_810 : memref<1x1x128x32xf32, #tpu.memory_space<hbm>> -> memref<128x32xf32, #tpu.memory_space<hbm>>
      %dma_wait3A_812 = tpu.memref_slice %arg8[%dma_wait3A_803] : memref<8x!tpu.dma_semaphore, #tpu.memory_space<semaphore_mem>> -> memref<1x!tpu.dma_semaphore, #tpu.memory_space<semaphore_mem>>
      %dma_wait3A_813 = tpu.memref_squeeze %dma_wait3A_812 : memref<1x!tpu.dma_semaphore, #tpu.memory_space<semaphore_mem>> -> memref<!tpu.dma_semaphore, #tpu.memory_space<semaphore_mem>>
      %dma_wait3A_814 = arith.constant 0 : i32
      %dma_wait3A_815 = arith.constant 0 : i32
      %dma_wait3A_816 = tpu.memref_slice %arg4[%add3A, %dma_wait3A_802, %dma_wait3A_814, %dma_wait3A_815] : memref<32x226x128x32xf32, #tpu.memory_space<hbm>> -> memref<1x1x128x32xf32, #tpu.memory_space<hbm>>
      %dma_wait3A_817 = tpu.memref_squeeze %dma_wait3A_816 : memref<1x1x128x32xf32, #tpu.memory_space<hbm>> -> memref<128x32xf32, #tpu.memory_space<hbm>>
      %dma_wait3A_818 = arith.constant 0 : i32
      %dma_wait3A_819 = arith.constant 0 : i32
      %dma_wait3A_820 = tpu.memref_slice %arg6[%dma_wait3A_801, %dma_wait3A_818, %dma_wait3A_819] : memref<8x128x32xf32, #tpu.memory_space<vmem>> -> memref<1x128x32xf32, #tpu.memory_space<vmem>>
      %dma_wait3A_821 = tpu.memref_squeeze %dma_wait3A_820 : memref<1x128x32xf32, #tpu.memory_space<vmem>> -> memref<128x32xf32, #tpu.memory_space<vmem>>
      tpu.wait_dma2 semaphore(%dma_wait3A_813 : memref<!tpu.dma_semaphore, #tpu.memory_space<semaphore_mem>>) src(%dma_wait3A_821 : memref<128x32xf32, #tpu.memory_space<vmem>>) dst(%dma_wait3A_817 : memref<128x32xf32, #tpu.memory_space<hbm>>)
      %add3A_822 = arith.constant 2 : i32
      %add3A_823 = arith.addi %mul3A_726, %add3A_822 : i32
      %dma_start3A_824 = arith.constant 2 : i32
      %dma_start3A_825 = arith.constant 2 : i32
      %dma_start3A_826 = arith.constant 0 : i32
      %dma_start3A_827 = arith.constant 0 : i32
      %dma_start3A_828 = tpu.memref_slice %arg6[%dma_start3A_824, %dma_start3A_826, %dma_start3A_827] : memref<8x128x32xf32, #tpu.memory_space<vmem>> -> memref<1x128x32xf32, #tpu.memory_space<vmem>>
      %dma_start3A_829 = tpu.memref_squeeze %dma_start3A_828 : memref<1x128x32xf32, #tpu.memory_space<vmem>> -> memref<128x32xf32, #tpu.memory_space<vmem>>
      %dma_start3A_830 = arith.constant 0 : i32
      %dma_start3A_831 = tpu.memref_slice %arg5[%add3A_823, %dma_start3A_830] : memref<226x128xi32, #tpu.memory_space<vmem>> -> memref<1x128xi32, #tpu.memory_space<vmem>>
      %dma_start3A_832 = tpu.memref_squeeze %dma_start3A_831 : memref<1x128xi32, #tpu.memory_space<vmem>> -> memref<128xi32, #tpu.memory_space<vmem>>
      %dma_start3A_833 = arith.constant 0 : i32
      %dma_start3A_834 = arith.constant 0 : i32
      %dma_start3A_835 = tpu.memref_slice %arg3[%dma_start3A_833, %dma_start3A_834] : memref<1000000x32xf32, #tpu.memory_space<hbm>> -> memref<1000000x32xf32, #tpu.memory_space<hbm>>
      %dma_start3A_836 = tpu.memref_slice %arg7[%dma_start3A_825] : memref<8x!tpu.dma_semaphore, #tpu.memory_space<semaphore_mem>> -> memref<1x!tpu.dma_semaphore, #tpu.memory_space<semaphore_mem>>
      %dma_start3A_837 = tpu.memref_squeeze %dma_start3A_836 : memref<1x!tpu.dma_semaphore, #tpu.memory_space<semaphore_mem>> -> memref<!tpu.dma_semaphore, #tpu.memory_space<semaphore_mem>>
      tpu.enqueue_indirect_dma source(%dma_start3A_835 : memref<1000000x32xf32, #tpu.memory_space<hbm>>) target(%dma_start3A_829 : memref<128x32xf32, #tpu.memory_space<vmem>>) offsets(%dma_start3A_832 : memref<128xi32, #tpu.memory_space<vmem>>) semaphore(%dma_start3A_837 : memref<!tpu.dma_semaphore, #tpu.memory_space<semaphore_mem>>)
      %dma_wait3A_838 = arith.constant 3 : i32
      %dma_wait3A_839 = arith.constant 0 : i32
      %dma_wait3A_840 = arith.constant 3 : i32
      %dma_wait3A_841 = arith.constant 0 : i32
      %dma_wait3A_842 = arith.constant 0 : i32
      %dma_wait3A_843 = tpu.memref_slice %arg6[%dma_wait3A_838, %dma_wait3A_841, %dma_wait3A_842] : memref<8x128x32xf32, #tpu.memory_space<vmem>> -> memref<1x128x32xf32, #tpu.memory_space<vmem>>
      %dma_wait3A_844 = tpu.memref_squeeze %dma_wait3A_843 : memref<1x128x32xf32, #tpu.memory_space<vmem>> -> memref<128x32xf32, #tpu.memory_space<vmem>>
      %dma_wait3A_845 = arith.constant 0 : i32
      %dma_wait3A_846 = arith.constant 0 : i32
      %dma_wait3A_847 = tpu.memref_slice %arg4[%add3A, %dma_wait3A_839, %dma_wait3A_845, %dma_wait3A_846] : memref<32x226x128x32xf32, #tpu.memory_space<hbm>> -> memref<1x1x128x32xf32, #tpu.memory_space<hbm>>
      %dma_wait3A_848 = tpu.memref_squeeze %dma_wait3A_847 : memref<1x1x128x32xf32, #tpu.memory_space<hbm>> -> memref<128x32xf32, #tpu.memory_space<hbm>>
      %dma_wait3A_849 = tpu.memref_slice %arg8[%dma_wait3A_840] : memref<8x!tpu.dma_semaphore, #tpu.memory_space<semaphore_mem>> -> memref<1x!tpu.dma_semaphore, #tpu.memory_space<semaphore_mem>>
      %dma_wait3A_850 = tpu.memref_squeeze %dma_wait3A_849 : memref<1x!tpu.dma_semaphore, #tpu.memory_space<semaphore_mem>> -> memref<!tpu.dma_semaphore, #tpu.memory_space<semaphore_mem>>
      %dma_wait3A_851 = arith.constant 0 : i32
      %dma_wait3A_852 = arith.constant 0 : i32
      %dma_wait3A_853 = tpu.memref_slice %arg4[%add3A, %dma_wait3A_839, %dma_wait3A_851, %dma_wait3A_852] : memref<32x226x128x32xf32, #tpu.memory_space<hbm>> -> memref<1x1x128x32xf32, #tpu.memory_space<hbm>>
      %dma_wait3A_854 = tpu.memref_squeeze %dma_wait3A_853 : memref<1x1x128x32xf32, #tpu.memory_space<hbm>> -> memref<128x32xf32, #tpu.memory_space<hbm>>
      %dma_wait3A_855 = arith.constant 0 : i32
      %dma_wait3A_856 = arith.constant 0 : i32
      %dma_wait3A_857 = tpu.memref_slice %arg6[%dma_wait3A_838, %dma_wait3A_855, %dma_wait3A_856] : memref<8x128x32xf32, #tpu.memory_space<vmem>> -> memref<1x128x32xf32, #tpu.memory_space<vmem>>
      %dma_wait3A_858 = tpu.memref_squeeze %dma_wait3A_857 : memref<1x128x32xf32, #tpu.memory_space<vmem>> -> memref<128x32xf32, #tpu.memory_space<vmem>>
      tpu.wait_dma2 semaphore(%dma_wait3A_850 : memref<!tpu.dma_semaphore, #tpu.memory_space<semaphore_mem>>) src(%dma_wait3A_858 : memref<128x32xf32, #tpu.memory_space<vmem>>) dst(%dma_wait3A_854 : memref<128x32xf32, #tpu.memory_space<hbm>>)
      %add3A_859 = arith.constant 3 : i32
      %add3A_860 = arith.addi %mul3A_726, %add3A_859 : i32
      %dma_start3A_861 = arith.constant 3 : i32
      %dma_start3A_862 = arith.constant 3 : i32
      %dma_start3A_863 = arith.constant 0 : i32
      %dma_start3A_864 = arith.constant 0 : i32
      %dma_start3A_865 = tpu.memref_slice %arg6[%dma_start3A_861, %dma_start3A_863, %dma_start3A_864] : memref<8x128x32xf32, #tpu.memory_space<vmem>> -> memref<1x128x32xf32, #tpu.memory_space<vmem>>
      %dma_start3A_866 = tpu.memref_squeeze %dma_start3A_865 : memref<1x128x32xf32, #tpu.memory_space<vmem>> -> memref<128x32xf32, #tpu.memory_space<vmem>>
      %dma_start3A_867 = arith.constant 0 : i32
      %dma_start3A_868 = tpu.memref_slice %arg5[%add3A_860, %dma_start3A_867] : memref<226x128xi32, #tpu.memory_space<vmem>> -> memref<1x128xi32, #tpu.memory_space<vmem>>
      %dma_start3A_869 = tpu.memref_squeeze %dma_start3A_868 : memref<1x128xi32, #tpu.memory_space<vmem>> -> memref<128xi32, #tpu.memory_space<vmem>>
      %dma_start3A_870 = arith.constant 0 : i32
      %dma_start3A_871 = arith.constant 0 : i32
      %dma_start3A_872 = tpu.memref_slice %arg3[%dma_start3A_870, %dma_start3A_871] : memref<1000000x32xf32, #tpu.memory_space<hbm>> -> memref<1000000x32xf32, #tpu.memory_space<hbm>>
      %dma_start3A_873 = tpu.memref_slice %arg7[%dma_start3A_862] : memref<8x!tpu.dma_semaphore, #tpu.memory_space<semaphore_mem>> -> memref<1x!tpu.dma_semaphore, #tpu.memory_space<semaphore_mem>>
      %dma_start3A_874 = tpu.memref_squeeze %dma_start3A_873 : memref<1x!tpu.dma_semaphore, #tpu.memory_space<semaphore_mem>> -> memref<!tpu.dma_semaphore, #tpu.memory_space<semaphore_mem>>
      tpu.enqueue_indirect_dma source(%dma_start3A_872 : memref<1000000x32xf32, #tpu.memory_space<hbm>>) target(%dma_start3A_866 : memref<128x32xf32, #tpu.memory_space<vmem>>) offsets(%dma_start3A_869 : memref<128xi32, #tpu.memory_space<vmem>>) semaphore(%dma_start3A_874 : memref<!tpu.dma_semaphore, #tpu.memory_space<semaphore_mem>>)
      %dma_wait3A_875 = arith.constant 4 : i32
      %dma_wait3A_876 = arith.constant 0 : i32
      %dma_wait3A_877 = arith.constant 4 : i32
      %dma_wait3A_878 = arith.constant 0 : i32
      %dma_wait3A_879 = arith.constant 0 : i32
      %dma_wait3A_880 = tpu.memref_slice %arg6[%dma_wait3A_875, %dma_wait3A_878, %dma_wait3A_879] : memref<8x128x32xf32, #tpu.memory_space<vmem>> -> memref<1x128x32xf32, #tpu.memory_space<vmem>>
      %dma_wait3A_881 = tpu.memref_squeeze %dma_wait3A_880 : memref<1x128x32xf32, #tpu.memory_space<vmem>> -> memref<128x32xf32, #tpu.memory_space<vmem>>
      %dma_wait3A_882 = arith.constant 0 : i32
      %dma_wait3A_883 = arith.constant 0 : i32
      %dma_wait3A_884 = tpu.memref_slice %arg4[%add3A, %dma_wait3A_876, %dma_wait3A_882, %dma_wait3A_883] : memref<32x226x128x32xf32, #tpu.memory_space<hbm>> -> memref<1x1x128x32xf32, #tpu.memory_space<hbm>>
      %dma_wait3A_885 = tpu.memref_squeeze %dma_wait3A_884 : memref<1x1x128x32xf32, #tpu.memory_space<hbm>> -> memref<128x32xf32, #tpu.memory_space<hbm>>
      %dma_wait3A_886 = tpu.memref_slice %arg8[%dma_wait3A_877] : memref<8x!tpu.dma_semaphore, #tpu.memory_space<semaphore_mem>> -> memref<1x!tpu.dma_semaphore, #tpu.memory_space<semaphore_mem>>
      %dma_wait3A_887 = tpu.memref_squeeze %dma_wait3A_886 : memref<1x!tpu.dma_semaphore, #tpu.memory_space<semaphore_mem>> -> memref<!tpu.dma_semaphore, #tpu.memory_space<semaphore_mem>>
      %dma_wait3A_888 = arith.constant 0 : i32
      %dma_wait3A_889 = arith.constant 0 : i32
      %dma_wait3A_890 = tpu.memref_slice %arg4[%add3A, %dma_wait3A_876, %dma_wait3A_888, %dma_wait3A_889] : memref<32x226x128x32xf32, #tpu.memory_space<hbm>> -> memref<1x1x128x32xf32, #tpu.memory_space<hbm>>
      %dma_wait3A_891 = tpu.memref_squeeze %dma_wait3A_890 : memref<1x1x128x32xf32, #tpu.memory_space<hbm>> -> memref<128x32xf32, #tpu.memory_space<hbm>>
      %dma_wait3A_892 = arith.constant 0 : i32
      %dma_wait3A_893 = arith.constant 0 : i32
      %dma_wait3A_894 = tpu.memref_slice %arg6[%dma_wait3A_875, %dma_wait3A_892, %dma_wait3A_893] : memref<8x128x32xf32, #tpu.memory_space<vmem>> -> memref<1x128x32xf32, #tpu.memory_space<vmem>>
      %dma_wait3A_895 = tpu.memref_squeeze %dma_wait3A_894 : memref<1x128x32xf32, #tpu.memory_space<vmem>> -> memref<128x32xf32, #tpu.memory_space<vmem>>
      tpu.wait_dma2 semaphore(%dma_wait3A_887 : memref<!tpu.dma_semaphore, #tpu.memory_space<semaphore_mem>>) src(%dma_wait3A_895 : memref<128x32xf32, #tpu.memory_space<vmem>>) dst(%dma_wait3A_891 : memref<128x32xf32, #tpu.memory_space<hbm>>)
      %add3A_896 = arith.constant 4 : i32
      %add3A_897 = arith.addi %mul3A_726, %add3A_896 : i32
      %dma_start3A_898 = arith.constant 4 : i32
      %dma_start3A_899 = arith.constant 4 : i32
      %dma_start3A_900 = arith.constant 0 : i32
      %dma_start3A_901 = arith.constant 0 : i32
      %dma_start3A_902 = tpu.memref_slice %arg6[%dma_start3A_898, %dma_start3A_900, %dma_start3A_901] : memref<8x128x32xf32, #tpu.memory_space<vmem>> -> memref<1x128x32xf32, #tpu.memory_space<vmem>>
      %dma_start3A_903 = tpu.memref_squeeze %dma_start3A_902 : memref<1x128x32xf32, #tpu.memory_space<vmem>> -> memref<128x32xf32, #tpu.memory_space<vmem>>
      %dma_start3A_904 = arith.constant 0 : i32
      %dma_start3A_905 = tpu.memref_slice %arg5[%add3A_897, %dma_start3A_904] : memref<226x128xi32, #tpu.memory_space<vmem>> -> memref<1x128xi32, #tpu.memory_space<vmem>>
      %dma_start3A_906 = tpu.memref_squeeze %dma_start3A_905 : memref<1x128xi32, #tpu.memory_space<vmem>> -> memref<128xi32, #tpu.memory_space<vmem>>
      %dma_start3A_907 = arith.constant 0 : i32
      %dma_start3A_908 = arith.constant 0 : i32
      %dma_start3A_909 = tpu.memref_slice %arg3[%dma_start3A_907, %dma_start3A_908] : memref<1000000x32xf32, #tpu.memory_space<hbm>> -> memref<1000000x32xf32, #tpu.memory_space<hbm>>
      %dma_start3A_910 = tpu.memref_slice %arg7[%dma_start3A_899] : memref<8x!tpu.dma_semaphore, #tpu.memory_space<semaphore_mem>> -> memref<1x!tpu.dma_semaphore, #tpu.memory_space<semaphore_mem>>
      %dma_start3A_911 = tpu.memref_squeeze %dma_start3A_910 : memref<1x!tpu.dma_semaphore, #tpu.memory_space<semaphore_mem>> -> memref<!tpu.dma_semaphore, #tpu.memory_space<semaphore_mem>>
      tpu.enqueue_indirect_dma source(%dma_start3A_909 : memref<1000000x32xf32, #tpu.memory_space<hbm>>) target(%dma_start3A_903 : memref<128x32xf32, #tpu.memory_space<vmem>>) offsets(%dma_start3A_906 : memref<128xi32, #tpu.memory_space<vmem>>) semaphore(%dma_start3A_911 : memref<!tpu.dma_semaphore, #tpu.memory_space<semaphore_mem>>)
      %dma_wait3A_912 = arith.constant 5 : i32
      %dma_wait3A_913 = arith.constant 0 : i32
      %dma_wait3A_914 = arith.constant 5 : i32
      %dma_wait3A_915 = arith.constant 0 : i32
      %dma_wait3A_916 = arith.constant 0 : i32
      %dma_wait3A_917 = tpu.memref_slice %arg6[%dma_wait3A_912, %dma_wait3A_915, %dma_wait3A_916] : memref<8x128x32xf32, #tpu.memory_space<vmem>> -> memref<1x128x32xf32, #tpu.memory_space<vmem>>
      %dma_wait3A_918 = tpu.memref_squeeze %dma_wait3A_917 : memref<1x128x32xf32, #tpu.memory_space<vmem>> -> memref<128x32xf32, #tpu.memory_space<vmem>>
      %dma_wait3A_919 = arith.constant 0 : i32
      %dma_wait3A_920 = arith.constant 0 : i32
      %dma_wait3A_921 = tpu.memref_slice %arg4[%add3A, %dma_wait3A_913, %dma_wait3A_919, %dma_wait3A_920] : memref<32x226x128x32xf32, #tpu.memory_space<hbm>> -> memref<1x1x128x32xf32, #tpu.memory_space<hbm>>
      %dma_wait3A_922 = tpu.memref_squeeze %dma_wait3A_921 : memref<1x1x128x32xf32, #tpu.memory_space<hbm>> -> memref<128x32xf32, #tpu.memory_space<hbm>>
      %dma_wait3A_923 = tpu.memref_slice %arg8[%dma_wait3A_914] : memref<8x!tpu.dma_semaphore, #tpu.memory_space<semaphore_mem>> -> memref<1x!tpu.dma_semaphore, #tpu.memory_space<semaphore_mem>>
      %dma_wait3A_924 = tpu.memref_squeeze %dma_wait3A_923 : memref<1x!tpu.dma_semaphore, #tpu.memory_space<semaphore_mem>> -> memref<!tpu.dma_semaphore, #tpu.memory_space<semaphore_mem>>
      %dma_wait3A_925 = arith.constant 0 : i32
      %dma_wait3A_926 = arith.constant 0 : i32
      %dma_wait3A_927 = tpu.memref_slice %arg4[%add3A, %dma_wait3A_913, %dma_wait3A_925, %dma_wait3A_926] : memref<32x226x128x32xf32, #tpu.memory_space<hbm>> -> memref<1x1x128x32xf32, #tpu.memory_space<hbm>>
      %dma_wait3A_928 = tpu.memref_squeeze %dma_wait3A_927 : memref<1x1x128x32xf32, #tpu.memory_space<hbm>> -> memref<128x32xf32, #tpu.memory_space<hbm>>
      %dma_wait3A_929 = arith.constant 0 : i32
      %dma_wait3A_930 = arith.constant 0 : i32
      %dma_wait3A_931 = tpu.memref_slice %arg6[%dma_wait3A_912, %dma_wait3A_929, %dma_wait3A_930] : memref<8x128x32xf32, #tpu.memory_space<vmem>> -> memref<1x128x32xf32, #tpu.memory_space<vmem>>
      %dma_wait3A_932 = tpu.memref_squeeze %dma_wait3A_931 : memref<1x128x32xf32, #tpu.memory_space<vmem>> -> memref<128x32xf32, #tpu.memory_space<vmem>>
      tpu.wait_dma2 semaphore(%dma_wait3A_924 : memref<!tpu.dma_semaphore, #tpu.memory_space<semaphore_mem>>) src(%dma_wait3A_932 : memref<128x32xf32, #tpu.memory_space<vmem>>) dst(%dma_wait3A_928 : memref<128x32xf32, #tpu.memory_space<hbm>>)
      %add3A_933 = arith.constant 5 : i32
      %add3A_934 = arith.addi %mul3A_726, %add3A_933 : i32
      %dma_start3A_935 = arith.constant 5 : i32
      %dma_start3A_936 = arith.constant 5 : i32
      %dma_start3A_937 = arith.constant 0 : i32
      %dma_start3A_938 = arith.constant 0 : i32
      %dma_start3A_939 = tpu.memref_slice %arg6[%dma_start3A_935, %dma_start3A_937, %dma_start3A_938] : memref<8x128x32xf32, #tpu.memory_space<vmem>> -> memref<1x128x32xf32, #tpu.memory_space<vmem>>
      %dma_start3A_940 = tpu.memref_squeeze %dma_start3A_939 : memref<1x128x32xf32, #tpu.memory_space<vmem>> -> memref<128x32xf32, #tpu.memory_space<vmem>>
      %dma_start3A_941 = arith.constant 0 : i32
      %dma_start3A_942 = tpu.memref_slice %arg5[%add3A_934, %dma_start3A_941] : memref<226x128xi32, #tpu.memory_space<vmem>> -> memref<1x128xi32, #tpu.memory_space<vmem>>
      %dma_start3A_943 = tpu.memref_squeeze %dma_start3A_942 : memref<1x128xi32, #tpu.memory_space<vmem>> -> memref<128xi32, #tpu.memory_space<vmem>>
      %dma_start3A_944 = arith.constant 0 : i32
      %dma_start3A_945 = arith.constant 0 : i32
      %dma_start3A_946 = tpu.memref_slice %arg3[%dma_start3A_944, %dma_start3A_945] : memref<1000000x32xf32, #tpu.memory_space<hbm>> -> memref<1000000x32xf32, #tpu.memory_space<hbm>>
      %dma_start3A_947 = tpu.memref_slice %arg7[%dma_start3A_936] : memref<8x!tpu.dma_semaphore, #tpu.memory_space<semaphore_mem>> -> memref<1x!tpu.dma_semaphore, #tpu.memory_space<semaphore_mem>>
      %dma_start3A_948 = tpu.memref_squeeze %dma_start3A_947 : memref<1x!tpu.dma_semaphore, #tpu.memory_space<semaphore_mem>> -> memref<!tpu.dma_semaphore, #tpu.memory_space<semaphore_mem>>
      tpu.enqueue_indirect_dma source(%dma_start3A_946 : memref<1000000x32xf32, #tpu.memory_space<hbm>>) target(%dma_start3A_940 : memref<128x32xf32, #tpu.memory_space<vmem>>) offsets(%dma_start3A_943 : memref<128xi32, #tpu.memory_space<vmem>>) semaphore(%dma_start3A_948 : memref<!tpu.dma_semaphore, #tpu.memory_space<semaphore_mem>>)
      %dma_wait3A_949 = arith.constant 6 : i32
      %dma_wait3A_950 = arith.constant 0 : i32
      %dma_wait3A_951 = arith.constant 6 : i32
      %dma_wait3A_952 = arith.constant 0 : i32
      %dma_wait3A_953 = arith.constant 0 : i32
      %dma_wait3A_954 = tpu.memref_slice %arg6[%dma_wait3A_949, %dma_wait3A_952, %dma_wait3A_953] : memref<8x128x32xf32, #tpu.memory_space<vmem>> -> memref<1x128x32xf32, #tpu.memory_space<vmem>>
      %dma_wait3A_955 = tpu.memref_squeeze %dma_wait3A_954 : memref<1x128x32xf32, #tpu.memory_space<vmem>> -> memref<128x32xf32, #tpu.memory_space<vmem>>
      %dma_wait3A_956 = arith.constant 0 : i32
      %dma_wait3A_957 = arith.constant 0 : i32
      %dma_wait3A_958 = tpu.memref_slice %arg4[%add3A, %dma_wait3A_950, %dma_wait3A_956, %dma_wait3A_957] : memref<32x226x128x32xf32, #tpu.memory_space<hbm>> -> memref<1x1x128x32xf32, #tpu.memory_space<hbm>>
      %dma_wait3A_959 = tpu.memref_squeeze %dma_wait3A_958 : memref<1x1x128x32xf32, #tpu.memory_space<hbm>> -> memref<128x32xf32, #tpu.memory_space<hbm>>
      %dma_wait3A_960 = tpu.memref_slice %arg8[%dma_wait3A_951] : memref<8x!tpu.dma_semaphore, #tpu.memory_space<semaphore_mem>> -> memref<1x!tpu.dma_semaphore, #tpu.memory_space<semaphore_mem>>
      %dma_wait3A_961 = tpu.memref_squeeze %dma_wait3A_960 : memref<1x!tpu.dma_semaphore, #tpu.memory_space<semaphore_mem>> -> memref<!tpu.dma_semaphore, #tpu.memory_space<semaphore_mem>>
      %dma_wait3A_962 = arith.constant 0 : i32
      %dma_wait3A_963 = arith.constant 0 : i32
      %dma_wait3A_964 = tpu.memref_slice %arg4[%add3A, %dma_wait3A_950, %dma_wait3A_962, %dma_wait3A_963] : memref<32x226x128x32xf32, #tpu.memory_space<hbm>> -> memref<1x1x128x32xf32, #tpu.memory_space<hbm>>
      %dma_wait3A_965 = tpu.memref_squeeze %dma_wait3A_964 : memref<1x1x128x32xf32, #tpu.memory_space<hbm>> -> memref<128x32xf32, #tpu.memory_space<hbm>>
      %dma_wait3A_966 = arith.constant 0 : i32
      %dma_wait3A_967 = arith.constant 0 : i32
      %dma_wait3A_968 = tpu.memref_slice %arg6[%dma_wait3A_949, %dma_wait3A_966, %dma_wait3A_967] : memref<8x128x32xf32, #tpu.memory_space<vmem>> -> memref<1x128x32xf32, #tpu.memory_space<vmem>>
      %dma_wait3A_969 = tpu.memref_squeeze %dma_wait3A_968 : memref<1x128x32xf32, #tpu.memory_space<vmem>> -> memref<128x32xf32, #tpu.memory_space<vmem>>
      tpu.wait_dma2 semaphore(%dma_wait3A_961 : memref<!tpu.dma_semaphore, #tpu.memory_space<semaphore_mem>>) src(%dma_wait3A_969 : memref<128x32xf32, #tpu.memory_space<vmem>>) dst(%dma_wait3A_965 : memref<128x32xf32, #tpu.memory_space<hbm>>)
      %add3A_970 = arith.constant 6 : i32
      %add3A_971 = arith.addi %mul3A_726, %add3A_970 : i32
      %dma_start3A_972 = arith.constant 6 : i32
      %dma_start3A_973 = arith.constant 6 : i32
      %dma_start3A_974 = arith.constant 0 : i32
      %dma_start3A_975 = arith.constant 0 : i32
      %dma_start3A_976 = tpu.memref_slice %arg6[%dma_start3A_972, %dma_start3A_974, %dma_start3A_975] : memref<8x128x32xf32, #tpu.memory_space<vmem>> -> memref<1x128x32xf32, #tpu.memory_space<vmem>>
      %dma_start3A_977 = tpu.memref_squeeze %dma_start3A_976 : memref<1x128x32xf32, #tpu.memory_space<vmem>> -> memref<128x32xf32, #tpu.memory_space<vmem>>
      %dma_start3A_978 = arith.constant 0 : i32
      %dma_start3A_979 = tpu.memref_slice %arg5[%add3A_971, %dma_start3A_978] : memref<226x128xi32, #tpu.memory_space<vmem>> -> memref<1x128xi32, #tpu.memory_space<vmem>>
      %dma_start3A_980 = tpu.memref_squeeze %dma_start3A_979 : memref<1x128xi32, #tpu.memory_space<vmem>> -> memref<128xi32, #tpu.memory_space<vmem>>
      %dma_start3A_981 = arith.constant 0 : i32
      %dma_start3A_982 = arith.constant 0 : i32
      %dma_start3A_983 = tpu.memref_slice %arg3[%dma_start3A_981, %dma_start3A_982] : memref<1000000x32xf32, #tpu.memory_space<hbm>> -> memref<1000000x32xf32, #tpu.memory_space<hbm>>
      %dma_start3A_984 = tpu.memref_slice %arg7[%dma_start3A_973] : memref<8x!tpu.dma_semaphore, #tpu.memory_space<semaphore_mem>> -> memref<1x!tpu.dma_semaphore, #tpu.memory_space<semaphore_mem>>
      %dma_start3A_985 = tpu.memref_squeeze %dma_start3A_984 : memref<1x!tpu.dma_semaphore, #tpu.memory_space<semaphore_mem>> -> memref<!tpu.dma_semaphore, #tpu.memory_space<semaphore_mem>>
      tpu.enqueue_indirect_dma source(%dma_start3A_983 : memref<1000000x32xf32, #tpu.memory_space<hbm>>) target(%dma_start3A_977 : memref<128x32xf32, #tpu.memory_space<vmem>>) offsets(%dma_start3A_980 : memref<128xi32, #tpu.memory_space<vmem>>) semaphore(%dma_start3A_985 : memref<!tpu.dma_semaphore, #tpu.memory_space<semaphore_mem>>)
      %dma_wait3A_986 = arith.constant 7 : i32
      %dma_wait3A_987 = arith.constant 0 : i32
      %dma_wait3A_988 = arith.constant 7 : i32
      %dma_wait3A_989 = arith.constant 0 : i32
      %dma_wait3A_990 = arith.constant 0 : i32
      %dma_wait3A_991 = tpu.memref_slice %arg6[%dma_wait3A_986, %dma_wait3A_989, %dma_wait3A_990] : memref<8x128x32xf32, #tpu.memory_space<vmem>> -> memref<1x128x32xf32, #tpu.memory_space<vmem>>
      %dma_wait3A_992 = tpu.memref_squeeze %dma_wait3A_991 : memref<1x128x32xf32, #tpu.memory_space<vmem>> -> memref<128x32xf32, #tpu.memory_space<vmem>>
      %dma_wait3A_993 = arith.constant 0 : i32
      %dma_wait3A_994 = arith.constant 0 : i32
      %dma_wait3A_995 = tpu.memref_slice %arg4[%add3A, %dma_wait3A_987, %dma_wait3A_993, %dma_wait3A_994] : memref<32x226x128x32xf32, #tpu.memory_space<hbm>> -> memref<1x1x128x32xf32, #tpu.memory_space<hbm>>
      %dma_wait3A_996 = tpu.memref_squeeze %dma_wait3A_995 : memref<1x1x128x32xf32, #tpu.memory_space<hbm>> -> memref<128x32xf32, #tpu.memory_space<hbm>>
      %dma_wait3A_997 = tpu.memref_slice %arg8[%dma_wait3A_988] : memref<8x!tpu.dma_semaphore, #tpu.memory_space<semaphore_mem>> -> memref<1x!tpu.dma_semaphore, #tpu.memory_space<semaphore_mem>>
      %dma_wait3A_998 = tpu.memref_squeeze %dma_wait3A_997 : memref<1x!tpu.dma_semaphore, #tpu.memory_space<semaphore_mem>> -> memref<!tpu.dma_semaphore, #tpu.memory_space<semaphore_mem>>
      %dma_wait3A_999 = arith.constant 0 : i32
      %dma_wait3A_1000 = arith.constant 0 : i32
      %dma_wait3A_1001 = tpu.memref_slice %arg4[%add3A, %dma_wait3A_987, %dma_wait3A_999, %dma_wait3A_1000] : memref<32x226x128x32xf32, #tpu.memory_space<hbm>> -> memref<1x1x128x32xf32, #tpu.memory_space<hbm>>
      %dma_wait3A_1002 = tpu.memref_squeeze %dma_wait3A_1001 : memref<1x1x128x32xf32, #tpu.memory_space<hbm>> -> memref<128x32xf32, #tpu.memory_space<hbm>>
      %dma_wait3A_1003 = arith.constant 0 : i32
      %dma_wait3A_1004 = arith.constant 0 : i32
      %dma_wait3A_1005 = tpu.memref_slice %arg6[%dma_wait3A_986, %dma_wait3A_1003, %dma_wait3A_1004] : memref<8x128x32xf32, #tpu.memory_space<vmem>> -> memref<1x128x32xf32, #tpu.memory_space<vmem>>
      %dma_wait3A_1006 = tpu.memref_squeeze %dma_wait3A_1005 : memref<1x128x32xf32, #tpu.memory_space<vmem>> -> memref<128x32xf32, #tpu.memory_space<vmem>>
      tpu.wait_dma2 semaphore(%dma_wait3A_998 : memref<!tpu.dma_semaphore, #tpu.memory_space<semaphore_mem>>) src(%dma_wait3A_1006 : memref<128x32xf32, #tpu.memory_space<vmem>>) dst(%dma_wait3A_1002 : memref<128x32xf32, #tpu.memory_space<hbm>>)
      %add3A_1007 = arith.constant 7 : i32
      %add3A_1008 = arith.addi %mul3A_726, %add3A_1007 : i32
      %dma_start3A_1009 = arith.constant 7 : i32
      %dma_start3A_1010 = arith.constant 7 : i32
      %dma_start3A_1011 = arith.constant 0 : i32
      %dma_start3A_1012 = arith.constant 0 : i32
      %dma_start3A_1013 = tpu.memref_slice %arg6[%dma_start3A_1009, %dma_start3A_1011, %dma_start3A_1012] : memref<8x128x32xf32, #tpu.memory_space<vmem>> -> memref<1x128x32xf32, #tpu.memory_space<vmem>>
      %dma_start3A_1014 = tpu.memref_squeeze %dma_start3A_1013 : memref<1x128x32xf32, #tpu.memory_space<vmem>> -> memref<128x32xf32, #tpu.memory_space<vmem>>
      %dma_start3A_1015 = arith.constant 0 : i32
      %dma_start3A_1016 = tpu.memref_slice %arg5[%add3A_1008, %dma_start3A_1015] : memref<226x128xi32, #tpu.memory_space<vmem>> -> memref<1x128xi32, #tpu.memory_space<vmem>>
      %dma_start3A_1017 = tpu.memref_squeeze %dma_start3A_1016 : memref<1x128xi32, #tpu.memory_space<vmem>> -> memref<128xi32, #tpu.memory_space<vmem>>
      %dma_start3A_1018 = arith.constant 0 : i32
      %dma_start3A_1019 = arith.constant 0 : i32
      %dma_start3A_1020 = tpu.memref_slice %arg3[%dma_start3A_1018, %dma_start3A_1019] : memref<1000000x32xf32, #tpu.memory_space<hbm>> -> memref<1000000x32xf32, #tpu.memory_space<hbm>>
      %dma_start3A_1021 = tpu.memref_slice %arg7[%dma_start3A_1010] : memref<8x!tpu.dma_semaphore, #tpu.memory_space<semaphore_mem>> -> memref<1x!tpu.dma_semaphore, #tpu.memory_space<semaphore_mem>>
      %dma_start3A_1022 = tpu.memref_squeeze %dma_start3A_1021 : memref<1x!tpu.dma_semaphore, #tpu.memory_space<semaphore_mem>> -> memref<!tpu.dma_semaphore, #tpu.memory_space<semaphore_mem>>
      tpu.enqueue_indirect_dma source(%dma_start3A_1020 : memref<1000000x32xf32, #tpu.memory_space<hbm>>) target(%dma_start3A_1014 : memref<128x32xf32, #tpu.memory_space<vmem>>) offsets(%dma_start3A_1017 : memref<128xi32, #tpu.memory_space<vmem>>) semaphore(%dma_start3A_1022 : memref<!tpu.dma_semaphore, #tpu.memory_space<semaphore_mem>>)
      %dma_wait3A_1023 = arith.constant 0 : i32
      %dma_wait3A_1024 = arith.constant 0 : i32
      %dma_wait3A_1025 = arith.constant 0 : i32
      %dma_wait3A_1026 = arith.constant 0 : i32
      %dma_wait3A_1027 = tpu.memref_slice %arg6[%dma_wait3A_1023, %dma_wait3A_1025, %dma_wait3A_1026] : memref<8x128x32xf32, #tpu.memory_space<vmem>> -> memref<1x128x32xf32, #tpu.memory_space<vmem>>
      %dma_wait3A_1028 = tpu.memref_squeeze %dma_wait3A_1027 : memref<1x128x32xf32, #tpu.memory_space<vmem>> -> memref<128x32xf32, #tpu.memory_space<vmem>>
      %dma_wait3A_1029 = arith.constant 0 : i32
      %dma_wait3A_1030 = tpu.memref_slice %arg5[%add3A_749, %dma_wait3A_1029] : memref<226x128xi32, #tpu.memory_space<vmem>> -> memref<1x128xi32, #tpu.memory_space<vmem>>
      %dma_wait3A_1031 = tpu.memref_squeeze %dma_wait3A_1030 : memref<1x128xi32, #tpu.memory_space<vmem>> -> memref<128xi32, #tpu.memory_space<vmem>>
      %dma_wait3A_1032 = arith.constant 0 : i32
      %dma_wait3A_1033 = arith.constant 0 : i32
      %dma_wait3A_1034 = tpu.memref_slice %arg3[%dma_wait3A_1032, %dma_wait3A_1033] : memref<1000000x32xf32, #tpu.memory_space<hbm>> -> memref<1000000x32xf32, #tpu.memory_space<hbm>>
      %dma_wait3A_1035 = tpu.memref_slice %arg7[%dma_wait3A_1024] : memref<8x!tpu.dma_semaphore, #tpu.memory_space<semaphore_mem>> -> memref<1x!tpu.dma_semaphore, #tpu.memory_space<semaphore_mem>>
      %dma_wait3A_1036 = tpu.memref_squeeze %dma_wait3A_1035 : memref<1x!tpu.dma_semaphore, #tpu.memory_space<semaphore_mem>> -> memref<!tpu.dma_semaphore, #tpu.memory_space<semaphore_mem>>
      tpu.wait_indirect_dma semaphore(%dma_wait3A_1036 : memref<!tpu.dma_semaphore, #tpu.memory_space<semaphore_mem>>) src(%dma_wait3A_1034 : memref<1000000x32xf32, #tpu.memory_space<hbm>>) dst(%dma_wait3A_1028 : memref<128x32xf32, #tpu.memory_space<vmem>>)
      %add3A_1037 = arith.constant 0 : i32
      %add3A_1038 = arith.addi %mul3A_726, %add3A_1037 : i32
      %dma_start3A_1039 = arith.constant 0 : i32
      %dma_start3A_1040 = arith.constant 0 : i32
      %dma_start3A_1041 = arith.constant 0 : i32
      %dma_start3A_1042 = arith.constant 0 : i32
      %dma_start3A_1043 = tpu.memref_slice %arg6[%dma_start3A_1039, %dma_start3A_1041, %dma_start3A_1042] : memref<8x128x32xf32, #tpu.memory_space<vmem>> -> memref<1x128x32xf32, #tpu.memory_space<vmem>>
      %dma_start3A_1044 = tpu.memref_squeeze %dma_start3A_1043 : memref<1x128x32xf32, #tpu.memory_space<vmem>> -> memref<128x32xf32, #tpu.memory_space<vmem>>
      %dma_start3A_1045 = arith.constant 0 : i32
      %dma_start3A_1046 = arith.constant 0 : i32
      %dma_start3A_1047 = tpu.memref_slice %arg4[%add3A, %add3A_1038, %dma_start3A_1045, %dma_start3A_1046] : memref<32x226x128x32xf32, #tpu.memory_space<hbm>> -> memref<1x1x128x32xf32, #tpu.memory_space<hbm>>
      %dma_start3A_1048 = tpu.memref_squeeze %dma_start3A_1047 : memref<1x1x128x32xf32, #tpu.memory_space<hbm>> -> memref<128x32xf32, #tpu.memory_space<hbm>>
      %dma_start3A_1049 = tpu.memref_slice %arg8[%dma_start3A_1040] : memref<8x!tpu.dma_semaphore, #tpu.memory_space<semaphore_mem>> -> memref<1x!tpu.dma_semaphore, #tpu.memory_space<semaphore_mem>>
      %dma_start3A_1050 = tpu.memref_squeeze %dma_start3A_1049 : memref<1x!tpu.dma_semaphore, #tpu.memory_space<semaphore_mem>> -> memref<!tpu.dma_semaphore, #tpu.memory_space<semaphore_mem>>
      %dma_start3A_1051 = arith.constant 0 : i32
      %dma_start3A_1052 = arith.constant 0 : i32
      %dma_start3A_1053 = tpu.memref_slice %arg4[%add3A, %add3A_1038, %dma_start3A_1051, %dma_start3A_1052] : memref<32x226x128x32xf32, #tpu.memory_space<hbm>> -> memref<1x1x128x32xf32, #tpu.memory_space<hbm>>
      %dma_start3A_1054 = tpu.memref_squeeze %dma_start3A_1053 : memref<1x1x128x32xf32, #tpu.memory_space<hbm>> -> memref<128x32xf32, #tpu.memory_space<hbm>>
      %dma_start3A_1055 = arith.constant 0 : i32
      %dma_start3A_1056 = arith.constant 0 : i32
      %dma_start3A_1057 = tpu.memref_slice %arg6[%dma_start3A_1039, %dma_start3A_1055, %dma_start3A_1056] : memref<8x128x32xf32, #tpu.memory_space<vmem>> -> memref<1x128x32xf32, #tpu.memory_space<vmem>>
      %dma_start3A_1058 = tpu.memref_squeeze %dma_start3A_1057 : memref<1x128x32xf32, #tpu.memory_space<vmem>> -> memref<128x32xf32, #tpu.memory_space<vmem>>
      tpu.enqueue_dma source(%dma_start3A_1058 : memref<128x32xf32, #tpu.memory_space<vmem>>) target(%dma_start3A_1054 : memref<128x32xf32, #tpu.memory_space<hbm>>) target_semaphore(%dma_start3A_1050 : memref<!tpu.dma_semaphore, #tpu.memory_space<semaphore_mem>>)
      %dma_wait3A_1059 = arith.constant 1 : i32
      %dma_wait3A_1060 = arith.constant 1 : i32
      %dma_wait3A_1061 = arith.constant 0 : i32
      %dma_wait3A_1062 = arith.constant 0 : i32
      %dma_wait3A_1063 = tpu.memref_slice %arg6[%dma_wait3A_1059, %dma_wait3A_1061, %dma_wait3A_1062] : memref<8x128x32xf32, #tpu.memory_space<vmem>> -> memref<1x128x32xf32, #tpu.memory_space<vmem>>
      %dma_wait3A_1064 = tpu.memref_squeeze %dma_wait3A_1063 : memref<1x128x32xf32, #tpu.memory_space<vmem>> -> memref<128x32xf32, #tpu.memory_space<vmem>>
      %dma_wait3A_1065 = arith.constant 0 : i32
      %dma_wait3A_1066 = tpu.memref_slice %arg5[%add3A_786, %dma_wait3A_1065] : memref<226x128xi32, #tpu.memory_space<vmem>> -> memref<1x128xi32, #tpu.memory_space<vmem>>
      %dma_wait3A_1067 = tpu.memref_squeeze %dma_wait3A_1066 : memref<1x128xi32, #tpu.memory_space<vmem>> -> memref<128xi32, #tpu.memory_space<vmem>>
      %dma_wait3A_1068 = arith.constant 0 : i32
      %dma_wait3A_1069 = arith.constant 0 : i32
      %dma_wait3A_1070 = tpu.memref_slice %arg3[%dma_wait3A_1068, %dma_wait3A_1069] : memref<1000000x32xf32, #tpu.memory_space<hbm>> -> memref<1000000x32xf32, #tpu.memory_space<hbm>>
      %dma_wait3A_1071 = tpu.memref_slice %arg7[%dma_wait3A_1060] : memref<8x!tpu.dma_semaphore, #tpu.memory_space<semaphore_mem>> -> memref<1x!tpu.dma_semaphore, #tpu.memory_space<semaphore_mem>>
      %dma_wait3A_1072 = tpu.memref_squeeze %dma_wait3A_1071 : memref<1x!tpu.dma_semaphore, #tpu.memory_space<semaphore_mem>> -> memref<!tpu.dma_semaphore, #tpu.memory_space<semaphore_mem>>
      tpu.wait_indirect_dma semaphore(%dma_wait3A_1072 : memref<!tpu.dma_semaphore, #tpu.memory_space<semaphore_mem>>) src(%dma_wait3A_1070 : memref<1000000x32xf32, #tpu.memory_space<hbm>>) dst(%dma_wait3A_1064 : memref<128x32xf32, #tpu.memory_space<vmem>>)
      %add3A_1073 = arith.constant 1 : i32
      %add3A_1074 = arith.addi %mul3A_726, %add3A_1073 : i32
      %dma_start3A_1075 = arith.constant 1 : i32
      %dma_start3A_1076 = arith.constant 1 : i32
      %dma_start3A_1077 = arith.constant 0 : i32
      %dma_start3A_1078 = arith.constant 0 : i32
      %dma_start3A_1079 = tpu.memref_slice %arg6[%dma_start3A_1075, %dma_start3A_1077, %dma_start3A_1078] : memref<8x128x32xf32, #tpu.memory_space<vmem>> -> memref<1x128x32xf32, #tpu.memory_space<vmem>>
      %dma_start3A_1080 = tpu.memref_squeeze %dma_start3A_1079 : memref<1x128x32xf32, #tpu.memory_space<vmem>> -> memref<128x32xf32, #tpu.memory_space<vmem>>
      %dma_start3A_1081 = arith.constant 0 : i32
      %dma_start3A_1082 = arith.constant 0 : i32
      %dma_start3A_1083 = tpu.memref_slice %arg4[%add3A, %add3A_1074, %dma_start3A_1081, %dma_start3A_1082] : memref<32x226x128x32xf32, #tpu.memory_space<hbm>> -> memref<1x1x128x32xf32, #tpu.memory_space<hbm>>
      %dma_start3A_1084 = tpu.memref_squeeze %dma_start3A_1083 : memref<1x1x128x32xf32, #tpu.memory_space<hbm>> -> memref<128x32xf32, #tpu.memory_space<hbm>>
      %dma_start3A_1085 = tpu.memref_slice %arg8[%dma_start3A_1076] : memref<8x!tpu.dma_semaphore, #tpu.memory_space<semaphore_mem>> -> memref<1x!tpu.dma_semaphore, #tpu.memory_space<semaphore_mem>>
      %dma_start3A_1086 = tpu.memref_squeeze %dma_start3A_1085 : memref<1x!tpu.dma_semaphore, #tpu.memory_space<semaphore_mem>> -> memref<!tpu.dma_semaphore, #tpu.memory_space<semaphore_mem>>
      %dma_start3A_1087 = arith.constant 0 : i32
      %dma_start3A_1088 = arith.constant 0 : i32
      %dma_start3A_1089 = tpu.memref_slice %arg4[%add3A, %add3A_1074, %dma_start3A_1087, %dma_start3A_1088] : memref<32x226x128x32xf32, #tpu.memory_space<hbm>> -> memref<1x1x128x32xf32, #tpu.memory_space<hbm>>
      %dma_start3A_1090 = tpu.memref_squeeze %dma_start3A_1089 : memref<1x1x128x32xf32, #tpu.memory_space<hbm>> -> memref<128x32xf32, #tpu.memory_space<hbm>>
      %dma_start3A_1091 = arith.constant 0 : i32
      %dma_start3A_1092 = arith.constant 0 : i32
      %dma_start3A_1093 = tpu.memref_slice %arg6[%dma_start3A_1075, %dma_start3A_1091, %dma_start3A_1092] : memref<8x128x32xf32, #tpu.memory_space<vmem>> -> memref<1x128x32xf32, #tpu.memory_space<vmem>>
      %dma_start3A_1094 = tpu.memref_squeeze %dma_start3A_1093 : memref<1x128x32xf32, #tpu.memory_space<vmem>> -> memref<128x32xf32, #tpu.memory_space<vmem>>
      tpu.enqueue_dma source(%dma_start3A_1094 : memref<128x32xf32, #tpu.memory_space<vmem>>) target(%dma_start3A_1090 : memref<128x32xf32, #tpu.memory_space<hbm>>) target_semaphore(%dma_start3A_1086 : memref<!tpu.dma_semaphore, #tpu.memory_space<semaphore_mem>>)
      %dma_wait3A_1095 = arith.constant 2 : i32
      %dma_wait3A_1096 = arith.constant 2 : i32
      %dma_wait3A_1097 = arith.constant 0 : i32
      %dma_wait3A_1098 = arith.constant 0 : i32
      %dma_wait3A_1099 = tpu.memref_slice %arg6[%dma_wait3A_1095, %dma_wait3A_1097, %dma_wait3A_1098] : memref<8x128x32xf32, #tpu.memory_space<vmem>> -> memref<1x128x32xf32, #tpu.memory_space<vmem>>
      %dma_wait3A_1100 = tpu.memref_squeeze %dma_wait3A_1099 : memref<1x128x32xf32, #tpu.memory_space<vmem>> -> memref<128x32xf32, #tpu.memory_space<vmem>>
      %dma_wait3A_1101 = arith.constant 0 : i32
      %dma_wait3A_1102 = tpu.memref_slice %arg5[%add3A_823, %dma_wait3A_1101] : memref<226x128xi32, #tpu.memory_space<vmem>> -> memref<1x128xi32, #tpu.memory_space<vmem>>
      %dma_wait3A_1103 = tpu.memref_squeeze %dma_wait3A_1102 : memref<1x128xi32, #tpu.memory_space<vmem>> -> memref<128xi32, #tpu.memory_space<vmem>>
      %dma_wait3A_1104 = arith.constant 0 : i32
      %dma_wait3A_1105 = arith.constant 0 : i32
      %dma_wait3A_1106 = tpu.memref_slice %arg3[%dma_wait3A_1104, %dma_wait3A_1105] : memref<1000000x32xf32, #tpu.memory_space<hbm>> -> memref<1000000x32xf32, #tpu.memory_space<hbm>>
      %dma_wait3A_1107 = tpu.memref_slice %arg7[%dma_wait3A_1096] : memref<8x!tpu.dma_semaphore, #tpu.memory_space<semaphore_mem>> -> memref<1x!tpu.dma_semaphore, #tpu.memory_space<semaphore_mem>>
      %dma_wait3A_1108 = tpu.memref_squeeze %dma_wait3A_1107 : memref<1x!tpu.dma_semaphore, #tpu.memory_space<semaphore_mem>> -> memref<!tpu.dma_semaphore, #tpu.memory_space<semaphore_mem>>
      tpu.wait_indirect_dma semaphore(%dma_wait3A_1108 : memref<!tpu.dma_semaphore, #tpu.memory_space<semaphore_mem>>) src(%dma_wait3A_1106 : memref<1000000x32xf32, #tpu.memory_space<hbm>>) dst(%dma_wait3A_1100 : memref<128x32xf32, #tpu.memory_space<vmem>>)
      %add3A_1109 = arith.constant 2 : i32
      %add3A_1110 = arith.addi %mul3A_726, %add3A_1109 : i32
      %dma_start3A_1111 = arith.constant 2 : i32
      %dma_start3A_1112 = arith.constant 2 : i32
      %dma_start3A_1113 = arith.constant 0 : i32
      %dma_start3A_1114 = arith.constant 0 : i32
      %dma_start3A_1115 = tpu.memref_slice %arg6[%dma_start3A_1111, %dma_start3A_1113, %dma_start3A_1114] : memref<8x128x32xf32, #tpu.memory_space<vmem>> -> memref<1x128x32xf32, #tpu.memory_space<vmem>>
      %dma_start3A_1116 = tpu.memref_squeeze %dma_start3A_1115 : memref<1x128x32xf32, #tpu.memory_space<vmem>> -> memref<128x32xf32, #tpu.memory_space<vmem>>
      %dma_start3A_1117 = arith.constant 0 : i32
      %dma_start3A_1118 = arith.constant 0 : i32
      %dma_start3A_1119 = tpu.memref_slice %arg4[%add3A, %add3A_1110, %dma_start3A_1117, %dma_start3A_1118] : memref<32x226x128x32xf32, #tpu.memory_space<hbm>> -> memref<1x1x128x32xf32, #tpu.memory_space<hbm>>
      %dma_start3A_1120 = tpu.memref_squeeze %dma_start3A_1119 : memref<1x1x128x32xf32, #tpu.memory_space<hbm>> -> memref<128x32xf32, #tpu.memory_space<hbm>>
      %dma_start3A_1121 = tpu.memref_slice %arg8[%dma_start3A_1112] : memref<8x!tpu.dma_semaphore, #tpu.memory_space<semaphore_mem>> -> memref<1x!tpu.dma_semaphore, #tpu.memory_space<semaphore_mem>>
      %dma_start3A_1122 = tpu.memref_squeeze %dma_start3A_1121 : memref<1x!tpu.dma_semaphore, #tpu.memory_space<semaphore_mem>> -> memref<!tpu.dma_semaphore, #tpu.memory_space<semaphore_mem>>
      %dma_start3A_1123 = arith.constant 0 : i32
      %dma_start3A_1124 = arith.constant 0 : i32
      %dma_start3A_1125 = tpu.memref_slice %arg4[%add3A, %add3A_1110, %dma_start3A_1123, %dma_start3A_1124] : memref<32x226x128x32xf32, #tpu.memory_space<hbm>> -> memref<1x1x128x32xf32, #tpu.memory_space<hbm>>
      %dma_start3A_1126 = tpu.memref_squeeze %dma_start3A_1125 : memref<1x1x128x32xf32, #tpu.memory_space<hbm>> -> memref<128x32xf32, #tpu.memory_space<hbm>>
      %dma_start3A_1127 = arith.constant 0 : i32
      %dma_start3A_1128 = arith.constant 0 : i32
      %dma_start3A_1129 = tpu.memref_slice %arg6[%dma_start3A_1111, %dma_start3A_1127, %dma_start3A_1128] : memref<8x128x32xf32, #tpu.memory_space<vmem>> -> memref<1x128x32xf32, #tpu.memory_space<vmem>>
      %dma_start3A_1130 = tpu.memref_squeeze %dma_start3A_1129 : memref<1x128x32xf32, #tpu.memory_space<vmem>> -> memref<128x32xf32, #tpu.memory_space<vmem>>
      tpu.enqueue_dma source(%dma_start3A_1130 : memref<128x32xf32, #tpu.memory_space<vmem>>) target(%dma_start3A_1126 : memref<128x32xf32, #tpu.memory_space<hbm>>) target_semaphore(%dma_start3A_1122 : memref<!tpu.dma_semaphore, #tpu.memory_space<semaphore_mem>>)
      %dma_wait3A_1131 = arith.constant 3 : i32
      %dma_wait3A_1132 = arith.constant 3 : i32
      %dma_wait3A_1133 = arith.constant 0 : i32
      %dma_wait3A_1134 = arith.constant 0 : i32
      %dma_wait3A_1135 = tpu.memref_slice %arg6[%dma_wait3A_1131, %dma_wait3A_1133, %dma_wait3A_1134] : memref<8x128x32xf32, #tpu.memory_space<vmem>> -> memref<1x128x32xf32, #tpu.memory_space<vmem>>
      %dma_wait3A_1136 = tpu.memref_squeeze %dma_wait3A_1135 : memref<1x128x32xf32, #tpu.memory_space<vmem>> -> memref<128x32xf32, #tpu.memory_space<vmem>>
      %dma_wait3A_1137 = arith.constant 0 : i32
      %dma_wait3A_1138 = tpu.memref_slice %arg5[%add3A_860, %dma_wait3A_1137] : memref<226x128xi32, #tpu.memory_space<vmem>> -> memref<1x128xi32, #tpu.memory_space<vmem>>
      %dma_wait3A_1139 = tpu.memref_squeeze %dma_wait3A_1138 : memref<1x128xi32, #tpu.memory_space<vmem>> -> memref<128xi32, #tpu.memory_space<vmem>>
      %dma_wait3A_1140 = arith.constant 0 : i32
      %dma_wait3A_1141 = arith.constant 0 : i32
      %dma_wait3A_1142 = tpu.memref_slice %arg3[%dma_wait3A_1140, %dma_wait3A_1141] : memref<1000000x32xf32, #tpu.memory_space<hbm>> -> memref<1000000x32xf32, #tpu.memory_space<hbm>>
      %dma_wait3A_1143 = tpu.memref_slice %arg7[%dma_wait3A_1132] : memref<8x!tpu.dma_semaphore, #tpu.memory_space<semaphore_mem>> -> memref<1x!tpu.dma_semaphore, #tpu.memory_space<semaphore_mem>>
      %dma_wait3A_1144 = tpu.memref_squeeze %dma_wait3A_1143 : memref<1x!tpu.dma_semaphore, #tpu.memory_space<semaphore_mem>> -> memref<!tpu.dma_semaphore, #tpu.memory_space<semaphore_mem>>
      tpu.wait_indirect_dma semaphore(%dma_wait3A_1144 : memref<!tpu.dma_semaphore, #tpu.memory_space<semaphore_mem>>) src(%dma_wait3A_1142 : memref<1000000x32xf32, #tpu.memory_space<hbm>>) dst(%dma_wait3A_1136 : memref<128x32xf32, #tpu.memory_space<vmem>>)
      %add3A_1145 = arith.constant 3 : i32
      %add3A_1146 = arith.addi %mul3A_726, %add3A_1145 : i32
      %dma_start3A_1147 = arith.constant 3 : i32
      %dma_start3A_1148 = arith.constant 3 : i32
      %dma_start3A_1149 = arith.constant 0 : i32
      %dma_start3A_1150 = arith.constant 0 : i32
      %dma_start3A_1151 = tpu.memref_slice %arg6[%dma_start3A_1147, %dma_start3A_1149, %dma_start3A_1150] : memref<8x128x32xf32, #tpu.memory_space<vmem>> -> memref<1x128x32xf32, #tpu.memory_space<vmem>>
      %dma_start3A_1152 = tpu.memref_squeeze %dma_start3A_1151 : memref<1x128x32xf32, #tpu.memory_space<vmem>> -> memref<128x32xf32, #tpu.memory_space<vmem>>
      %dma_start3A_1153 = arith.constant 0 : i32
      %dma_start3A_1154 = arith.constant 0 : i32
      %dma_start3A_1155 = tpu.memref_slice %arg4[%add3A, %add3A_1146, %dma_start3A_1153, %dma_start3A_1154] : memref<32x226x128x32xf32, #tpu.memory_space<hbm>> -> memref<1x1x128x32xf32, #tpu.memory_space<hbm>>
      %dma_start3A_1156 = tpu.memref_squeeze %dma_start3A_1155 : memref<1x1x128x32xf32, #tpu.memory_space<hbm>> -> memref<128x32xf32, #tpu.memory_space<hbm>>
      %dma_start3A_1157 = tpu.memref_slice %arg8[%dma_start3A_1148] : memref<8x!tpu.dma_semaphore, #tpu.memory_space<semaphore_mem>> -> memref<1x!tpu.dma_semaphore, #tpu.memory_space<semaphore_mem>>
      %dma_start3A_1158 = tpu.memref_squeeze %dma_start3A_1157 : memref<1x!tpu.dma_semaphore, #tpu.memory_space<semaphore_mem>> -> memref<!tpu.dma_semaphore, #tpu.memory_space<semaphore_mem>>
      %dma_start3A_1159 = arith.constant 0 : i32
      %dma_start3A_1160 = arith.constant 0 : i32
      %dma_start3A_1161 = tpu.memref_slice %arg4[%add3A, %add3A_1146, %dma_start3A_1159, %dma_start3A_1160] : memref<32x226x128x32xf32, #tpu.memory_space<hbm>> -> memref<1x1x128x32xf32, #tpu.memory_space<hbm>>
      %dma_start3A_1162 = tpu.memref_squeeze %dma_start3A_1161 : memref<1x1x128x32xf32, #tpu.memory_space<hbm>> -> memref<128x32xf32, #tpu.memory_space<hbm>>
      %dma_start3A_1163 = arith.constant 0 : i32
      %dma_start3A_1164 = arith.constant 0 : i32
      %dma_start3A_1165 = tpu.memref_slice %arg6[%dma_start3A_1147, %dma_start3A_1163, %dma_start3A_1164] : memref<8x128x32xf32, #tpu.memory_space<vmem>> -> memref<1x128x32xf32, #tpu.memory_space<vmem>>
      %dma_start3A_1166 = tpu.memref_squeeze %dma_start3A_1165 : memref<1x128x32xf32, #tpu.memory_space<vmem>> -> memref<128x32xf32, #tpu.memory_space<vmem>>
      tpu.enqueue_dma source(%dma_start3A_1166 : memref<128x32xf32, #tpu.memory_space<vmem>>) target(%dma_start3A_1162 : memref<128x32xf32, #tpu.memory_space<hbm>>) target_semaphore(%dma_start3A_1158 : memref<!tpu.dma_semaphore, #tpu.memory_space<semaphore_mem>>)
      %dma_wait3A_1167 = arith.constant 4 : i32
      %dma_wait3A_1168 = arith.constant 4 : i32
      %dma_wait3A_1169 = arith.constant 0 : i32
      %dma_wait3A_1170 = arith.constant 0 : i32
      %dma_wait3A_1171 = tpu.memref_slice %arg6[%dma_wait3A_1167, %dma_wait3A_1169, %dma_wait3A_1170] : memref<8x128x32xf32, #tpu.memory_space<vmem>> -> memref<1x128x32xf32, #tpu.memory_space<vmem>>
      %dma_wait3A_1172 = tpu.memref_squeeze %dma_wait3A_1171 : memref<1x128x32xf32, #tpu.memory_space<vmem>> -> memref<128x32xf32, #tpu.memory_space<vmem>>
      %dma_wait3A_1173 = arith.constant 0 : i32
      %dma_wait3A_1174 = tpu.memref_slice %arg5[%add3A_897, %dma_wait3A_1173] : memref<226x128xi32, #tpu.memory_space<vmem>> -> memref<1x128xi32, #tpu.memory_space<vmem>>
      %dma_wait3A_1175 = tpu.memref_squeeze %dma_wait3A_1174 : memref<1x128xi32, #tpu.memory_space<vmem>> -> memref<128xi32, #tpu.memory_space<vmem>>
      %dma_wait3A_1176 = arith.constant 0 : i32
      %dma_wait3A_1177 = arith.constant 0 : i32
      %dma_wait3A_1178 = tpu.memref_slice %arg3[%dma_wait3A_1176, %dma_wait3A_1177] : memref<1000000x32xf32, #tpu.memory_space<hbm>> -> memref<1000000x32xf32, #tpu.memory_space<hbm>>
      %dma_wait3A_1179 = tpu.memref_slice %arg7[%dma_wait3A_1168] : memref<8x!tpu.dma_semaphore, #tpu.memory_space<semaphore_mem>> -> memref<1x!tpu.dma_semaphore, #tpu.memory_space<semaphore_mem>>
      %dma_wait3A_1180 = tpu.memref_squeeze %dma_wait3A_1179 : memref<1x!tpu.dma_semaphore, #tpu.memory_space<semaphore_mem>> -> memref<!tpu.dma_semaphore, #tpu.memory_space<semaphore_mem>>
      tpu.wait_indirect_dma semaphore(%dma_wait3A_1180 : memref<!tpu.dma_semaphore, #tpu.memory_space<semaphore_mem>>) src(%dma_wait3A_1178 : memref<1000000x32xf32, #tpu.memory_space<hbm>>) dst(%dma_wait3A_1172 : memref<128x32xf32, #tpu.memory_space<vmem>>)
      %add3A_1181 = arith.constant 4 : i32
      %add3A_1182 = arith.addi %mul3A_726, %add3A_1181 : i32
      %dma_start3A_1183 = arith.constant 4 : i32
      %dma_start3A_1184 = arith.constant 4 : i32
      %dma_start3A_1185 = arith.constant 0 : i32
      %dma_start3A_1186 = arith.constant 0 : i32
      %dma_start3A_1187 = tpu.memref_slice %arg6[%dma_start3A_1183, %dma_start3A_1185, %dma_start3A_1186] : memref<8x128x32xf32, #tpu.memory_space<vmem>> -> memref<1x128x32xf32, #tpu.memory_space<vmem>>
      %dma_start3A_1188 = tpu.memref_squeeze %dma_start3A_1187 : memref<1x128x32xf32, #tpu.memory_space<vmem>> -> memref<128x32xf32, #tpu.memory_space<vmem>>
      %dma_start3A_1189 = arith.constant 0 : i32
      %dma_start3A_1190 = arith.constant 0 : i32
      %dma_start3A_1191 = tpu.memref_slice %arg4[%add3A, %add3A_1182, %dma_start3A_1189, %dma_start3A_1190] : memref<32x226x128x32xf32, #tpu.memory_space<hbm>> -> memref<1x1x128x32xf32, #tpu.memory_space<hbm>>
      %dma_start3A_1192 = tpu.memref_squeeze %dma_start3A_1191 : memref<1x1x128x32xf32, #tpu.memory_space<hbm>> -> memref<128x32xf32, #tpu.memory_space<hbm>>
      %dma_start3A_1193 = tpu.memref_slice %arg8[%dma_start3A_1184] : memref<8x!tpu.dma_semaphore, #tpu.memory_space<semaphore_mem>> -> memref<1x!tpu.dma_semaphore, #tpu.memory_space<semaphore_mem>>
      %dma_start3A_1194 = tpu.memref_squeeze %dma_start3A_1193 : memref<1x!tpu.dma_semaphore, #tpu.memory_space<semaphore_mem>> -> memref<!tpu.dma_semaphore, #tpu.memory_space<semaphore_mem>>
      %dma_start3A_1195 = arith.constant 0 : i32
      %dma_start3A_1196 = arith.constant 0 : i32
      %dma_start3A_1197 = tpu.memref_slice %arg4[%add3A, %add3A_1182, %dma_start3A_1195, %dma_start3A_1196] : memref<32x226x128x32xf32, #tpu.memory_space<hbm>> -> memref<1x1x128x32xf32, #tpu.memory_space<hbm>>
      %dma_start3A_1198 = tpu.memref_squeeze %dma_start3A_1197 : memref<1x1x128x32xf32, #tpu.memory_space<hbm>> -> memref<128x32xf32, #tpu.memory_space<hbm>>
      %dma_start3A_1199 = arith.constant 0 : i32
      %dma_start3A_1200 = arith.constant 0 : i32
      %dma_start3A_1201 = tpu.memref_slice %arg6[%dma_start3A_1183, %dma_start3A_1199, %dma_start3A_1200] : memref<8x128x32xf32, #tpu.memory_space<vmem>> -> memref<1x128x32xf32, #tpu.memory_space<vmem>>
      %dma_start3A_1202 = tpu.memref_squeeze %dma_start3A_1201 : memref<1x128x32xf32, #tpu.memory_space<vmem>> -> memref<128x32xf32, #tpu.memory_space<vmem>>
      tpu.enqueue_dma source(%dma_start3A_1202 : memref<128x32xf32, #tpu.memory_space<vmem>>) target(%dma_start3A_1198 : memref<128x32xf32, #tpu.memory_space<hbm>>) target_semaphore(%dma_start3A_1194 : memref<!tpu.dma_semaphore, #tpu.memory_space<semaphore_mem>>)
      %dma_wait3A_1203 = arith.constant 5 : i32
      %dma_wait3A_1204 = arith.constant 5 : i32
      %dma_wait3A_1205 = arith.constant 0 : i32
      %dma_wait3A_1206 = arith.constant 0 : i32
      %dma_wait3A_1207 = tpu.memref_slice %arg6[%dma_wait3A_1203, %dma_wait3A_1205, %dma_wait3A_1206] : memref<8x128x32xf32, #tpu.memory_space<vmem>> -> memref<1x128x32xf32, #tpu.memory_space<vmem>>
      %dma_wait3A_1208 = tpu.memref_squeeze %dma_wait3A_1207 : memref<1x128x32xf32, #tpu.memory_space<vmem>> -> memref<128x32xf32, #tpu.memory_space<vmem>>
      %dma_wait3A_1209 = arith.constant 0 : i32
      %dma_wait3A_1210 = tpu.memref_slice %arg5[%add3A_934, %dma_wait3A_1209] : memref<226x128xi32, #tpu.memory_space<vmem>> -> memref<1x128xi32, #tpu.memory_space<vmem>>
      %dma_wait3A_1211 = tpu.memref_squeeze %dma_wait3A_1210 : memref<1x128xi32, #tpu.memory_space<vmem>> -> memref<128xi32, #tpu.memory_space<vmem>>
      %dma_wait3A_1212 = arith.constant 0 : i32
      %dma_wait3A_1213 = arith.constant 0 : i32
      %dma_wait3A_1214 = tpu.memref_slice %arg3[%dma_wait3A_1212, %dma_wait3A_1213] : memref<1000000x32xf32, #tpu.memory_space<hbm>> -> memref<1000000x32xf32, #tpu.memory_space<hbm>>
      %dma_wait3A_1215 = tpu.memref_slice %arg7[%dma_wait3A_1204] : memref<8x!tpu.dma_semaphore, #tpu.memory_space<semaphore_mem>> -> memref<1x!tpu.dma_semaphore, #tpu.memory_space<semaphore_mem>>
      %dma_wait3A_1216 = tpu.memref_squeeze %dma_wait3A_1215 : memref<1x!tpu.dma_semaphore, #tpu.memory_space<semaphore_mem>> -> memref<!tpu.dma_semaphore, #tpu.memory_space<semaphore_mem>>
      tpu.wait_indirect_dma semaphore(%dma_wait3A_1216 : memref<!tpu.dma_semaphore, #tpu.memory_space<semaphore_mem>>) src(%dma_wait3A_1214 : memref<1000000x32xf32, #tpu.memory_space<hbm>>) dst(%dma_wait3A_1208 : memref<128x32xf32, #tpu.memory_space<vmem>>)
      %add3A_1217 = arith.constant 5 : i32
      %add3A_1218 = arith.addi %mul3A_726, %add3A_1217 : i32
      %dma_start3A_1219 = arith.constant 5 : i32
      %dma_start3A_1220 = arith.constant 5 : i32
      %dma_start3A_1221 = arith.constant 0 : i32
      %dma_start3A_1222 = arith.constant 0 : i32
      %dma_start3A_1223 = tpu.memref_slice %arg6[%dma_start3A_1219, %dma_start3A_1221, %dma_start3A_1222] : memref<8x128x32xf32, #tpu.memory_space<vmem>> -> memref<1x128x32xf32, #tpu.memory_space<vmem>>
      %dma_start3A_1224 = tpu.memref_squeeze %dma_start3A_1223 : memref<1x128x32xf32, #tpu.memory_space<vmem>> -> memref<128x32xf32, #tpu.memory_space<vmem>>
      %dma_start3A_1225 = arith.constant 0 : i32
      %dma_start3A_1226 = arith.constant 0 : i32
      %dma_start3A_1227 = tpu.memref_slice %arg4[%add3A, %add3A_1218, %dma_start3A_1225, %dma_start3A_1226] : memref<32x226x128x32xf32, #tpu.memory_space<hbm>> -> memref<1x1x128x32xf32, #tpu.memory_space<hbm>>
      %dma_start3A_1228 = tpu.memref_squeeze %dma_start3A_1227 : memref<1x1x128x32xf32, #tpu.memory_space<hbm>> -> memref<128x32xf32, #tpu.memory_space<hbm>>
      %dma_start3A_1229 = tpu.memref_slice %arg8[%dma_start3A_1220] : memref<8x!tpu.dma_semaphore, #tpu.memory_space<semaphore_mem>> -> memref<1x!tpu.dma_semaphore, #tpu.memory_space<semaphore_mem>>
      %dma_start3A_1230 = tpu.memref_squeeze %dma_start3A_1229 : memref<1x!tpu.dma_semaphore, #tpu.memory_space<semaphore_mem>> -> memref<!tpu.dma_semaphore, #tpu.memory_space<semaphore_mem>>
      %dma_start3A_1231 = arith.constant 0 : i32
      %dma_start3A_1232 = arith.constant 0 : i32
      %dma_start3A_1233 = tpu.memref_slice %arg4[%add3A, %add3A_1218, %dma_start3A_1231, %dma_start3A_1232] : memref<32x226x128x32xf32, #tpu.memory_space<hbm>> -> memref<1x1x128x32xf32, #tpu.memory_space<hbm>>
      %dma_start3A_1234 = tpu.memref_squeeze %dma_start3A_1233 : memref<1x1x128x32xf32, #tpu.memory_space<hbm>> -> memref<128x32xf32, #tpu.memory_space<hbm>>
      %dma_start3A_1235 = arith.constant 0 : i32
      %dma_start3A_1236 = arith.constant 0 : i32
      %dma_start3A_1237 = tpu.memref_slice %arg6[%dma_start3A_1219, %dma_start3A_1235, %dma_start3A_1236] : memref<8x128x32xf32, #tpu.memory_space<vmem>> -> memref<1x128x32xf32, #tpu.memory_space<vmem>>
      %dma_start3A_1238 = tpu.memref_squeeze %dma_start3A_1237 : memref<1x128x32xf32, #tpu.memory_space<vmem>> -> memref<128x32xf32, #tpu.memory_space<vmem>>
      tpu.enqueue_dma source(%dma_start3A_1238 : memref<128x32xf32, #tpu.memory_space<vmem>>) target(%dma_start3A_1234 : memref<128x32xf32, #tpu.memory_space<hbm>>) target_semaphore(%dma_start3A_1230 : memref<!tpu.dma_semaphore, #tpu.memory_space<semaphore_mem>>)
      %dma_wait3A_1239 = arith.constant 6 : i32
      %dma_wait3A_1240 = arith.constant 6 : i32
      %dma_wait3A_1241 = arith.constant 0 : i32
      %dma_wait3A_1242 = arith.constant 0 : i32
      %dma_wait3A_1243 = tpu.memref_slice %arg6[%dma_wait3A_1239, %dma_wait3A_1241, %dma_wait3A_1242] : memref<8x128x32xf32, #tpu.memory_space<vmem>> -> memref<1x128x32xf32, #tpu.memory_space<vmem>>
      %dma_wait3A_1244 = tpu.memref_squeeze %dma_wait3A_1243 : memref<1x128x32xf32, #tpu.memory_space<vmem>> -> memref<128x32xf32, #tpu.memory_space<vmem>>
      %dma_wait3A_1245 = arith.constant 0 : i32
      %dma_wait3A_1246 = tpu.memref_slice %arg5[%add3A_971, %dma_wait3A_1245] : memref<226x128xi32, #tpu.memory_space<vmem>> -> memref<1x128xi32, #tpu.memory_space<vmem>>
      %dma_wait3A_1247 = tpu.memref_squeeze %dma_wait3A_1246 : memref<1x128xi32, #tpu.memory_space<vmem>> -> memref<128xi32, #tpu.memory_space<vmem>>
      %dma_wait3A_1248 = arith.constant 0 : i32
      %dma_wait3A_1249 = arith.constant 0 : i32
      %dma_wait3A_1250 = tpu.memref_slice %arg3[%dma_wait3A_1248, %dma_wait3A_1249] : memref<1000000x32xf32, #tpu.memory_space<hbm>> -> memref<1000000x32xf32, #tpu.memory_space<hbm>>
      %dma_wait3A_1251 = tpu.memref_slice %arg7[%dma_wait3A_1240] : memref<8x!tpu.dma_semaphore, #tpu.memory_space<semaphore_mem>> -> memref<1x!tpu.dma_semaphore, #tpu.memory_space<semaphore_mem>>
      %dma_wait3A_1252 = tpu.memref_squeeze %dma_wait3A_1251 : memref<1x!tpu.dma_semaphore, #tpu.memory_space<semaphore_mem>> -> memref<!tpu.dma_semaphore, #tpu.memory_space<semaphore_mem>>
      tpu.wait_indirect_dma semaphore(%dma_wait3A_1252 : memref<!tpu.dma_semaphore, #tpu.memory_space<semaphore_mem>>) src(%dma_wait3A_1250 : memref<1000000x32xf32, #tpu.memory_space<hbm>>) dst(%dma_wait3A_1244 : memref<128x32xf32, #tpu.memory_space<vmem>>)
      %add3A_1253 = arith.constant 6 : i32
      %add3A_1254 = arith.addi %mul3A_726, %add3A_1253 : i32
      %dma_start3A_1255 = arith.constant 6 : i32
      %dma_start3A_1256 = arith.constant 6 : i32
      %dma_start3A_1257 = arith.constant 0 : i32
      %dma_start3A_1258 = arith.constant 0 : i32
      %dma_start3A_1259 = tpu.memref_slice %arg6[%dma_start3A_1255, %dma_start3A_1257, %dma_start3A_1258] : memref<8x128x32xf32, #tpu.memory_space<vmem>> -> memref<1x128x32xf32, #tpu.memory_space<vmem>>
      %dma_start3A_1260 = tpu.memref_squeeze %dma_start3A_1259 : memref<1x128x32xf32, #tpu.memory_space<vmem>> -> memref<128x32xf32, #tpu.memory_space<vmem>>
      %dma_start3A_1261 = arith.constant 0 : i32
      %dma_start3A_1262 = arith.constant 0 : i32
      %dma_start3A_1263 = tpu.memref_slice %arg4[%add3A, %add3A_1254, %dma_start3A_1261, %dma_start3A_1262] : memref<32x226x128x32xf32, #tpu.memory_space<hbm>> -> memref<1x1x128x32xf32, #tpu.memory_space<hbm>>
      %dma_start3A_1264 = tpu.memref_squeeze %dma_start3A_1263 : memref<1x1x128x32xf32, #tpu.memory_space<hbm>> -> memref<128x32xf32, #tpu.memory_space<hbm>>
      %dma_start3A_1265 = tpu.memref_slice %arg8[%dma_start3A_1256] : memref<8x!tpu.dma_semaphore, #tpu.memory_space<semaphore_mem>> -> memref<1x!tpu.dma_semaphore, #tpu.memory_space<semaphore_mem>>
      %dma_start3A_1266 = tpu.memref_squeeze %dma_start3A_1265 : memref<1x!tpu.dma_semaphore, #tpu.memory_space<semaphore_mem>> -> memref<!tpu.dma_semaphore, #tpu.memory_space<semaphore_mem>>
      %dma_start3A_1267 = arith.constant 0 : i32
      %dma_start3A_1268 = arith.constant 0 : i32
      %dma_start3A_1269 = tpu.memref_slice %arg4[%add3A, %add3A_1254, %dma_start3A_1267, %dma_start3A_1268] : memref<32x226x128x32xf32, #tpu.memory_space<hbm>> -> memref<1x1x128x32xf32, #tpu.memory_space<hbm>>
      %dma_start3A_1270 = tpu.memref_squeeze %dma_start3A_1269 : memref<1x1x128x32xf32, #tpu.memory_space<hbm>> -> memref<128x32xf32, #tpu.memory_space<hbm>>
      %dma_start3A_1271 = arith.constant 0 : i32
      %dma_start3A_1272 = arith.constant 0 : i32
      %dma_start3A_1273 = tpu.memref_slice %arg6[%dma_start3A_1255, %dma_start3A_1271, %dma_start3A_1272] : memref<8x128x32xf32, #tpu.memory_space<vmem>> -> memref<1x128x32xf32, #tpu.memory_space<vmem>>
      %dma_start3A_1274 = tpu.memref_squeeze %dma_start3A_1273 : memref<1x128x32xf32, #tpu.memory_space<vmem>> -> memref<128x32xf32, #tpu.memory_space<vmem>>
      tpu.enqueue_dma source(%dma_start3A_1274 : memref<128x32xf32, #tpu.memory_space<vmem>>) target(%dma_start3A_1270 : memref<128x32xf32, #tpu.memory_space<hbm>>) target_semaphore(%dma_start3A_1266 : memref<!tpu.dma_semaphore, #tpu.memory_space<semaphore_mem>>)
      %dma_wait3A_1275 = arith.constant 7 : i32
      %dma_wait3A_1276 = arith.constant 7 : i32
      %dma_wait3A_1277 = arith.constant 0 : i32
      %dma_wait3A_1278 = arith.constant 0 : i32
      %dma_wait3A_1279 = tpu.memref_slice %arg6[%dma_wait3A_1275, %dma_wait3A_1277, %dma_wait3A_1278] : memref<8x128x32xf32, #tpu.memory_space<vmem>> -> memref<1x128x32xf32, #tpu.memory_space<vmem>>
      %dma_wait3A_1280 = tpu.memref_squeeze %dma_wait3A_1279 : memref<1x128x32xf32, #tpu.memory_space<vmem>> -> memref<128x32xf32, #tpu.memory_space<vmem>>
      %dma_wait3A_1281 = arith.constant 0 : i32
      %dma_wait3A_1282 = tpu.memref_slice %arg5[%add3A_1008, %dma_wait3A_1281] : memref<226x128xi32, #tpu.memory_space<vmem>> -> memref<1x128xi32, #tpu.memory_space<vmem>>
      %dma_wait3A_1283 = tpu.memref_squeeze %dma_wait3A_1282 : memref<1x128xi32, #tpu.memory_space<vmem>> -> memref<128xi32, #tpu.memory_space<vmem>>
      %dma_wait3A_1284 = arith.constant 0 : i32
      %dma_wait3A_1285 = arith.constant 0 : i32
      %dma_wait3A_1286 = tpu.memref_slice %arg3[%dma_wait3A_1284, %dma_wait3A_1285] : memref<1000000x32xf32, #tpu.memory_space<hbm>> -> memref<1000000x32xf32, #tpu.memory_space<hbm>>
      %dma_wait3A_1287 = tpu.memref_slice %arg7[%dma_wait3A_1276] : memref<8x!tpu.dma_semaphore, #tpu.memory_space<semaphore_mem>> -> memref<1x!tpu.dma_semaphore, #tpu.memory_space<semaphore_mem>>
      %dma_wait3A_1288 = tpu.memref_squeeze %dma_wait3A_1287 : memref<1x!tpu.dma_semaphore, #tpu.memory_space<semaphore_mem>> -> memref<!tpu.dma_semaphore, #tpu.memory_space<semaphore_mem>>
      tpu.wait_indirect_dma semaphore(%dma_wait3A_1288 : memref<!tpu.dma_semaphore, #tpu.memory_space<semaphore_mem>>) src(%dma_wait3A_1286 : memref<1000000x32xf32, #tpu.memory_space<hbm>>) dst(%dma_wait3A_1280 : memref<128x32xf32, #tpu.memory_space<vmem>>)
      %add3A_1289 = arith.constant 7 : i32
      %add3A_1290 = arith.addi %mul3A_726, %add3A_1289 : i32
      %dma_start3A_1291 = arith.constant 7 : i32
      %dma_start3A_1292 = arith.constant 7 : i32
      %dma_start3A_1293 = arith.constant 0 : i32
      %dma_start3A_1294 = arith.constant 0 : i32
      %dma_start3A_1295 = tpu.memref_slice %arg6[%dma_start3A_1291, %dma_start3A_1293, %dma_start3A_1294] : memref<8x128x32xf32, #tpu.memory_space<vmem>> -> memref<1x128x32xf32, #tpu.memory_space<vmem>>
      %dma_start3A_1296 = tpu.memref_squeeze %dma_start3A_1295 : memref<1x128x32xf32, #tpu.memory_space<vmem>> -> memref<128x32xf32, #tpu.memory_space<vmem>>
      %dma_start3A_1297 = arith.constant 0 : i32
      %dma_start3A_1298 = arith.constant 0 : i32
      %dma_start3A_1299 = tpu.memref_slice %arg4[%add3A, %add3A_1290, %dma_start3A_1297, %dma_start3A_1298] : memref<32x226x128x32xf32, #tpu.memory_space<hbm>> -> memref<1x1x128x32xf32, #tpu.memory_space<hbm>>
      %dma_start3A_1300 = tpu.memref_squeeze %dma_start3A_1299 : memref<1x1x128x32xf32, #tpu.memory_space<hbm>> -> memref<128x32xf32, #tpu.memory_space<hbm>>
      %dma_start3A_1301 = tpu.memref_slice %arg8[%dma_start3A_1292] : memref<8x!tpu.dma_semaphore, #tpu.memory_space<semaphore_mem>> -> memref<1x!tpu.dma_semaphore, #tpu.memory_space<semaphore_mem>>
      %dma_start3A_1302 = tpu.memref_squeeze %dma_start3A_1301 : memref<1x!tpu.dma_semaphore, #tpu.memory_space<semaphore_mem>> -> memref<!tpu.dma_semaphore, #tpu.memory_space<semaphore_mem>>
      %dma_start3A_1303 = arith.constant 0 : i32
      %dma_start3A_1304 = arith.constant 0 : i32
      %dma_start3A_1305 = tpu.memref_slice %arg4[%add3A, %add3A_1290, %dma_start3A_1303, %dma_start3A_1304] : memref<32x226x128x32xf32, #tpu.memory_space<hbm>> -> memref<1x1x128x32xf32, #tpu.memory_space<hbm>>
      %dma_start3A_1306 = tpu.memref_squeeze %dma_start3A_1305 : memref<1x1x128x32xf32, #tpu.memory_space<hbm>> -> memref<128x32xf32, #tpu.memory_space<hbm>>
      %dma_start3A_1307 = arith.constant 0 : i32
      %dma_start3A_1308 = arith.constant 0 : i32
      %dma_start3A_1309 = tpu.memref_slice %arg6[%dma_start3A_1291, %dma_start3A_1307, %dma_start3A_1308] : memref<8x128x32xf32, #tpu.memory_space<vmem>> -> memref<1x128x32xf32, #tpu.memory_space<vmem>>
      %dma_start3A_1310 = tpu.memref_squeeze %dma_start3A_1309 : memref<1x128x32xf32, #tpu.memory_space<vmem>> -> memref<128x32xf32, #tpu.memory_space<vmem>>
      tpu.enqueue_dma source(%dma_start3A_1310 : memref<128x32xf32, #tpu.memory_space<vmem>>) target(%dma_start3A_1306 : memref<128x32xf32, #tpu.memory_space<hbm>>) target_semaphore(%dma_start3A_1302 : memref<!tpu.dma_semaphore, #tpu.memory_space<semaphore_mem>>)
    }
    %scan3A_411 = arith.constant 27 : i32
    %dma_wait3A_412 = arith.constant 0 : i32
    %dma_wait3A_413 = arith.constant 0 : i32
    %dma_wait3A_414 = arith.constant 0 : i32
    %dma_wait3A_415 = arith.constant 0 : i32
    %dma_wait3A_416 = arith.constant 0 : i32
    %dma_wait3A_417 = tpu.memref_slice %arg6[%dma_wait3A_412, %dma_wait3A_415, %dma_wait3A_416] : memref<8x128x32xf32, #tpu.memory_space<vmem>> -> memref<1x128x32xf32, #tpu.memory_space<vmem>>
    %dma_wait3A_418 = tpu.memref_squeeze %dma_wait3A_417 : memref<1x128x32xf32, #tpu.memory_space<vmem>> -> memref<128x32xf32, #tpu.memory_space<vmem>>
    %dma_wait3A_419 = arith.constant 0 : i32
    %dma_wait3A_420 = arith.constant 0 : i32
    %dma_wait3A_421 = tpu.memref_slice %arg4[%add3A, %dma_wait3A_413, %dma_wait3A_419, %dma_wait3A_420] : memref<32x226x128x32xf32, #tpu.memory_space<hbm>> -> memref<1x1x128x32xf32, #tpu.memory_space<hbm>>
    %dma_wait3A_422 = tpu.memref_squeeze %dma_wait3A_421 : memref<1x1x128x32xf32, #tpu.memory_space<hbm>> -> memref<128x32xf32, #tpu.memory_space<hbm>>
    %dma_wait3A_423 = tpu.memref_slice %arg8[%dma_wait3A_414] : memref<8x!tpu.dma_semaphore, #tpu.memory_space<semaphore_mem>> -> memref<1x!tpu.dma_semaphore, #tpu.memory_space<semaphore_mem>>
    %dma_wait3A_424 = tpu.memref_squeeze %dma_wait3A_423 : memref<1x!tpu.dma_semaphore, #tpu.memory_space<semaphore_mem>> -> memref<!tpu.dma_semaphore, #tpu.memory_space<semaphore_mem>>
    %dma_wait3A_425 = arith.constant 0 : i32
    %dma_wait3A_426 = arith.constant 0 : i32
    %dma_wait3A_427 = tpu.memref_slice %arg4[%add3A, %dma_wait3A_413, %dma_wait3A_425, %dma_wait3A_426] : memref<32x226x128x32xf32, #tpu.memory_space<hbm>> -> memref<1x1x128x32xf32, #tpu.memory_space<hbm>>
    %dma_wait3A_428 = tpu.memref_squeeze %dma_wait3A_427 : memref<1x1x128x32xf32, #tpu.memory_space<hbm>> -> memref<128x32xf32, #tpu.memory_space<hbm>>
    %dma_wait3A_429 = arith.constant 0 : i32
    %dma_wait3A_430 = arith.constant 0 : i32
    %dma_wait3A_431 = tpu.memref_slice %arg6[%dma_wait3A_412, %dma_wait3A_429, %dma_wait3A_430] : memref<8x128x32xf32, #tpu.memory_space<vmem>> -> memref<1x128x32xf32, #tpu.memory_space<vmem>>
    %dma_wait3A_432 = tpu.memref_squeeze %dma_wait3A_431 : memref<1x128x32xf32, #tpu.memory_space<vmem>> -> memref<128x32xf32, #tpu.memory_space<vmem>>
    tpu.wait_dma2 semaphore(%dma_wait3A_424 : memref<!tpu.dma_semaphore, #tpu.memory_space<semaphore_mem>>) src(%dma_wait3A_432 : memref<128x32xf32, #tpu.memory_space<vmem>>) dst(%dma_wait3A_428 : memref<128x32xf32, #tpu.memory_space<hbm>>)
    %dma_start3A_433 = arith.constant 224 : i32
    %dma_start3A_434 = arith.constant 0 : i32
    %dma_start3A_435 = arith.constant 0 : i32
    %dma_start3A_436 = arith.constant 0 : i32
    %dma_start3A_437 = arith.constant 0 : i32
    %dma_start3A_438 = tpu.memref_slice %arg6[%dma_start3A_434, %dma_start3A_436, %dma_start3A_437] : memref<8x128x32xf32, #tpu.memory_space<vmem>> -> memref<1x128x32xf32, #tpu.memory_space<vmem>>
    %dma_start3A_439 = tpu.memref_squeeze %dma_start3A_438 : memref<1x128x32xf32, #tpu.memory_space<vmem>> -> memref<128x32xf32, #tpu.memory_space<vmem>>
    %dma_start3A_440 = arith.constant 0 : i32
    %dma_start3A_441 = tpu.memref_slice %arg5[%dma_start3A_433, %dma_start3A_440] : memref<226x128xi32, #tpu.memory_space<vmem>> -> memref<1x128xi32, #tpu.memory_space<vmem>>
    %dma_start3A_442 = tpu.memref_squeeze %dma_start3A_441 : memref<1x128xi32, #tpu.memory_space<vmem>> -> memref<128xi32, #tpu.memory_space<vmem>>
    %dma_start3A_443 = arith.constant 0 : i32
    %dma_start3A_444 = arith.constant 0 : i32
    %dma_start3A_445 = tpu.memref_slice %arg3[%dma_start3A_443, %dma_start3A_444] : memref<1000000x32xf32, #tpu.memory_space<hbm>> -> memref<1000000x32xf32, #tpu.memory_space<hbm>>
    %dma_start3A_446 = tpu.memref_slice %arg7[%dma_start3A_435] : memref<8x!tpu.dma_semaphore, #tpu.memory_space<semaphore_mem>> -> memref<1x!tpu.dma_semaphore, #tpu.memory_space<semaphore_mem>>
    %dma_start3A_447 = tpu.memref_squeeze %dma_start3A_446 : memref<1x!tpu.dma_semaphore, #tpu.memory_space<semaphore_mem>> -> memref<!tpu.dma_semaphore, #tpu.memory_space<semaphore_mem>>
    tpu.enqueue_indirect_dma source(%dma_start3A_445 : memref<1000000x32xf32, #tpu.memory_space<hbm>>) target(%dma_start3A_439 : memref<128x32xf32, #tpu.memory_space<vmem>>) offsets(%dma_start3A_442 : memref<128xi32, #tpu.memory_space<vmem>>) semaphore(%dma_start3A_447 : memref<!tpu.dma_semaphore, #tpu.memory_space<semaphore_mem>>)
    %dma_wait3A_448 = arith.constant 1 : i32
    %dma_wait3A_449 = arith.constant 0 : i32
    %dma_wait3A_450 = arith.constant 1 : i32
    %dma_wait3A_451 = arith.constant 0 : i32
    %dma_wait3A_452 = arith.constant 0 : i32
    %dma_wait3A_453 = tpu.memref_slice %arg6[%dma_wait3A_448, %dma_wait3A_451, %dma_wait3A_452] : memref<8x128x32xf32, #tpu.memory_space<vmem>> -> memref<1x128x32xf32, #tpu.memory_space<vmem>>
    %dma_wait3A_454 = tpu.memref_squeeze %dma_wait3A_453 : memref<1x128x32xf32, #tpu.memory_space<vmem>> -> memref<128x32xf32, #tpu.memory_space<vmem>>
    %dma_wait3A_455 = arith.constant 0 : i32
    %dma_wait3A_456 = arith.constant 0 : i32
    %dma_wait3A_457 = tpu.memref_slice %arg4[%add3A, %dma_wait3A_449, %dma_wait3A_455, %dma_wait3A_456] : memref<32x226x128x32xf32, #tpu.memory_space<hbm>> -> memref<1x1x128x32xf32, #tpu.memory_space<hbm>>
    %dma_wait3A_458 = tpu.memref_squeeze %dma_wait3A_457 : memref<1x1x128x32xf32, #tpu.memory_space<hbm>> -> memref<128x32xf32, #tpu.memory_space<hbm>>
    %dma_wait3A_459 = tpu.memref_slice %arg8[%dma_wait3A_450] : memref<8x!tpu.dma_semaphore, #tpu.memory_space<semaphore_mem>> -> memref<1x!tpu.dma_semaphore, #tpu.memory_space<semaphore_mem>>
    %dma_wait3A_460 = tpu.memref_squeeze %dma_wait3A_459 : memref<1x!tpu.dma_semaphore, #tpu.memory_space<semaphore_mem>> -> memref<!tpu.dma_semaphore, #tpu.memory_space<semaphore_mem>>
    %dma_wait3A_461 = arith.constant 0 : i32
    %dma_wait3A_462 = arith.constant 0 : i32
    %dma_wait3A_463 = tpu.memref_slice %arg4[%add3A, %dma_wait3A_449, %dma_wait3A_461, %dma_wait3A_462] : memref<32x226x128x32xf32, #tpu.memory_space<hbm>> -> memref<1x1x128x32xf32, #tpu.memory_space<hbm>>
    %dma_wait3A_464 = tpu.memref_squeeze %dma_wait3A_463 : memref<1x1x128x32xf32, #tpu.memory_space<hbm>> -> memref<128x32xf32, #tpu.memory_space<hbm>>
    %dma_wait3A_465 = arith.constant 0 : i32
    %dma_wait3A_466 = arith.constant 0 : i32
    %dma_wait3A_467 = tpu.memref_slice %arg6[%dma_wait3A_448, %dma_wait3A_465, %dma_wait3A_466] : memref<8x128x32xf32, #tpu.memory_space<vmem>> -> memref<1x128x32xf32, #tpu.memory_space<vmem>>
    %dma_wait3A_468 = tpu.memref_squeeze %dma_wait3A_467 : memref<1x128x32xf32, #tpu.memory_space<vmem>> -> memref<128x32xf32, #tpu.memory_space<vmem>>
    tpu.wait_dma2 semaphore(%dma_wait3A_460 : memref<!tpu.dma_semaphore, #tpu.memory_space<semaphore_mem>>) src(%dma_wait3A_468 : memref<128x32xf32, #tpu.memory_space<vmem>>) dst(%dma_wait3A_464 : memref<128x32xf32, #tpu.memory_space<hbm>>)
    %dma_start3A_469 = arith.constant 225 : i32
    %dma_start3A_470 = arith.constant 1 : i32
    %dma_start3A_471 = arith.constant 1 : i32
    %dma_start3A_472 = arith.constant 0 : i32
    %dma_start3A_473 = arith.constant 0 : i32
    %dma_start3A_474 = tpu.memref_slice %arg6[%dma_start3A_470, %dma_start3A_472, %dma_start3A_473] : memref<8x128x32xf32, #tpu.memory_space<vmem>> -> memref<1x128x32xf32, #tpu.memory_space<vmem>>
    %dma_start3A_475 = tpu.memref_squeeze %dma_start3A_474 : memref<1x128x32xf32, #tpu.memory_space<vmem>> -> memref<128x32xf32, #tpu.memory_space<vmem>>
    %dma_start3A_476 = arith.constant 0 : i32
    %dma_start3A_477 = tpu.memref_slice %arg5[%dma_start3A_469, %dma_start3A_476] : memref<226x128xi32, #tpu.memory_space<vmem>> -> memref<1x128xi32, #tpu.memory_space<vmem>>
    %dma_start3A_478 = tpu.memref_squeeze %dma_start3A_477 : memref<1x128xi32, #tpu.memory_space<vmem>> -> memref<128xi32, #tpu.memory_space<vmem>>
    %dma_start3A_479 = arith.constant 0 : i32
    %dma_start3A_480 = arith.constant 0 : i32
    %dma_start3A_481 = tpu.memref_slice %arg3[%dma_start3A_479, %dma_start3A_480] : memref<1000000x32xf32, #tpu.memory_space<hbm>> -> memref<1000000x32xf32, #tpu.memory_space<hbm>>
    %dma_start3A_482 = tpu.memref_slice %arg7[%dma_start3A_471] : memref<8x!tpu.dma_semaphore, #tpu.memory_space<semaphore_mem>> -> memref<1x!tpu.dma_semaphore, #tpu.memory_space<semaphore_mem>>
    %dma_start3A_483 = tpu.memref_squeeze %dma_start3A_482 : memref<1x!tpu.dma_semaphore, #tpu.memory_space<semaphore_mem>> -> memref<!tpu.dma_semaphore, #tpu.memory_space<semaphore_mem>>
    tpu.enqueue_indirect_dma source(%dma_start3A_481 : memref<1000000x32xf32, #tpu.memory_space<hbm>>) target(%dma_start3A_475 : memref<128x32xf32, #tpu.memory_space<vmem>>) offsets(%dma_start3A_478 : memref<128xi32, #tpu.memory_space<vmem>>) semaphore(%dma_start3A_483 : memref<!tpu.dma_semaphore, #tpu.memory_space<semaphore_mem>>)
    %dma_wait3A_484 = arith.constant 224 : i32
    %dma_wait3A_485 = arith.constant 0 : i32
    %dma_wait3A_486 = arith.constant 0 : i32
    %dma_wait3A_487 = arith.constant 0 : i32
    %dma_wait3A_488 = arith.constant 0 : i32
    %dma_wait3A_489 = tpu.memref_slice %arg6[%dma_wait3A_485, %dma_wait3A_487, %dma_wait3A_488] : memref<8x128x32xf32, #tpu.memory_space<vmem>> -> memref<1x128x32xf32, #tpu.memory_space<vmem>>
    %dma_wait3A_490 = tpu.memref_squeeze %dma_wait3A_489 : memref<1x128x32xf32, #tpu.memory_space<vmem>> -> memref<128x32xf32, #tpu.memory_space<vmem>>
    %dma_wait3A_491 = arith.constant 0 : i32
    %dma_wait3A_492 = tpu.memref_slice %arg5[%dma_wait3A_484, %dma_wait3A_491] : memref<226x128xi32, #tpu.memory_space<vmem>> -> memref<1x128xi32, #tpu.memory_space<vmem>>
    %dma_wait3A_493 = tpu.memref_squeeze %dma_wait3A_492 : memref<1x128xi32, #tpu.memory_space<vmem>> -> memref<128xi32, #tpu.memory_space<vmem>>
    %dma_wait3A_494 = arith.constant 0 : i32
    %dma_wait3A_495 = arith.constant 0 : i32
    %dma_wait3A_496 = tpu.memref_slice %arg3[%dma_wait3A_494, %dma_wait3A_495] : memref<1000000x32xf32, #tpu.memory_space<hbm>> -> memref<1000000x32xf32, #tpu.memory_space<hbm>>
    %dma_wait3A_497 = tpu.memref_slice %arg7[%dma_wait3A_486] : memref<8x!tpu.dma_semaphore, #tpu.memory_space<semaphore_mem>> -> memref<1x!tpu.dma_semaphore, #tpu.memory_space<semaphore_mem>>
    %dma_wait3A_498 = tpu.memref_squeeze %dma_wait3A_497 : memref<1x!tpu.dma_semaphore, #tpu.memory_space<semaphore_mem>> -> memref<!tpu.dma_semaphore, #tpu.memory_space<semaphore_mem>>
    tpu.wait_indirect_dma semaphore(%dma_wait3A_498 : memref<!tpu.dma_semaphore, #tpu.memory_space<semaphore_mem>>) src(%dma_wait3A_496 : memref<1000000x32xf32, #tpu.memory_space<hbm>>) dst(%dma_wait3A_490 : memref<128x32xf32, #tpu.memory_space<vmem>>)
    %dma_start3A_499 = arith.constant 0 : i32
    %dma_start3A_500 = arith.constant 224 : i32
    %dma_start3A_501 = arith.constant 0 : i32
    %dma_start3A_502 = arith.constant 0 : i32
    %dma_start3A_503 = arith.constant 0 : i32
    %dma_start3A_504 = tpu.memref_slice %arg6[%dma_start3A_499, %dma_start3A_502, %dma_start3A_503] : memref<8x128x32xf32, #tpu.memory_space<vmem>> -> memref<1x128x32xf32, #tpu.memory_space<vmem>>
    %dma_start3A_505 = tpu.memref_squeeze %dma_start3A_504 : memref<1x128x32xf32, #tpu.memory_space<vmem>> -> memref<128x32xf32, #tpu.memory_space<vmem>>
    %dma_start3A_506 = arith.constant 0 : i32
    %dma_start3A_507 = arith.constant 0 : i32
    %dma_start3A_508 = tpu.memref_slice %arg4[%add3A, %dma_start3A_500, %dma_start3A_506, %dma_start3A_507] : memref<32x226x128x32xf32, #tpu.memory_space<hbm>> -> memref<1x1x128x32xf32, #tpu.memory_space<hbm>>
    %dma_start3A_509 = tpu.memref_squeeze %dma_start3A_508 : memref<1x1x128x32xf32, #tpu.memory_space<hbm>> -> memref<128x32xf32, #tpu.memory_space<hbm>>
    %dma_start3A_510 = tpu.memref_slice %arg8[%dma_start3A_501] : memref<8x!tpu.dma_semaphore, #tpu.memory_space<semaphore_mem>> -> memref<1x!tpu.dma_semaphore, #tpu.memory_space<semaphore_mem>>
    %dma_start3A_511 = tpu.memref_squeeze %dma_start3A_510 : memref<1x!tpu.dma_semaphore, #tpu.memory_space<semaphore_mem>> -> memref<!tpu.dma_semaphore, #tpu.memory_space<semaphore_mem>>
    %dma_start3A_512 = arith.constant 0 : i32
    %dma_start3A_513 = arith.constant 0 : i32
    %dma_start3A_514 = tpu.memref_slice %arg4[%add3A, %dma_start3A_500, %dma_start3A_512, %dma_start3A_513] : memref<32x226x128x32xf32, #tpu.memory_space<hbm>> -> memref<1x1x128x32xf32, #tpu.memory_space<hbm>>
    %dma_start3A_515 = tpu.memref_squeeze %dma_start3A_514 : memref<1x1x128x32xf32, #tpu.memory_space<hbm>> -> memref<128x32xf32, #tpu.memory_space<hbm>>
    %dma_start3A_516 = arith.constant 0 : i32
    %dma_start3A_517 = arith.constant 0 : i32
    %dma_start3A_518 = tpu.memref_slice %arg6[%dma_start3A_499, %dma_start3A_516, %dma_start3A_517] : memref<8x128x32xf32, #tpu.memory_space<vmem>> -> memref<1x128x32xf32, #tpu.memory_space<vmem>>
    %dma_start3A_519 = tpu.memref_squeeze %dma_start3A_518 : memref<1x128x32xf32, #tpu.memory_space<vmem>> -> memref<128x32xf32, #tpu.memory_space<vmem>>
    tpu.enqueue_dma source(%dma_start3A_519 : memref<128x32xf32, #tpu.memory_space<vmem>>) target(%dma_start3A_515 : memref<128x32xf32, #tpu.memory_space<hbm>>) target_semaphore(%dma_start3A_511 : memref<!tpu.dma_semaphore, #tpu.memory_space<semaphore_mem>>)
    %dma_wait3A_520 = arith.constant 225 : i32
    %dma_wait3A_521 = arith.constant 1 : i32
    %dma_wait3A_522 = arith.constant 1 : i32
    %dma_wait3A_523 = arith.constant 0 : i32
    %dma_wait3A_524 = arith.constant 0 : i32
    %dma_wait3A_525 = tpu.memref_slice %arg6[%dma_wait3A_521, %dma_wait3A_523, %dma_wait3A_524] : memref<8x128x32xf32, #tpu.memory_space<vmem>> -> memref<1x128x32xf32, #tpu.memory_space<vmem>>
    %dma_wait3A_526 = tpu.memref_squeeze %dma_wait3A_525 : memref<1x128x32xf32, #tpu.memory_space<vmem>> -> memref<128x32xf32, #tpu.memory_space<vmem>>
    %dma_wait3A_527 = arith.constant 0 : i32
    %dma_wait3A_528 = tpu.memref_slice %arg5[%dma_wait3A_520, %dma_wait3A_527] : memref<226x128xi32, #tpu.memory_space<vmem>> -> memref<1x128xi32, #tpu.memory_space<vmem>>
    %dma_wait3A_529 = tpu.memref_squeeze %dma_wait3A_528 : memref<1x128xi32, #tpu.memory_space<vmem>> -> memref<128xi32, #tpu.memory_space<vmem>>
    %dma_wait3A_530 = arith.constant 0 : i32
    %dma_wait3A_531 = arith.constant 0 : i32
    %dma_wait3A_532 = tpu.memref_slice %arg3[%dma_wait3A_530, %dma_wait3A_531] : memref<1000000x32xf32, #tpu.memory_space<hbm>> -> memref<1000000x32xf32, #tpu.memory_space<hbm>>
    %dma_wait3A_533 = tpu.memref_slice %arg7[%dma_wait3A_522] : memref<8x!tpu.dma_semaphore, #tpu.memory_space<semaphore_mem>> -> memref<1x!tpu.dma_semaphore, #tpu.memory_space<semaphore_mem>>
    %dma_wait3A_534 = tpu.memref_squeeze %dma_wait3A_533 : memref<1x!tpu.dma_semaphore, #tpu.memory_space<semaphore_mem>> -> memref<!tpu.dma_semaphore, #tpu.memory_space<semaphore_mem>>
    tpu.wait_indirect_dma semaphore(%dma_wait3A_534 : memref<!tpu.dma_semaphore, #tpu.memory_space<semaphore_mem>>) src(%dma_wait3A_532 : memref<1000000x32xf32, #tpu.memory_space<hbm>>) dst(%dma_wait3A_526 : memref<128x32xf32, #tpu.memory_space<vmem>>)
    %dma_start3A_535 = arith.constant 1 : i32
    %dma_start3A_536 = arith.constant 225 : i32
    %dma_start3A_537 = arith.constant 1 : i32
    %dma_start3A_538 = arith.constant 0 : i32
    %dma_start3A_539 = arith.constant 0 : i32
    %dma_start3A_540 = tpu.memref_slice %arg6[%dma_start3A_535, %dma_start3A_538, %dma_start3A_539] : memref<8x128x32xf32, #tpu.memory_space<vmem>> -> memref<1x128x32xf32, #tpu.memory_space<vmem>>
    %dma_start3A_541 = tpu.memref_squeeze %dma_start3A_540 : memref<1x128x32xf32, #tpu.memory_space<vmem>> -> memref<128x32xf32, #tpu.memory_space<vmem>>
    %dma_start3A_542 = arith.constant 0 : i32
    %dma_start3A_543 = arith.constant 0 : i32
    %dma_start3A_544 = tpu.memref_slice %arg4[%add3A, %dma_start3A_536, %dma_start3A_542, %dma_start3A_543] : memref<32x226x128x32xf32, #tpu.memory_space<hbm>> -> memref<1x1x128x32xf32, #tpu.memory_space<hbm>>
    %dma_start3A_545 = tpu.memref_squeeze %dma_start3A_544 : memref<1x1x128x32xf32, #tpu.memory_space<hbm>> -> memref<128x32xf32, #tpu.memory_space<hbm>>
    %dma_start3A_546 = tpu.memref_slice %arg8[%dma_start3A_537] : memref<8x!tpu.dma_semaphore, #tpu.memory_space<semaphore_mem>> -> memref<1x!tpu.dma_semaphore, #tpu.memory_space<semaphore_mem>>
    %dma_start3A_547 = tpu.memref_squeeze %dma_start3A_546 : memref<1x!tpu.dma_semaphore, #tpu.memory_space<semaphore_mem>> -> memref<!tpu.dma_semaphore, #tpu.memory_space<semaphore_mem>>
    %dma_start3A_548 = arith.constant 0 : i32
    %dma_start3A_549 = arith.constant 0 : i32
    %dma_start3A_550 = tpu.memref_slice %arg4[%add3A, %dma_start3A_536, %dma_start3A_548, %dma_start3A_549] : memref<32x226x128x32xf32, #tpu.memory_space<hbm>> -> memref<1x1x128x32xf32, #tpu.memory_space<hbm>>
    %dma_start3A_551 = tpu.memref_squeeze %dma_start3A_550 : memref<1x1x128x32xf32, #tpu.memory_space<hbm>> -> memref<128x32xf32, #tpu.memory_space<hbm>>
    %dma_start3A_552 = arith.constant 0 : i32
    %dma_start3A_553 = arith.constant 0 : i32
    %dma_start3A_554 = tpu.memref_slice %arg6[%dma_start3A_535, %dma_start3A_552, %dma_start3A_553] : memref<8x128x32xf32, #tpu.memory_space<vmem>> -> memref<1x128x32xf32, #tpu.memory_space<vmem>>
    %dma_start3A_555 = tpu.memref_squeeze %dma_start3A_554 : memref<1x128x32xf32, #tpu.memory_space<vmem>> -> memref<128x32xf32, #tpu.memory_space<vmem>>
    tpu.enqueue_dma source(%dma_start3A_555 : memref<128x32xf32, #tpu.memory_space<vmem>>) target(%dma_start3A_551 : memref<128x32xf32, #tpu.memory_space<hbm>>) target_semaphore(%dma_start3A_547 : memref<!tpu.dma_semaphore, #tpu.memory_space<semaphore_mem>>)
    %dma_wait3A_556 = arith.constant 0 : i32
    %dma_wait3A_557 = arith.constant 0 : i32
    %dma_wait3A_558 = arith.constant 0 : i32
    %dma_wait3A_559 = arith.constant 0 : i32
    %dma_wait3A_560 = arith.constant 0 : i32
    %dma_wait3A_561 = tpu.memref_slice %arg6[%dma_wait3A_556, %dma_wait3A_559, %dma_wait3A_560] : memref<8x128x32xf32, #tpu.memory_space<vmem>> -> memref<1x128x32xf32, #tpu.memory_space<vmem>>
    %dma_wait3A_562 = tpu.memref_squeeze %dma_wait3A_561 : memref<1x128x32xf32, #tpu.memory_space<vmem>> -> memref<128x32xf32, #tpu.memory_space<vmem>>
    %dma_wait3A_563 = arith.constant 0 : i32
    %dma_wait3A_564 = arith.constant 0 : i32
    %dma_wait3A_565 = tpu.memref_slice %arg4[%add3A, %dma_wait3A_557, %dma_wait3A_563, %dma_wait3A_564] : memref<32x226x128x32xf32, #tpu.memory_space<hbm>> -> memref<1x1x128x32xf32, #tpu.memory_space<hbm>>
    %dma_wait3A_566 = tpu.memref_squeeze %dma_wait3A_565 : memref<1x1x128x32xf32, #tpu.memory_space<hbm>> -> memref<128x32xf32, #tpu.memory_space<hbm>>
    %dma_wait3A_567 = tpu.memref_slice %arg8[%dma_wait3A_558] : memref<8x!tpu.dma_semaphore, #tpu.memory_space<semaphore_mem>> -> memref<1x!tpu.dma_semaphore, #tpu.memory_space<semaphore_mem>>
    %dma_wait3A_568 = tpu.memref_squeeze %dma_wait3A_567 : memref<1x!tpu.dma_semaphore, #tpu.memory_space<semaphore_mem>> -> memref<!tpu.dma_semaphore, #tpu.memory_space<semaphore_mem>>
    %dma_wait3A_569 = arith.constant 0 : i32
    %dma_wait3A_570 = arith.constant 0 : i32
    %dma_wait3A_571 = tpu.memref_slice %arg4[%add3A, %dma_wait3A_557, %dma_wait3A_569, %dma_wait3A_570] : memref<32x226x128x32xf32, #tpu.memory_space<hbm>> -> memref<1x1x128x32xf32, #tpu.memory_space<hbm>>
    %dma_wait3A_572 = tpu.memref_squeeze %dma_wait3A_571 : memref<1x1x128x32xf32, #tpu.memory_space<hbm>> -> memref<128x32xf32, #tpu.memory_space<hbm>>
    %dma_wait3A_573 = arith.constant 0 : i32
    %dma_wait3A_574 = arith.constant 0 : i32
    %dma_wait3A_575 = tpu.memref_slice %arg6[%dma_wait3A_556, %dma_wait3A_573, %dma_wait3A_574] : memref<8x128x32xf32, #tpu.memory_space<vmem>> -> memref<1x128x32xf32, #tpu.memory_space<vmem>>
    %dma_wait3A_576 = tpu.memref_squeeze %dma_wait3A_575 : memref<1x128x32xf32, #tpu.memory_space<vmem>> -> memref<128x32xf32, #tpu.memory_space<vmem>>
    tpu.wait_dma2 semaphore(%dma_wait3A_568 : memref<!tpu.dma_semaphore, #tpu.memory_space<semaphore_mem>>) src(%dma_wait3A_576 : memref<128x32xf32, #tpu.memory_space<vmem>>) dst(%dma_wait3A_572 : memref<128x32xf32, #tpu.memory_space<hbm>>)
    %dma_wait3A_577 = arith.constant 1 : i32
    %dma_wait3A_578 = arith.constant 0 : i32
    %dma_wait3A_579 = arith.constant 1 : i32
    %dma_wait3A_580 = arith.constant 0 : i32
    %dma_wait3A_581 = arith.constant 0 : i32
    %dma_wait3A_582 = tpu.memref_slice %arg6[%dma_wait3A_577, %dma_wait3A_580, %dma_wait3A_581] : memref<8x128x32xf32, #tpu.memory_space<vmem>> -> memref<1x128x32xf32, #tpu.memory_space<vmem>>
    %dma_wait3A_583 = tpu.memref_squeeze %dma_wait3A_582 : memref<1x128x32xf32, #tpu.memory_space<vmem>> -> memref<128x32xf32, #tpu.memory_space<vmem>>
    %dma_wait3A_584 = arith.constant 0 : i32
    %dma_wait3A_585 = arith.constant 0 : i32
    %dma_wait3A_586 = tpu.memref_slice %arg4[%add3A, %dma_wait3A_578, %dma_wait3A_584, %dma_wait3A_585] : memref<32x226x128x32xf32, #tpu.memory_space<hbm>> -> memref<1x1x128x32xf32, #tpu.memory_space<hbm>>
    %dma_wait3A_587 = tpu.memref_squeeze %dma_wait3A_586 : memref<1x1x128x32xf32, #tpu.memory_space<hbm>> -> memref<128x32xf32, #tpu.memory_space<hbm>>
    %dma_wait3A_588 = tpu.memref_slice %arg8[%dma_wait3A_579] : memref<8x!tpu.dma_semaphore, #tpu.memory_space<semaphore_mem>> -> memref<1x!tpu.dma_semaphore, #tpu.memory_space<semaphore_mem>>
    %dma_wait3A_589 = tpu.memref_squeeze %dma_wait3A_588 : memref<1x!tpu.dma_semaphore, #tpu.memory_space<semaphore_mem>> -> memref<!tpu.dma_semaphore, #tpu.memory_space<semaphore_mem>>
    %dma_wait3A_590 = arith.constant 0 : i32
    %dma_wait3A_591 = arith.constant 0 : i32
    %dma_wait3A_592 = tpu.memref_slice %arg4[%add3A, %dma_wait3A_578, %dma_wait3A_590, %dma_wait3A_591] : memref<32x226x128x32xf32, #tpu.memory_space<hbm>> -> memref<1x1x128x32xf32, #tpu.memory_space<hbm>>
    %dma_wait3A_593 = tpu.memref_squeeze %dma_wait3A_592 : memref<1x1x128x32xf32, #tpu.memory_space<hbm>> -> memref<128x32xf32, #tpu.memory_space<hbm>>
    %dma_wait3A_594 = arith.constant 0 : i32
    %dma_wait3A_595 = arith.constant 0 : i32
    %dma_wait3A_596 = tpu.memref_slice %arg6[%dma_wait3A_577, %dma_wait3A_594, %dma_wait3A_595] : memref<8x128x32xf32, #tpu.memory_space<vmem>> -> memref<1x128x32xf32, #tpu.memory_space<vmem>>
    %dma_wait3A_597 = tpu.memref_squeeze %dma_wait3A_596 : memref<1x128x32xf32, #tpu.memory_space<vmem>> -> memref<128x32xf32, #tpu.memory_space<vmem>>
    tpu.wait_dma2 semaphore(%dma_wait3A_589 : memref<!tpu.dma_semaphore, #tpu.memory_space<semaphore_mem>>) src(%dma_wait3A_597 : memref<128x32xf32, #tpu.memory_space<vmem>>) dst(%dma_wait3A_593 : memref<128x32xf32, #tpu.memory_space<hbm>>)
    %dma_wait3A_598 = arith.constant 2 : i32
    %dma_wait3A_599 = arith.constant 0 : i32
    %dma_wait3A_600 = arith.constant 2 : i32
    %dma_wait3A_601 = arith.constant 0 : i32
    %dma_wait3A_602 = arith.constant 0 : i32
    %dma_wait3A_603 = tpu.memref_slice %arg6[%dma_wait3A_598, %dma_wait3A_601, %dma_wait3A_602] : memref<8x128x32xf32, #tpu.memory_space<vmem>> -> memref<1x128x32xf32, #tpu.memory_space<vmem>>
    %dma_wait3A_604 = tpu.memref_squeeze %dma_wait3A_603 : memref<1x128x32xf32, #tpu.memory_space<vmem>> -> memref<128x32xf32, #tpu.memory_space<vmem>>
    %dma_wait3A_605 = arith.constant 0 : i32
    %dma_wait3A_606 = arith.constant 0 : i32
    %dma_wait3A_607 = tpu.memref_slice %arg4[%add3A, %dma_wait3A_599, %dma_wait3A_605, %dma_wait3A_606] : memref<32x226x128x32xf32, #tpu.memory_space<hbm>> -> memref<1x1x128x32xf32, #tpu.memory_space<hbm>>
    %dma_wait3A_608 = tpu.memref_squeeze %dma_wait3A_607 : memref<1x1x128x32xf32, #tpu.memory_space<hbm>> -> memref<128x32xf32, #tpu.memory_space<hbm>>
    %dma_wait3A_609 = tpu.memref_slice %arg8[%dma_wait3A_600] : memref<8x!tpu.dma_semaphore, #tpu.memory_space<semaphore_mem>> -> memref<1x!tpu.dma_semaphore, #tpu.memory_space<semaphore_mem>>
    %dma_wait3A_610 = tpu.memref_squeeze %dma_wait3A_609 : memref<1x!tpu.dma_semaphore, #tpu.memory_space<semaphore_mem>> -> memref<!tpu.dma_semaphore, #tpu.memory_space<semaphore_mem>>
    %dma_wait3A_611 = arith.constant 0 : i32
    %dma_wait3A_612 = arith.constant 0 : i32
    %dma_wait3A_613 = tpu.memref_slice %arg4[%add3A, %dma_wait3A_599, %dma_wait3A_611, %dma_wait3A_612] : memref<32x226x128x32xf32, #tpu.memory_space<hbm>> -> memref<1x1x128x32xf32, #tpu.memory_space<hbm>>
    %dma_wait3A_614 = tpu.memref_squeeze %dma_wait3A_613 : memref<1x1x128x32xf32, #tpu.memory_space<hbm>> -> memref<128x32xf32, #tpu.memory_space<hbm>>
    %dma_wait3A_615 = arith.constant 0 : i32
    %dma_wait3A_616 = arith.constant 0 : i32
    %dma_wait3A_617 = tpu.memref_slice %arg6[%dma_wait3A_598, %dma_wait3A_615, %dma_wait3A_616] : memref<8x128x32xf32, #tpu.memory_space<vmem>> -> memref<1x128x32xf32, #tpu.memory_space<vmem>>
    %dma_wait3A_618 = tpu.memref_squeeze %dma_wait3A_617 : memref<1x128x32xf32, #tpu.memory_space<vmem>> -> memref<128x32xf32, #tpu.memory_space<vmem>>
    tpu.wait_dma2 semaphore(%dma_wait3A_610 : memref<!tpu.dma_semaphore, #tpu.memory_space<semaphore_mem>>) src(%dma_wait3A_618 : memref<128x32xf32, #tpu.memory_space<vmem>>) dst(%dma_wait3A_614 : memref<128x32xf32, #tpu.memory_space<hbm>>)
    %dma_wait3A_619 = arith.constant 3 : i32
    %dma_wait3A_620 = arith.constant 0 : i32
    %dma_wait3A_621 = arith.constant 3 : i32
    %dma_wait3A_622 = arith.constant 0 : i32
    %dma_wait3A_623 = arith.constant 0 : i32
    %dma_wait3A_624 = tpu.memref_slice %arg6[%dma_wait3A_619, %dma_wait3A_622, %dma_wait3A_623] : memref<8x128x32xf32, #tpu.memory_space<vmem>> -> memref<1x128x32xf32, #tpu.memory_space<vmem>>
    %dma_wait3A_625 = tpu.memref_squeeze %dma_wait3A_624 : memref<1x128x32xf32, #tpu.memory_space<vmem>> -> memref<128x32xf32, #tpu.memory_space<vmem>>
    %dma_wait3A_626 = arith.constant 0 : i32
    %dma_wait3A_627 = arith.constant 0 : i32
    %dma_wait3A_628 = tpu.memref_slice %arg4[%add3A, %dma_wait3A_620, %dma_wait3A_626, %dma_wait3A_627] : memref<32x226x128x32xf32, #tpu.memory_space<hbm>> -> memref<1x1x128x32xf32, #tpu.memory_space<hbm>>
    %dma_wait3A_629 = tpu.memref_squeeze %dma_wait3A_628 : memref<1x1x128x32xf32, #tpu.memory_space<hbm>> -> memref<128x32xf32, #tpu.memory_space<hbm>>
    %dma_wait3A_630 = tpu.memref_slice %arg8[%dma_wait3A_621] : memref<8x!tpu.dma_semaphore, #tpu.memory_space<semaphore_mem>> -> memref<1x!tpu.dma_semaphore, #tpu.memory_space<semaphore_mem>>
    %dma_wait3A_631 = tpu.memref_squeeze %dma_wait3A_630 : memref<1x!tpu.dma_semaphore, #tpu.memory_space<semaphore_mem>> -> memref<!tpu.dma_semaphore, #tpu.memory_space<semaphore_mem>>
    %dma_wait3A_632 = arith.constant 0 : i32
    %dma_wait3A_633 = arith.constant 0 : i32
    %dma_wait3A_634 = tpu.memref_slice %arg4[%add3A, %dma_wait3A_620, %dma_wait3A_632, %dma_wait3A_633] : memref<32x226x128x32xf32, #tpu.memory_space<hbm>> -> memref<1x1x128x32xf32, #tpu.memory_space<hbm>>
    %dma_wait3A_635 = tpu.memref_squeeze %dma_wait3A_634 : memref<1x1x128x32xf32, #tpu.memory_space<hbm>> -> memref<128x32xf32, #tpu.memory_space<hbm>>
    %dma_wait3A_636 = arith.constant 0 : i32
    %dma_wait3A_637 = arith.constant 0 : i32
    %dma_wait3A_638 = tpu.memref_slice %arg6[%dma_wait3A_619, %dma_wait3A_636, %dma_wait3A_637] : memref<8x128x32xf32, #tpu.memory_space<vmem>> -> memref<1x128x32xf32, #tpu.memory_space<vmem>>
    %dma_wait3A_639 = tpu.memref_squeeze %dma_wait3A_638 : memref<1x128x32xf32, #tpu.memory_space<vmem>> -> memref<128x32xf32, #tpu.memory_space<vmem>>
    tpu.wait_dma2 semaphore(%dma_wait3A_631 : memref<!tpu.dma_semaphore, #tpu.memory_space<semaphore_mem>>) src(%dma_wait3A_639 : memref<128x32xf32, #tpu.memory_space<vmem>>) dst(%dma_wait3A_635 : memref<128x32xf32, #tpu.memory_space<hbm>>)
    %dma_wait3A_640 = arith.constant 4 : i32
    %dma_wait3A_641 = arith.constant 0 : i32
    %dma_wait3A_642 = arith.constant 4 : i32
    %dma_wait3A_643 = arith.constant 0 : i32
    %dma_wait3A_644 = arith.constant 0 : i32
    %dma_wait3A_645 = tpu.memref_slice %arg6[%dma_wait3A_640, %dma_wait3A_643, %dma_wait3A_644] : memref<8x128x32xf32, #tpu.memory_space<vmem>> -> memref<1x128x32xf32, #tpu.memory_space<vmem>>
    %dma_wait3A_646 = tpu.memref_squeeze %dma_wait3A_645 : memref<1x128x32xf32, #tpu.memory_space<vmem>> -> memref<128x32xf32, #tpu.memory_space<vmem>>
    %dma_wait3A_647 = arith.constant 0 : i32
    %dma_wait3A_648 = arith.constant 0 : i32
    %dma_wait3A_649 = tpu.memref_slice %arg4[%add3A, %dma_wait3A_641, %dma_wait3A_647, %dma_wait3A_648] : memref<32x226x128x32xf32, #tpu.memory_space<hbm>> -> memref<1x1x128x32xf32, #tpu.memory_space<hbm>>
    %dma_wait3A_650 = tpu.memref_squeeze %dma_wait3A_649 : memref<1x1x128x32xf32, #tpu.memory_space<hbm>> -> memref<128x32xf32, #tpu.memory_space<hbm>>
    %dma_wait3A_651 = tpu.memref_slice %arg8[%dma_wait3A_642] : memref<8x!tpu.dma_semaphore, #tpu.memory_space<semaphore_mem>> -> memref<1x!tpu.dma_semaphore, #tpu.memory_space<semaphore_mem>>
    %dma_wait3A_652 = tpu.memref_squeeze %dma_wait3A_651 : memref<1x!tpu.dma_semaphore, #tpu.memory_space<semaphore_mem>> -> memref<!tpu.dma_semaphore, #tpu.memory_space<semaphore_mem>>
    %dma_wait3A_653 = arith.constant 0 : i32
    %dma_wait3A_654 = arith.constant 0 : i32
    %dma_wait3A_655 = tpu.memref_slice %arg4[%add3A, %dma_wait3A_641, %dma_wait3A_653, %dma_wait3A_654] : memref<32x226x128x32xf32, #tpu.memory_space<hbm>> -> memref<1x1x128x32xf32, #tpu.memory_space<hbm>>
    %dma_wait3A_656 = tpu.memref_squeeze %dma_wait3A_655 : memref<1x1x128x32xf32, #tpu.memory_space<hbm>> -> memref<128x32xf32, #tpu.memory_space<hbm>>
    %dma_wait3A_657 = arith.constant 0 : i32
    %dma_wait3A_658 = arith.constant 0 : i32
    %dma_wait3A_659 = tpu.memref_slice %arg6[%dma_wait3A_640, %dma_wait3A_657, %dma_wait3A_658] : memref<8x128x32xf32, #tpu.memory_space<vmem>> -> memref<1x128x32xf32, #tpu.memory_space<vmem>>
    %dma_wait3A_660 = tpu.memref_squeeze %dma_wait3A_659 : memref<1x128x32xf32, #tpu.memory_space<vmem>> -> memref<128x32xf32, #tpu.memory_space<vmem>>
    tpu.wait_dma2 semaphore(%dma_wait3A_652 : memref<!tpu.dma_semaphore, #tpu.memory_space<semaphore_mem>>) src(%dma_wait3A_660 : memref<128x32xf32, #tpu.memory_space<vmem>>) dst(%dma_wait3A_656 : memref<128x32xf32, #tpu.memory_space<hbm>>)
    %dma_wait3A_661 = arith.constant 5 : i32
    %dma_wait3A_662 = arith.constant 0 : i32
    %dma_wait3A_663 = arith.constant 5 : i32
    %dma_wait3A_664 = arith.constant 0 : i32
    %dma_wait3A_665 = arith.constant 0 : i32
    %dma_wait3A_666 = tpu.memref_slice %arg6[%dma_wait3A_661, %dma_wait3A_664, %dma_wait3A_665] : memref<8x128x32xf32, #tpu.memory_space<vmem>> -> memref<1x128x32xf32, #tpu.memory_space<vmem>>
    %dma_wait3A_667 = tpu.memref_squeeze %dma_wait3A_666 : memref<1x128x32xf32, #tpu.memory_space<vmem>> -> memref<128x32xf32, #tpu.memory_space<vmem>>
    %dma_wait3A_668 = arith.constant 0 : i32
    %dma_wait3A_669 = arith.constant 0 : i32
    %dma_wait3A_670 = tpu.memref_slice %arg4[%add3A, %dma_wait3A_662, %dma_wait3A_668, %dma_wait3A_669] : memref<32x226x128x32xf32, #tpu.memory_space<hbm>> -> memref<1x1x128x32xf32, #tpu.memory_space<hbm>>
    %dma_wait3A_671 = tpu.memref_squeeze %dma_wait3A_670 : memref<1x1x128x32xf32, #tpu.memory_space<hbm>> -> memref<128x32xf32, #tpu.memory_space<hbm>>
    %dma_wait3A_672 = tpu.memref_slice %arg8[%dma_wait3A_663] : memref<8x!tpu.dma_semaphore, #tpu.memory_space<semaphore_mem>> -> memref<1x!tpu.dma_semaphore, #tpu.memory_space<semaphore_mem>>
    %dma_wait3A_673 = tpu.memref_squeeze %dma_wait3A_672 : memref<1x!tpu.dma_semaphore, #tpu.memory_space<semaphore_mem>> -> memref<!tpu.dma_semaphore, #tpu.memory_space<semaphore_mem>>
    %dma_wait3A_674 = arith.constant 0 : i32
    %dma_wait3A_675 = arith.constant 0 : i32
    %dma_wait3A_676 = tpu.memref_slice %arg4[%add3A, %dma_wait3A_662, %dma_wait3A_674, %dma_wait3A_675] : memref<32x226x128x32xf32, #tpu.memory_space<hbm>> -> memref<1x1x128x32xf32, #tpu.memory_space<hbm>>
    %dma_wait3A_677 = tpu.memref_squeeze %dma_wait3A_676 : memref<1x1x128x32xf32, #tpu.memory_space<hbm>> -> memref<128x32xf32, #tpu.memory_space<hbm>>
    %dma_wait3A_678 = arith.constant 0 : i32
    %dma_wait3A_679 = arith.constant 0 : i32
    %dma_wait3A_680 = tpu.memref_slice %arg6[%dma_wait3A_661, %dma_wait3A_678, %dma_wait3A_679] : memref<8x128x32xf32, #tpu.memory_space<vmem>> -> memref<1x128x32xf32, #tpu.memory_space<vmem>>
    %dma_wait3A_681 = tpu.memref_squeeze %dma_wait3A_680 : memref<1x128x32xf32, #tpu.memory_space<vmem>> -> memref<128x32xf32, #tpu.memory_space<vmem>>
    tpu.wait_dma2 semaphore(%dma_wait3A_673 : memref<!tpu.dma_semaphore, #tpu.memory_space<semaphore_mem>>) src(%dma_wait3A_681 : memref<128x32xf32, #tpu.memory_space<vmem>>) dst(%dma_wait3A_677 : memref<128x32xf32, #tpu.memory_space<hbm>>)
    %dma_wait3A_682 = arith.constant 6 : i32
    %dma_wait3A_683 = arith.constant 0 : i32
    %dma_wait3A_684 = arith.constant 6 : i32
    %dma_wait3A_685 = arith.constant 0 : i32
    %dma_wait3A_686 = arith.constant 0 : i32
    %dma_wait3A_687 = tpu.memref_slice %arg6[%dma_wait3A_682, %dma_wait3A_685, %dma_wait3A_686] : memref<8x128x32xf32, #tpu.memory_space<vmem>> -> memref<1x128x32xf32, #tpu.memory_space<vmem>>
    %dma_wait3A_688 = tpu.memref_squeeze %dma_wait3A_687 : memref<1x128x32xf32, #tpu.memory_space<vmem>> -> memref<128x32xf32, #tpu.memory_space<vmem>>
    %dma_wait3A_689 = arith.constant 0 : i32
    %dma_wait3A_690 = arith.constant 0 : i32
    %dma_wait3A_691 = tpu.memref_slice %arg4[%add3A, %dma_wait3A_683, %dma_wait3A_689, %dma_wait3A_690] : memref<32x226x128x32xf32, #tpu.memory_space<hbm>> -> memref<1x1x128x32xf32, #tpu.memory_space<hbm>>
    %dma_wait3A_692 = tpu.memref_squeeze %dma_wait3A_691 : memref<1x1x128x32xf32, #tpu.memory_space<hbm>> -> memref<128x32xf32, #tpu.memory_space<hbm>>
    %dma_wait3A_693 = tpu.memref_slice %arg8[%dma_wait3A_684] : memref<8x!tpu.dma_semaphore, #tpu.memory_space<semaphore_mem>> -> memref<1x!tpu.dma_semaphore, #tpu.memory_space<semaphore_mem>>
    %dma_wait3A_694 = tpu.memref_squeeze %dma_wait3A_693 : memref<1x!tpu.dma_semaphore, #tpu.memory_space<semaphore_mem>> -> memref<!tpu.dma_semaphore, #tpu.memory_space<semaphore_mem>>
    %dma_wait3A_695 = arith.constant 0 : i32
    %dma_wait3A_696 = arith.constant 0 : i32
    %dma_wait3A_697 = tpu.memref_slice %arg4[%add3A, %dma_wait3A_683, %dma_wait3A_695, %dma_wait3A_696] : memref<32x226x128x32xf32, #tpu.memory_space<hbm>> -> memref<1x1x128x32xf32, #tpu.memory_space<hbm>>
    %dma_wait3A_698 = tpu.memref_squeeze %dma_wait3A_697 : memref<1x1x128x32xf32, #tpu.memory_space<hbm>> -> memref<128x32xf32, #tpu.memory_space<hbm>>
    %dma_wait3A_699 = arith.constant 0 : i32
    %dma_wait3A_700 = arith.constant 0 : i32
    %dma_wait3A_701 = tpu.memref_slice %arg6[%dma_wait3A_682, %dma_wait3A_699, %dma_wait3A_700] : memref<8x128x32xf32, #tpu.memory_space<vmem>> -> memref<1x128x32xf32, #tpu.memory_space<vmem>>
    %dma_wait3A_702 = tpu.memref_squeeze %dma_wait3A_701 : memref<1x128x32xf32, #tpu.memory_space<vmem>> -> memref<128x32xf32, #tpu.memory_space<vmem>>
    tpu.wait_dma2 semaphore(%dma_wait3A_694 : memref<!tpu.dma_semaphore, #tpu.memory_space<semaphore_mem>>) src(%dma_wait3A_702 : memref<128x32xf32, #tpu.memory_space<vmem>>) dst(%dma_wait3A_698 : memref<128x32xf32, #tpu.memory_space<hbm>>)
    %dma_wait3A_703 = arith.constant 7 : i32
    %dma_wait3A_704 = arith.constant 0 : i32
    %dma_wait3A_705 = arith.constant 7 : i32
    %dma_wait3A_706 = arith.constant 0 : i32
    %dma_wait3A_707 = arith.constant 0 : i32
    %dma_wait3A_708 = tpu.memref_slice %arg6[%dma_wait3A_703, %dma_wait3A_706, %dma_wait3A_707] : memref<8x128x32xf32, #tpu.memory_space<vmem>> -> memref<1x128x32xf32, #tpu.memory_space<vmem>>
    %dma_wait3A_709 = tpu.memref_squeeze %dma_wait3A_708 : memref<1x128x32xf32, #tpu.memory_space<vmem>> -> memref<128x32xf32, #tpu.memory_space<vmem>>
    %dma_wait3A_710 = arith.constant 0 : i32
    %dma_wait3A_711 = arith.constant 0 : i32
    %dma_wait3A_712 = tpu.memref_slice %arg4[%add3A, %dma_wait3A_704, %dma_wait3A_710, %dma_wait3A_711] : memref<32x226x128x32xf32, #tpu.memory_space<hbm>> -> memref<1x1x128x32xf32, #tpu.memory_space<hbm>>
    %dma_wait3A_713 = tpu.memref_squeeze %dma_wait3A_712 : memref<1x1x128x32xf32, #tpu.memory_space<hbm>> -> memref<128x32xf32, #tpu.memory_space<hbm>>
    %dma_wait3A_714 = tpu.memref_slice %arg8[%dma_wait3A_705] : memref<8x!tpu.dma_semaphore, #tpu.memory_space<semaphore_mem>> -> memref<1x!tpu.dma_semaphore, #tpu.memory_space<semaphore_mem>>
    %dma_wait3A_715 = tpu.memref_squeeze %dma_wait3A_714 : memref<1x!tpu.dma_semaphore, #tpu.memory_space<semaphore_mem>> -> memref<!tpu.dma_semaphore, #tpu.memory_space<semaphore_mem>>
    %dma_wait3A_716 = arith.constant 0 : i32
    %dma_wait3A_717 = arith.constant 0 : i32
    %dma_wait3A_718 = tpu.memref_slice %arg4[%add3A, %dma_wait3A_704, %dma_wait3A_716, %dma_wait3A_717] : memref<32x226x128x32xf32, #tpu.memory_space<hbm>> -> memref<1x1x128x32xf32, #tpu.memory_space<hbm>>
    %dma_wait3A_719 = tpu.memref_squeeze %dma_wait3A_718 : memref<1x1x128x32xf32, #tpu.memory_space<hbm>> -> memref<128x32xf32, #tpu.memory_space<hbm>>
    %dma_wait3A_720 = arith.constant 0 : i32
    %dma_wait3A_721 = arith.constant 0 : i32
    %dma_wait3A_722 = tpu.memref_slice %arg6[%dma_wait3A_703, %dma_wait3A_720, %dma_wait3A_721] : memref<8x128x32xf32, #tpu.memory_space<vmem>> -> memref<1x128x32xf32, #tpu.memory_space<vmem>>
    %dma_wait3A_723 = tpu.memref_squeeze %dma_wait3A_722 : memref<1x128x32xf32, #tpu.memory_space<vmem>> -> memref<128x32xf32, #tpu.memory_space<vmem>>
    tpu.wait_dma2 semaphore(%dma_wait3A_715 : memref<!tpu.dma_semaphore, #tpu.memory_space<semaphore_mem>>) src(%dma_wait3A_723 : memref<128x32xf32, #tpu.memory_space<vmem>>) dst(%dma_wait3A_719 : memref<128x32xf32, #tpu.memory_space<hbm>>)
    return
  }
}

</mosaic_0001>

<sc_bundles>
// kernel: kernel.3.cloned.1.call-start
scs
__scs_entry_jumppad:
0x0: {  	(pc) =	sbr.rel $0x88, $3  }
0x1: {  	(tag) =	ssettag $0x0;
	lr =	simm.s32 $0x1  }
0x2: {  	[smem:$0x3F9E] =	sst lr;
	_ =	strace $0xD0000000  }
0x3: {  	_ = 	snop  }
0x4: {  	_ = 	snop  }
0x5: {  	_ = 	snop  }
0x6: {  	_ = 	snop  }
0x7: {  	_ = 	snop  }
__scs_overlays_trampoline_lowered:
0x8: {  	[smem:$0x3FAD] =	sst s0  }
0x9: {  	[smem:$0x3FAE] =	sst s1  }
0xa: {  	[smem:$0x3FAF] =	sst s2  }
0xb: {  	[smem:$0x3FB0] =	sst s3  }
0xc: {  	[smem:$0x3FB1] =	sst s4  }
0xd: {  	[smem:$0x3FB2] =	sst s5  }
0xe: {  	[smem:$0x3FB3] =	sst s6  }
0xf: {  	[smem:$0x3FB4] =	sst s7  }
0x10: {  	[smem:$0x3FB5] =	sst s8  }
0x11: {  	[smem:$0x3FB6] =	sst s9;
	s0 =	simm.s32 @!p0 $0x0  }
0x12: {  	s1 =	sld [smem:$0x3F9C];
	s0 =	simm.s32 @p0 $0x1  }
0x13: {  	[smem:$0x3FB7] =	sst s0;
	s0 =	simm.s32 @!p1 $0x0  }
0x14: {  	s2 =	sld [smem:$0x3F9B];
	s0 =	simm.s32 @p1 $0x1  }
0x15: {  	[smem:$0x3FB8] =	sst s0;
	s0 =	simm.s32 @!p2 $0x0  }
0x16: {  	s3 =	sld [smem:$0x3FDB];
	s0 =	simm.s32 @p2 $0x1  }
0x17: {  	s4 =	simm.s32 $0x1BF5;
	[smem:$0x3FBA] =	sst s0  }
0x18: {  	s0 =	sld [smem:$0x3F9D];
	_ =	swait.ge [sflag:s4], $0x0  }
0x19: {  	s7 =	sld [smem:$0x3F9E]  }
0x1a: {  	s8 =	sadd.s32 $0xFFFFE003, lr  }
0x1b: {  	s9 =	sadd.s32 $0xFFFFFEF7, lr;
	s5 =	simm.s32 $0xFFFFFFFF;
	p2 =	slt.u32 s8, $0xFFFFF086  }
0x1c: {  	p1 =	slt.u32 s9, $0xF7A;
	s5 =	simm.s32 @!p2 $0x0  }
0x1d: {  	s5 =	simm.s32 @p1 $0x1;
	p0 =	seq.s32 s7, s2  }
0x1e: {  	s7 =	smul.u32 @!p0 $0xF7A, s2;
	p2 =	seq.s32 @!p0 s5, $0x0  }
0x1f: {  	s9 =	smul.u32 $0xF7A, s1;
	s8 =	simm.s32 @!p0 $0x1BF5;
	p2 =	por !p2, p0  }
0x20: {  	[sflag:s8] =	ssyncset.s32 @!p0 $0xFFFFF086;
	s6 =	sadd.s32 @!p0 s3, s7;
	s7 =	simm.s32 @!p0 $0x108  }
0x21: {  	s3 =	sadd.s32 s3, s9;
	s6 =	sadd.s32 @!p0 $0x88, s6;
	s7 =	simm.s32 @p2 $0x1082  }
0x22: {  	[simem:s7], [sflag:s8] =	dma.local @!p0 [hbm:s6], $0xF7A  }
0x23: {  	s9 =	sor.u32 $0xD0000000, s2;
	s6 =	simm.s32 $0x108;
	_ =	swait.ge @!p0 [sflag:s8], $0x0  }
0x24: {  	s3 =	sadd.s32 $0x88, s3;
	s6 =	simm.s32 @!p1 $0x1082;
	[sflag:s4] =	ssyncset.s32 $0xFFFFF086  }
0x25: {  	[simem:s6], [sflag:s4] =	dma.local [hbm:s3], $0xF7A  }
0x26: {  	[smem:$0x3F9E] =	sst s1;
	(tag) =	ssettag s2;
	_ =	strace s9  }
0x27: {  	s1 =	sld [smem:$0x3FAE]  }
0x28: {  	s2 =	sld [smem:$0x3FAF]  }
0x29: {  	s4 =	sld [smem:$0x3FB1]  }
0x2a: {  	p0 =	seq.s32 s5, $0x0;
	s5 =	sld [smem:$0x3FB2]  }
0x2b: {  	s6 =	sld [smem:$0x3FB3]  }
0x2c: {  	s7 =	sld [smem:$0x3FB4]  }
0x2d: {  	s3 =	simm.s32 $0x108;
	s8 =	sld [smem:$0x3FB5]  }
0x2e: {  	s3 =	simm.s32 @!p0 $0x1082;
	s9 =	sld [smem:$0x3FB6]  }
0x2f: {  	lr =	sadd.s32 s0, s3;
	s0 =	sld [smem:$0x3FAD]  }
0x30: {  	s3 =	sld [smem:$0x3FB0]  }
0x31: {  	[smem:$0x3FB9] =	sst s10  }
0x32: {  	s10 =	sld [smem:$0x3FB7];
	_ =	sdelay $0x3  }
0x33: {  	p0 =	seq.s32 s10, $0x1;
	s10 =	sld [smem:$0x3FB9];
	_ =	sdelay $0x3  }
0x34: {  	[smem:$0x3FB9] =	sst s10  }
0x35: {  	s10 =	sld [smem:$0x3FB8];
	_ =	sdelay $0x3  }
0x36: {  	p1 =	seq.s32 s10, $0x1;
	s10 =	sld [smem:$0x3FB9];
	_ =	sdelay $0x3  }
0x37: {  	[smem:$0x3FB9] =	sst s10  }
0x38: {  	s10 =	sld [smem:$0x3FBA]  }
0x39: {  	_ = 	snop;
	(pc) =	sbr.ind lr, $3  }
0x3a: {  	_ = 	snop  }
0x3b: {  	_ = 	snop  }
0x3c: {  	p2 =	seq.s32 s10, $0x1;
	s10 =	sld [smem:$0x3FB9]  }
0x3d: {  	_ =	shalt  }
0x3e: {  	_ =	shalt  }
0x3f: {  	_ =	shalt  }
0x40: {  	_ =	shalt  }
0x41: {  	_ =	shalt  }
0x42: {  	_ =	shalt  }
0x43: {  	_ =	shalt  }
0x44: {  	_ =	shalt  }
0x45: {  	_ =	shalt  }
0x46: {  	_ =	shalt  }
0x47: {  	_ =	shalt  }
0x48: {  	_ =	shalt  }
0x49: {  	_ =	shalt  }
0x4a: {  	_ =	shalt  }
0x4b: {  	_ =	shalt  }
0x4c: {  	_ =	shalt  }
0x4d: {  	_ =	shalt  }
0x4e: {  	_ =	shalt  }
0x4f: {  	_ =	shalt  }
0x50: {  	_ =	shalt  }
0x51: {  	_ =	shalt  }
0x52: {  	_ =	shalt  }
0x53: {  	_ =	shalt  }
0x54: {  	_ =	shalt  }
0x55: {  	_ =	shalt  }
0x56: {  	_ =	shalt  }
0x57: {  	_ =	shalt  }
0x58: {  	_ =	shalt  }
0x59: {  	_ =	shalt  }
0x5a: {  	_ =	shalt  }
0x5b: {  	_ =	shalt  }
0x5c: {  	_ =	shalt  }
0x5d: {  	_ =	shalt  }
0x5e: {  	_ =	shalt  }
0x5f: {  	_ =	shalt  }
0x60: {  	_ =	shalt  }
0x61: {  	_ =	shalt  }
0x62: {  	_ =	shalt  }
0x63: {  	_ =	shalt  }
0x64: {  	_ =	shalt  }
0x65: {  	_ =	shalt  }
0x66: {  	_ =	shalt  }
0x67: {  	_ =	shalt  }
0x68: {  	_ =	shalt  }
0x69: {  	_ =	shalt  }
0x6a: {  	_ =	shalt  }
0x6b: {  	_ =	shalt  }
0x6c: {  	_ =	shalt  }
0x6d: {  	_ =	shalt  }
0x6e: {  	_ =	shalt  }
0x6f: {  	_ =	shalt  }
0x70: {  	_ =	shalt  }
0x71: {  	_ =	shalt  }
0x72: {  	_ =	shalt  }
0x73: {  	_ =	shalt  }
0x74: {  	_ =	shalt  }
0x75: {  	_ =	shalt  }
0x76: {  	_ =	shalt  }
0x77: {  	_ =	shalt  }
0x78: {  	_ =	shalt  }
0x79: {  	_ =	shalt  }
0x7a: {  	_ =	shalt  }
0x7b: {  	_ =	shalt  }
0x7c: {  	_ =	shalt  }
0x7d: {  	_ =	shalt  }
0x7e: {  	_ =	shalt  }
0x7f: {  	_ =	shalt  }
0x80: {  	_ =	shalt  }
0x81: {  	_ =	shalt  }
0x82: {  	_ =	shalt  }
0x83: {  	_ =	shalt  }
0x84: {  	_ =	shalt  }
0x85: {  	_ =	shalt  }
0x86: {  	_ =	shalt  }
0x87: {  	_ =	shalt  }
.Lfunc_end0:
.L_simem_size_0:
called_computation.1_lowered:
.L_overlay_start_0:
0x88: {  	s2 =	sld [smem:$0x3FD9]  }
0x89: {  	s3 =	sld [smem:$0x3FFE];
	_ =	sdelay $0x1  }
0x8a: {  	s1 =	srdreg.scid  }
0x8b: {  	s0 =	sand.u32 $0x1, s1  }
0x8c: {  	s17 =	sshll.u32 s0, $0xA;
	s2 =	sadd.s32 s3, s2  }
0x8d: {  	s2 =	sadd.s32 s2, s17  }
0x8e: {  	[smem:$0x3FC5] =	sst s2  }
0x8f: {  	_ = 	snop  }
0x90: {  	s2 =	sld [smem:$0x3FD0];
	(tm) =	ssettm $0x1  }
0x91: {  	s18 =	sld [smem:$0x3FFB];
	_ =	sdelay $0x3  }
0x92: {  	_ =	strace s18  }
0x93: {  	s3 =	sld [smem:$0x3FFC];
	_ =	sdelay $0x3  }
0x94: {  	_ =	strace s3  }
0x95: {  	s3 =	sld [smem:$0x3FFD];
	_ =	sdelay $0x3  }
0x96: {  	_ =	strace s3  }
0x97: {  	_ =	strace $0x8FFFFFFF  }
0x98: {  	s19 =	sld [smem:$0x3FDB];
	_ =	sdelay $0x1  }
0x99: {  	s4 =	simm.s32 $_scs_section_size  }
0x9a: {  	s5 =	simm.s32 $_size__tile_overlayer_lowered;
	s6 =	simm.s32 $_tile_overlayer_lowered  }
0x9b: {  	s22 =	simm.s32 $0x1BFF;
	s21 =	sshll.u32 s6, $0x1;
	s3 =	sadd.s32 s4, s19  }
0x9c: {  	s7 =	simm.s32 $0x0;
	s20 =	sshll.u32 s5, $0x1;
	s5 =	sadd.s32 s21, s3  }
0x9d: {  	[timem:s7], [sflag:s22] =	dma.local [hbm:s5], s20  }
0x9e: {  	_ =	swait.ge [sflag:s22], s20  }
0x9f: {  	s4 =	ssub.s32 $0x0, s20;
	[sflag:s22] =	ssyncset.done $0x0  }
0xa0: {  	[sflag:s22] =	ssyncadd.s32 s4;
	_ =	sdelay $0x1  }
0xa1: {  	s23 =	simm.s32 $0x1B8B  }
0xa2: {  	_ =	swait.ge [sflag:s23], $0x1  }
0xa3: {  	[sflag:s23] =	ssyncset.done $0x0  }
0xa4: {  	s25 =	simm.s32 $0x1B8E;
	s24 =	sld [smem:$0x3FFE];
	[sflag:s23] =	ssyncadd.s32 $0xFFFFFFFF  }
0xa5: {  	s26 =	simm.s32 $execute0_lowered;
	[smem:$0x3FD2] =	sst s25  }
0xa6: {  	s5 =	sshll.u32 s26, $0x1;
	_ =	strace $0x80000046;
	[dreg:$0x1] =	wrdreg $0xFFFFFFFF  }
0xa7: {  	s28 =	simm.s32 $_size_execute0_lowered;
	s3 =	sadd.s32 s3, s5;
	[dreg:$0x0] =	wrdreg $0x0  }
0xa8: {  	s5 =	sshll.u32 s28, $0x1;
	[dreg:$0x2] =	wrdreg s3  }
0xa9: {  	[dreg:$0x3] =	wrdreg s5  }
0xaa: {  	[dreg:$0x4] =	wrdreg $0xC0  }
0xab: {  	_ =	task [dreg:s7], $0x5FFFF  }
0xac: {  	[dreg:$0x1] =	wrdreg $0xFFFFFFFF  }
0xad: {  	[dreg:$0x0] =	wrdreg $0x60  }
0xae: {  	[dreg:$0x2] =	wrdreg s24  }
0xaf: {  	[dreg:$0x3] =	wrdreg s2  }
0xb0: {  	[dreg:$0x4] =	wrdreg $0x9  }
0xb1: {  	_ =	task.clear_ibuf [dreg:s7], $0x5FFFF;
	_ =	strace $0x90000046  }
0xb2: {  	s29 =	simm.s32 $0x9;
	_ =	strace $0x80000048  }
0xb3: {  	_ =	swait.ge [sflag:s29], $0x1  }
0xb4: {  	[sflag:s29] =	ssyncadd.s32 $0xFFFFFFFF  }
0xb5: {  	_ =	strace $0x90000048  }
0xb6: {  	_ =	sfence  }
0xb7: {  	s30 =	sld [smem:$0x0];
	_ =	sdelay $0x2  }
0xb8: {  	s31 =	sshll.u32 s1, $0xD;
	s1 =	sshrl.u32 s1, $0x2  }
0xb9: {  	s3 =	sand.u32 $0x4000, s31;
	s1 =	sadd.s32 s1, s30  }
0xba: {  	s0 =	sor.u32 s3, s0;
	s1 =	sshll.u32 s1, $0x11  }
0xbb: {  	s0 =	sor.u32 s1, s0  }
0xbc: {  	s0 =	sadd.s32 $0x8F2B, s0  }
0xbd: {  	[sflag:s0] =	ssyncadd.remote.s32 $0x1  }
0xbe: {  	_ =	sfence.sel $0xFFFF  }
0xbf: {  	[dreg:$0x0] =	wrdreg $0xFFFFFFFF;
	(pc) =	sbr.abs _section_cstart, $3  }
0xc0: {  	[dreg:$0x1] =	wrdreg $0xFFFFFFFF  }
0xc1: {  	_ =	task.clear_ibuf [dreg:s7], $0x2FFFF;
	_ =	strace $0x9FFFFFFF  }
0xc2: {  	(tm) =	ssettm $0x7FFFFFFF  }
0xc3: {  	_ =	shalt  }
tec
execute0_lowered:
.L_overlay_start_1:
0x0: {  	(tag) =	ssettag $0x1  }
0x1: {  	s0 =	rddreg [dreg:$0x0];
	s1 =	srdreg.scid  }
0x2: {  	s7 =	stileid.u32;
	s20 =	rddreg [dreg:$0x1];
	s3 =	simm.s32 $0x0  }
0x3: {  	s29 =	simm.s32 $0x3;
	s31 =	simm.s32 $0x4;
	s30 =	simm.s32 $0xA100  }
0x4: {  	s1 =	sand.u32 $0x1, s1;
	s2 =	sshll.u32 s7, $0x1;
	s21 =	smul.u32 $0x1C4000, s7  }
0x5: {  	s2 =	sor.u32 s1, s2;
	s5 =	ssub.s32 $0x2, s1;
	s1 =	smul.u32 $0xE2000, s1  }
0x6: {  	s28 =	simm.s32 $0x9100;
	[smem:$0x7FF] =	sst s3;
	s4 =	smul.u32 $0xE20, s2  }
0x7: {  	_ =	strace $0x80000047;
	s2 =	smul.u32 $0xE2000, s2;
	s19 =	sshrl.u32 s5, $0x1  }
0x8: {  	s1 =	sadd.s32 s1, s21;
	s6 =	sadd.s32 s4, s0;
	s4 =	sadd.s32 $0xF43000, s0  }
0x9: {  	s0 =	ssub.s32 s5, s19;
	s2 =	sshrl.u32 s2, $0x3;
	s8 =	sadd.s32 $0xF000, s1  }
0xa: {  	s12 =	sadd.s32 $0xE000, s1;
	s14 =	sadd.s32 $0xD000, s1;
	s6 =	sadd.s32 $0xC00, s6  }
0xb: {  	s15 =	sadd.s32 $0xC000, s1;
	s22 =	sadd.s32 s20, s2;
	[dreg:$0xa] =	wrdreg s6  }
0xc: {  	s19 =	sadd.s32 $0xB000, s1;
	s0 =	smax.u32 s0, $0x1;
	[dreg:$0xb] =	wrdreg s22  }
0xd: {  	s13 =	sshrl.u32 s12, $0x3;
	s2 =	sadd.s32 $0x200, s22;
	[dreg:$0x15] =	wrdreg s0  }
0xe: {  	s17 =	sshrl.u32 s15, $0x3;
	s23 =	sadd.s32 $0x400, s22;
	[dreg:$0xc] =	wrdreg s2  }
0xf: {  	s21 =	sshrl.u32 s19, $0x3;
	s24 =	sadd.s32 $0x600, s22;
	[dreg:$0xd] =	wrdreg s23  }
0x10: {  	s19 =	simm.s32 $0x80;
	s25 =	sadd.s32 $0x800, s22;
	[dreg:$0xe] =	wrdreg s24  }
0x11: {  	s12 =	simm.s32 $0xC;
	s26 =	sadd.s32 $0xA00, s22;
	[dreg:$0xf] =	wrdreg s25  }
0x12: {  	s15 =	simm.s32 $0xF;
	s5 =	sadd.s32 $0xC00, s22;
	[dreg:$0x10] =	wrdreg s26  }
0x13: {  	s7 =	sadd.s32 $0xE00, s22;
	s9 =	sadd.s32 $0x1C000, s22;
	[dreg:$0x11] =	wrdreg s5  }
0x14: {  	s10 =	sadd.s32 $0x1C200, s22;
	s0 =	sadd.s32 s13, s20;
	[dreg:$0x12] =	wrdreg s7  }
0x15: {  	s18 =	sadd.s32 s17, s20;
	s22 =	sadd.s32 $0xA000, s1;
	[dreg:$0x13] =	wrdreg s9  }
0x16: {  	s6 =	simm.s32 $0x9100;
	s13 =	simm.s32 $0xD;
	[dreg:$0x14] =	wrdreg s10  }
0x17: {  	s17 =	simm.s32 $0x0;
	s2 =	sshrl.u32 s8, $0x3;
	[dreg:$0x4] =	wrdreg s0  }
0x18: {  	[dreg:$0x6] =	wrdreg s18;
	s0 =	sadd.s32 s21, s20;
	s23 =	sadd.s32 $0x9000, s1  }
0x19: {  	s1 =	sadd.s32 $0x8000, s1;
	s21 =	simm.s32 $0xA100;
	s5 =	simm.s32 $0x6  }
0x1a: {  	s7 =	simm.s32 $0x7;
	s8 =	simm.s32 $0x8;
	s9 =	simm.s32 $0x9  }
0x1b: {  	s10 =	simm.s32 $0xA;
	s11 =	sadd.s32 s2, s20;
	[dreg:$0x7] =	wrdreg s0  }
0x1c: {  	s2 =	sshrl.u32 s14, $0x3;
	s25 =	sshrl.u32 s23, $0x3;
	[dreg:$0x16] =	wrdreg s1  }
0x1d: {  	s1 =	simm.s32 $0xB100;
	s23 =	simm.s32 $0xD100;
	s0 =	simm.s32 $0x5  }
0x1e: {  	s14 =	simm.s32 $0xE;
	[dreg:$0x3] =	wrdreg s11;
	s16 =	sadd.s32 s2, s20  }
0x1f: {  	s2 =	sshrl.u32 s22, $0x3;
	s26 =	sadd.s32 s25, s20;
	[dreg:$0x5] =	wrdreg s16  }
0x20: {  	s22 =	simm.s32 $0xC100;
	s24 =	sadd.s32 s2, s20;
	[dreg:$0x9] =	wrdreg s26  }
0x21: {  	s11 =	simm.s32 $0xB;
	s16 =	simm.s32 $0x10;
	[dreg:$0x8] =	wrdreg s24  }
.LBB2_1:
0x22: {  	[dreg:$0x17] =	wrdreg s17  }
0x23: {  	s2 =	rddreg [dreg:$0xa];
	s25 =	simm.s32 $0x11  }
0x24: {  	[tilespmem:s3], [sflag:$0x11] =	stream.linear.gather [hbm4b:s2+s3], $0x7100, $0x38;
	[tilespmem:$0xF100] =	vst v63  }
0x25: {  	_ =	swait.ge [sflag:s25], $0x7100  }
0x26: {  	[sflag:s25] =	ssyncset.done $0x0  }
0x27: {  	s17 =	simm.s32 $0x7100;
	[sflag:s25] =	ssyncadd.s32 $0xFFFF8F00  }
0x28: {  	[tilespmem:s17], [sflag:$0x1] =	stream.indirect.gather [hbm4b:s4+s19], $0x20, s3, s19, $0xb8;
	[tilespmem:$0xF100] =	vst v63  }
0x29: {  	s18 =	simm.s32 $0x8100  }
0x2a: {  	[tilespmem:s18], [sflag:$0x2] =	stream.indirect.gather [hbm4b:s4+s19], $0x20, s19, s19, $0xb8;
	[tilespmem:$0xF100] =	vst v63  }
0x2b: {  	s26 =	simm.s32 $0x100  }
0x2c: {  	[tilespmem:s6], [sflag:$0x3] =	stream.indirect.gather [hbm4b:s4+s19], $0x20, s26, s19, $0xb8;
	[tilespmem:$0xF100] =	vst v63  }
0x2d: {  	s24 =	simm.s32 $0x180  }
0x2e: {  	[tilespmem:s21], [sflag:$0x4] =	stream.indirect.gather [hbm4b:s4+s19], $0x20, s24, s19, $0xb8;
	[tilespmem:$0xF100] =	vst v63  }
0x2f: {  	s25 =	simm.s32 $0x200  }
0x30: {  	[tilespmem:s1], [sflag:$0x5] =	stream.indirect.gather [hbm4b:s4+s19], $0x20, s25, s19, $0xb8;
	[tilespmem:$0xF100] =	vst v63  }
0x31: {  	s26 =	simm.s32 $0x280  }
0x32: {  	[tilespmem:s22], [sflag:$0x6] =	stream.indirect.gather [hbm4b:s4+s19], $0x20, s26, s19, $0xb8;
	[tilespmem:$0xF100] =	vst v63  }
0x33: {  	s24 =	simm.s32 $0x300  }
0x34: {  	[tilespmem:s23], [sflag:$0x7] =	stream.indirect.gather [hbm4b:s4+s19], $0x20, s24, s19, $0xb8;
	[tilespmem:$0xF100] =	vst v63  }
0x35: {  	s25 =	simm.s32 $0x380;
	s24 =	simm.s32 $0xE100  }
0x36: {  	[tilespmem:s24], [sflag:$0x8] =	stream.indirect.gather [hbm4b:s4+s19], $0x20, s25, s19, $0xb8;
	[tilespmem:$0xF100] =	vst v63  }
0x37: {  	s25 =	simm.s32 $0x1  }
0x38: {  	_ =	swait.ge [sflag:s25], $0x1000  }
0x39: {  	[sflag:s25] =	ssyncset.done $0x0  }
0x3a: {  	s26 =	rddreg [dreg:$0xb];
	[sflag:s25] =	ssyncadd.s32 $0xFFFFF000  }
0x3b: {  	[hbm4b:s26+s3] =	stream.linear.scatter [tilespmem:s17], [sflag:$0x9], $0x1000, $0x38;
	[tilespmem:$0xF100] =	vst v63  }
0x3c: {  	s26 =	simm.s32 $0x2  }
0x3d: {  	_ =	swait.ge [sflag:s26], $0x1000  }
0x3e: {  	[sflag:s26] =	ssyncset.done $0x0  }
0x3f: {  	s2 =	rddreg [dreg:$0xc];
	[sflag:s26] =	ssyncadd.s32 $0xFFFFF000  }
0x40: {  	[hbm4b:s2+s3] =	stream.linear.scatter [tilespmem:s18], [sflag:$0xA], $0x1000, $0x38;
	[tilespmem:$0xF100] =	vst v63  }
0x41: {  	_ =	swait.ge [sflag:s29], $0x1000  }
0x42: {  	[sflag:s29] =	ssyncset.done $0x0  }
0x43: {  	s2 =	rddreg [dreg:$0xd];
	[sflag:s29] =	ssyncadd.s32 $0xFFFFF000  }
0x44: {  	[hbm4b:s2+s3] =	stream.linear.scatter [tilespmem:s6], [sflag:$0xB], $0x1000, $0x38;
	[tilespmem:$0xF100] =	vst v63  }
0x45: {  	_ =	swait.ge [sflag:s31], $0x1000  }
0x46: {  	[sflag:s31] =	ssyncset.done $0x0  }
0x47: {  	s2 =	rddreg [dreg:$0xe];
	[sflag:s31] =	ssyncadd.s32 $0xFFFFF000  }
0x48: {  	[hbm4b:s2+s3] =	stream.linear.scatter [tilespmem:s21], [sflag:$0xC], $0x1000, $0x38;
	[tilespmem:$0xF100] =	vst v63  }
0x49: {  	_ =	swait.ge [sflag:s0], $0x1000  }
0x4a: {  	[sflag:s0] =	ssyncset.done $0x0  }
0x4b: {  	s2 =	rddreg [dreg:$0xf];
	[sflag:s0] =	ssyncadd.s32 $0xFFFFF000  }
0x4c: {  	[hbm4b:s2+s3] =	stream.linear.scatter [tilespmem:s1], [sflag:$0xD], $0x1000, $0x38;
	[tilespmem:$0xF100] =	vst v63  }
0x4d: {  	_ =	swait.ge [sflag:s5], $0x1000  }
0x4e: {  	[sflag:s5] =	ssyncset.done $0x0  }
0x4f: {  	s2 =	rddreg [dreg:$0x10];
	[sflag:s5] =	ssyncadd.s32 $0xFFFFF000  }
0x50: {  	[hbm4b:s2+s3] =	stream.linear.scatter [tilespmem:s22], [sflag:$0xE], $0x1000, $0x38;
	[tilespmem:$0xF100] =	vst v63  }
0x51: {  	_ =	swait.ge [sflag:s7], $0x1000  }
0x52: {  	[sflag:s7] =	ssyncset.done $0x0  }
0x53: {  	s2 =	rddreg [dreg:$0x11];
	[sflag:s7] =	ssyncadd.s32 $0xFFFFF000  }
0x54: {  	[hbm4b:s2+s3] =	stream.linear.scatter [tilespmem:s23], [sflag:$0xF], $0x1000, $0x38;
	[tilespmem:$0xF100] =	vst v63  }
0x55: {  	_ =	swait.ge [sflag:s8], $0x1000  }
0x56: {  	[sflag:s8] =	ssyncset.done $0x0  }
0x57: {  	s2 =	rddreg [dreg:$0x12];
	[sflag:s8] =	ssyncadd.s32 $0xFFFFF000  }
0x58: {  	[hbm4b:s2+s3] =	stream.linear.scatter [tilespmem:s24], [sflag:$0x10], $0x1000, $0x38;
	[tilespmem:$0xF100] =	vst v63  }
0x59: {  	_ =	swait.ge [sflag:s9], $0x1000  }
0x5a: {  	[sflag:s9] =	ssyncset.done $0x0  }
0x5b: {  	s2 =	simm.s32 $0x400;
	[sflag:s9] =	ssyncadd.s32 $0xFFFFF000  }
0x5c: {  	[tilespmem:s17], [sflag:$0x1] =	stream.indirect.gather [hbm4b:s4+s19], $0x20, s2, s19, $0xb8;
	[tilespmem:$0xF100] =	vst v63  }
0x5d: {  	_ =	swait.ge [sflag:s10], $0x1000  }
0x5e: {  	[sflag:s10] =	ssyncset.done $0x0  }
0x5f: {  	s2 =	simm.s32 $0x480;
	[sflag:s10] =	ssyncadd.s32 $0xFFFFF000  }
0x60: {  	[tilespmem:s18], [sflag:$0x2] =	stream.indirect.gather [hbm4b:s4+s19], $0x20, s2, s19, $0xb8;
	[tilespmem:$0xF100] =	vst v63  }
0x61: {  	_ =	swait.ge [sflag:s11], $0x1000  }
0x62: {  	[sflag:s11] =	ssyncset.done $0x0  }
0x63: {  	s2 =	simm.s32 $0x500;
	[sflag:s11] =	ssyncadd.s32 $0xFFFFF000  }
0x64: {  	[tilespmem:s6], [sflag:$0x3] =	stream.indirect.gather [hbm4b:s4+s19], $0x20, s2, s19, $0xb8;
	[tilespmem:$0xF100] =	vst v63  }
0x65: {  	_ =	swait.ge [sflag:s12], $0x1000  }
0x66: {  	[sflag:s12] =	ssyncset.done $0x0  }
0x67: {  	s6 =	simm.s32 $0x580;
	[sflag:s12] =	ssyncadd.s32 $0xFFFFF000  }
0x68: {  	[tilespmem:s21], [sflag:$0x4] =	stream.indirect.gather [hbm4b:s4+s19], $0x20, s6, s19, $0xb8;
	[tilespmem:$0xF100] =	vst v63  }
0x69: {  	_ =	swait.ge [sflag:s13], $0x1000  }
0x6a: {  	[sflag:s13] =	ssyncset.done $0x0  }
0x6b: {  	s21 =	simm.s32 $0x600;
	[sflag:s13] =	ssyncadd.s32 $0xFFFFF000  }
0x6c: {  	[tilespmem:s1], [sflag:$0x5] =	stream.indirect.gather [hbm4b:s4+s19], $0x20, s21, s19, $0xb8;
	[tilespmem:$0xF100] =	vst v63  }
0x6d: {  	_ =	swait.ge [sflag:s14], $0x1000  }
0x6e: {  	[sflag:s14] =	ssyncset.done $0x0  }
0x6f: {  	s6 =	simm.s32 $0x680;
	[sflag:s14] =	ssyncadd.s32 $0xFFFFF000  }
0x70: {  	[tilespmem:s22], [sflag:$0x6] =	stream.indirect.gather [hbm4b:s4+s19], $0x20, s6, s19, $0xb8;
	[tilespmem:$0xF100] =	vst v63  }
0x71: {  	_ =	swait.ge [sflag:s15], $0x1000  }
0x72: {  	[sflag:s15] =	ssyncset.done $0x0  }
0x73: {  	s21 =	simm.s32 $0x700;
	[sflag:s15] =	ssyncadd.s32 $0xFFFFF000  }
0x74: {  	[tilespmem:s23], [sflag:$0x7] =	stream.indirect.gather [hbm4b:s4+s19], $0x20, s21, s19, $0xb8;
	[tilespmem:$0xF100] =	vst v63  }
0x75: {  	_ =	swait.ge [sflag:s16], $0x1000  }
0x76: {  	[sflag:s16] =	ssyncset.done $0x0  }
0x77: {  	s22 =	simm.s32 $0x780;
	[sflag:s16] =	ssyncadd.s32 $0xFFFFF000  }
0x78: {  	[tilespmem:s24], [sflag:$0x8] =	stream.indirect.gather [hbm4b:s4+s19], $0x20, s22, s19, $0xb8;
	[tilespmem:$0xF100] =	vst v63  }
0x79: {  	_ =	swait.ge [sflag:s25], $0x1000  }
0x7a: {  	s6 =	rddreg [dreg:$0x16]  }
0x7b: {  	[sflag:s25] =	ssyncset.done $0x0;
	s23 =	sshrl.u32 s6, $0x3  }
0x7c: {  	[sflag:s25] =	ssyncadd.s32 $0xFFFFF000;
	s2 =	sadd.s32 s20, s23  }
0x7d: {  	[hbm4b:s2+s3] =	stream.linear.scatter [tilespmem:s17], [sflag:$0x9], $0x1000, $0x38;
	[tilespmem:$0xF100] =	vst v63  }
0x7e: {  	_ =	swait.ge [sflag:s26], $0x1000  }
0x7f: {  	s25 =	rddreg [dreg:$0x9];
	[sflag:s26] =	ssyncset.done $0x0  }
0x80: {  	[sflag:s26] =	ssyncadd.s32 $0xFFFFF000;
	s2 =	sadd.s32 $0x0, s25  }
0x81: {  	[hbm4b:s2+s3] =	stream.linear.scatter [tilespmem:s18], [sflag:$0xA], $0x1000, $0x38;
	[tilespmem:$0xF100] =	vst v63  }
0x82: {  	_ =	swait.ge [sflag:s29], $0x1000  }
0x83: {  	s17 =	rddreg [dreg:$0x8];
	[sflag:s29] =	ssyncset.done $0x0  }
0x84: {  	[sflag:s29] =	ssyncadd.s32 $0xFFFFF000;
	s2 =	sadd.s32 $0x0, s17  }
0x85: {  	[hbm4b:s2+s3] =	stream.linear.scatter [tilespmem:s28], [sflag:$0xB], $0x1000, $0x38;
	[tilespmem:$0xF100] =	vst v63  }
0x86: {  	_ =	swait.ge [sflag:s31], $0x1000  }
0x87: {  	s18 =	rddreg [dreg:$0x7];
	[sflag:s31] =	ssyncset.done $0x0  }
0x88: {  	[sflag:s31] =	ssyncadd.s32 $0xFFFFF000;
	s2 =	sadd.s32 $0x0, s18  }
0x89: {  	[hbm4b:s2+s3] =	stream.linear.scatter [tilespmem:s30], [sflag:$0xC], $0x1000, $0x38;
	[tilespmem:$0xF100] =	vst v63  }
0x8a: {  	_ =	swait.ge [sflag:s0], $0x1000  }
0x8b: {  	s21 =	rddreg [dreg:$0x6];
	[sflag:s0] =	ssyncset.done $0x0  }
0x8c: {  	s1 =	simm.s32 $0xB100;
	[sflag:s0] =	ssyncadd.s32 $0xFFFFF000;
	s2 =	sadd.s32 $0x0, s21  }
0x8d: {  	[hbm4b:s2+s3] =	stream.linear.scatter [tilespmem:s1], [sflag:$0xD], $0x1000, $0x38;
	[tilespmem:$0xF100] =	vst v63  }
0x8e: {  	_ =	swait.ge [sflag:s5], $0x1000  }
0x8f: {  	s23 =	rddreg [dreg:$0x5];
	[sflag:s5] =	ssyncset.done $0x0  }
0x90: {  	s22 =	simm.s32 $0xC100;
	[sflag:s5] =	ssyncadd.s32 $0xFFFFF000;
	s2 =	sadd.s32 $0x0, s23  }
0x91: {  	[hbm4b:s2+s3] =	stream.linear.scatter [tilespmem:s22], [sflag:$0xE], $0x1000, $0x38;
	[tilespmem:$0xF100] =	vst v63  }
0x92: {  	_ =	swait.ge [sflag:s7], $0x1000  }
0x93: {  	s25 =	rddreg [dreg:$0x4];
	[sflag:s7] =	ssyncset.done $0x0  }
0x94: {  	s24 =	simm.s32 $0xD100;
	[sflag:s7] =	ssyncadd.s32 $0xFFFFF000;
	s2 =	sadd.s32 $0x0, s25  }
0x95: {  	[hbm4b:s2+s3] =	stream.linear.scatter [tilespmem:s24], [sflag:$0xF], $0x1000, $0x38;
	[tilespmem:$0xF100] =	vst v63  }
0x96: {  	_ =	swait.ge [sflag:s8], $0x1000  }
0x97: {  	s17 =	sadd.s32 $0x8000, s6;
	s26 =	rddreg [dreg:$0x3];
	[sflag:s8] =	ssyncset.done $0x0  }
0x98: {  	s18 =	simm.s32 $0x1000;
	[sflag:s8] =	ssyncadd.s32 $0xFFFFF000;
	s2 =	sadd.s32 $0x0, s26  }
.LBB2_2:
0x99: {  	s26 =	simm.s32 $0xE100  }
0x9a: {  	[hbm4b:s2+s3] =	stream.linear.scatter [tilespmem:s26], [sflag:$0x10], $0x1000, $0x38;
	[tilespmem:$0xF100] =	vst v63  }
0x9b: {  	s6 =	smov.u32 s18;
	_ =	swait.ge [sflag:s9], $0x1000  }
0x9c: {  	s2 =	sshra.s32 s6, $0x2;
	[sflag:s9] =	ssyncset.done $0x0  }
0x9d: {  	s23 =	simm.s32 $0x7100;
	s25 =	sadd.s32 $0x400, s2;
	[sflag:s9] =	ssyncadd.s32 $0xFFFFF000  }
0x9e: {  	[tilespmem:s23], [sflag:$0x1] =	stream.indirect.gather [hbm4b:s4+s19], $0x20, s25, s19, $0xb8;
	[tilespmem:$0xF100] =	vst v63  }
0x9f: {  	_ =	swait.ge [sflag:s10], $0x1000  }
0xa0: {  	s21 =	smov.u32 s20;
	[sflag:s10] =	ssyncset.done $0x0  }
0xa1: {  	s20 =	sadd.s32 $0x480, s2;
	s25 =	simm.s32 $0x8100;
	[sflag:s10] =	ssyncadd.s32 $0xFFFFF000  }
0xa2: {  	[tilespmem:s25], [sflag:$0x2] =	stream.indirect.gather [hbm4b:s4+s19], $0x20, s20, s19, $0xb8;
	[tilespmem:$0xF100] =	vst v63  }
0xa3: {  	_ =	swait.ge [sflag:s11], $0x1000  }
0xa4: {  	[sflag:s11] =	ssyncset.done $0x0  }
0xa5: {  	s20 =	sadd.s32 $0x500, s2;
	[sflag:s11] =	ssyncadd.s32 $0xFFFFF000  }
0xa6: {  	[tilespmem:s28], [sflag:$0x3] =	stream.indirect.gather [hbm4b:s4+s19], $0x20, s20, s19, $0xb8;
	[tilespmem:$0xF100] =	vst v63  }
0xa7: {  	_ =	swait.ge [sflag:s12], $0x1000  }
0xa8: {  	[sflag:s12] =	ssyncset.done $0x0  }
0xa9: {  	s20 =	sadd.s32 $0x580, s2;
	[sflag:s12] =	ssyncadd.s32 $0xFFFFF000  }
0xaa: {  	[tilespmem:s30], [sflag:$0x4] =	stream.indirect.gather [hbm4b:s4+s19], $0x20, s20, s19, $0xb8;
	[tilespmem:$0xF100] =	vst v63  }
0xab: {  	_ =	swait.ge [sflag:s13], $0x1000  }
0xac: {  	[sflag:s13] =	ssyncset.done $0x0  }
0xad: {  	s20 =	sadd.s32 $0x600, s2;
	[sflag:s13] =	ssyncadd.s32 $0xFFFFF000  }
0xae: {  	[tilespmem:s1], [sflag:$0x5] =	stream.indirect.gather [hbm4b:s4+s19], $0x20, s20, s19, $0xb8;
	[tilespmem:$0xF100] =	vst v63  }
0xaf: {  	_ =	swait.ge [sflag:s14], $0x1000  }
0xb0: {  	[sflag:s14] =	ssyncset.done $0x0  }
0xb1: {  	s20 =	sadd.s32 $0x680, s2;
	[sflag:s14] =	ssyncadd.s32 $0xFFFFF000  }
0xb2: {  	[tilespmem:s22], [sflag:$0x6] =	stream.indirect.gather [hbm4b:s4+s19], $0x20, s20, s19, $0xb8;
	[tilespmem:$0xF100] =	vst v63  }
0xb3: {  	_ =	swait.ge [sflag:s15], $0x1000  }
0xb4: {  	[sflag:s15] =	ssyncset.done $0x0  }
0xb5: {  	s20 =	sadd.s32 $0x700, s2;
	[sflag:s15] =	ssyncadd.s32 $0xFFFFF000  }
0xb6: {  	[tilespmem:s24], [sflag:$0x7] =	stream.indirect.gather [hbm4b:s4+s19], $0x20, s20, s19, $0xb8;
	[tilespmem:$0xF100] =	vst v63  }
0xb7: {  	_ =	swait.ge [sflag:s16], $0x1000  }
0xb8: {  	[sflag:s16] =	ssyncset.done $0x0  }
0xb9: {  	s2 =	sadd.s32 $0x780, s2;
	[sflag:s16] =	ssyncadd.s32 $0xFFFFF000  }
0xba: {  	[tilespmem:s26], [sflag:$0x8] =	stream.indirect.gather [hbm4b:s4+s19], $0x20, s2, s19, $0xb8;
	[tilespmem:$0xF100] =	vst v63  }
0xbb: {  	s26 =	simm.s32 $0x1  }
0xbc: {  	_ =	swait.ge [sflag:s26], $0x1000  }
0xbd: {  	s20 =	smov.u32 s21;
	s2 =	sshrl.u32 s17, $0x3;
	[sflag:s26] =	ssyncset.done $0x0  }
0xbe: {  	s2 =	sadd.s32 s20, s2;
	[sflag:s26] =	ssyncadd.s32 $0xFFFFF000  }
0xbf: {  	[hbm4b:s2+s3] =	stream.linear.scatter [tilespmem:s23], [sflag:$0x9], $0x1000, $0x38;
	[tilespmem:$0xF100] =	vst v63  }
0xc0: {  	s2 =	simm.s32 $0x2  }
0xc1: {  	_ =	swait.ge [sflag:s2], $0x1000  }
0xc2: {  	s26 =	rddreg [dreg:$0x9];
	[sflag:s2] =	ssyncset.done $0x0  }
0xc3: {  	[sflag:s2] =	ssyncadd.s32 $0xFFFFF000;
	s2 =	sadd.s32 s6, s26  }
0xc4: {  	[hbm4b:s2+s3] =	stream.linear.scatter [tilespmem:s25], [sflag:$0xA], $0x1000, $0x38;
	[tilespmem:$0xF100] =	vst v63  }
0xc5: {  	_ =	swait.ge [sflag:s29], $0x1000  }
0xc6: {  	s23 =	rddreg [dreg:$0x8];
	[sflag:s29] =	ssyncset.done $0x0  }
0xc7: {  	[sflag:s29] =	ssyncadd.s32 $0xFFFFF000;
	s2 =	sadd.s32 s6, s23  }
0xc8: {  	[hbm4b:s2+s3] =	stream.linear.scatter [tilespmem:s28], [sflag:$0xB], $0x1000, $0x38;
	[tilespmem:$0xF100] =	vst v63  }
0xc9: {  	_ =	swait.ge [sflag:s31], $0x1000  }
0xca: {  	s25 =	rddreg [dreg:$0x7];
	[sflag:s31] =	ssyncset.done $0x0  }
0xcb: {  	[sflag:s31] =	ssyncadd.s32 $0xFFFFF000;
	s2 =	sadd.s32 s6, s25  }
0xcc: {  	[hbm4b:s2+s3] =	stream.linear.scatter [tilespmem:s30], [sflag:$0xC], $0x1000, $0x38;
	[tilespmem:$0xF100] =	vst v63  }
0xcd: {  	_ =	swait.ge [sflag:s0], $0x1000  }
0xce: {  	s26 =	rddreg [dreg:$0x6];
	[sflag:s0] =	ssyncset.done $0x0  }
0xcf: {  	[sflag:s0] =	ssyncadd.s32 $0xFFFFF000;
	s2 =	sadd.s32 s6, s26  }
0xd0: {  	[hbm4b:s2+s3] =	stream.linear.scatter [tilespmem:s1], [sflag:$0xD], $0x1000, $0x38;
	[tilespmem:$0xF100] =	vst v63  }
0xd1: {  	_ =	swait.ge [sflag:s5], $0x1000  }
0xd2: {  	s23 =	rddreg [dreg:$0x5];
	[sflag:s5] =	ssyncset.done $0x0  }
0xd3: {  	[sflag:s5] =	ssyncadd.s32 $0xFFFFF000;
	s2 =	sadd.s32 s6, s23  }
0xd4: {  	[hbm4b:s2+s3] =	stream.linear.scatter [tilespmem:s22], [sflag:$0xE], $0x1000, $0x38;
	[tilespmem:$0xF100] =	vst v63  }
0xd5: {  	_ =	swait.ge [sflag:s7], $0x1000  }
0xd6: {  	p0 =	sne.s32 s18, $0x1A000;
	s25 =	rddreg [dreg:$0x4];
	[sflag:s7] =	ssyncset.done $0x0  }
.Ltmp0:
0xd7: {  	[sflag:s7] =	ssyncadd.s32 $0xFFFFF000;
	s2 =	sadd.s32 s6, s25;
	(pc) =	sbr.rel @p0 .LBB2_2-.Ltmp0, $4  }
0xd8: {  	[hbm4b:s2+s3] =	stream.linear.scatter [tilespmem:s24], [sflag:$0xF], $0x1000, $0x38;
	[tilespmem:$0xF100] =	vst v63  }
0xd9: {  	s18 =	sadd.s32 $0x1000, s18;
	_ =	swait.ge [sflag:s8], $0x1000  }
0xda: {  	s21 =	simm.s32 $0xE100;
	[sflag:s8] =	ssyncset.done $0x0;
	s26 =	rddreg [dreg:$0x3]  }
0xdb: {  	s17 =	sadd.s32 $0x8000, s17;
	[sflag:s8] =	ssyncadd.s32 $0xFFFFF000;
	s2 =	sadd.s32 s6, s26  }
0xdc: {  	[hbm4b:s2+s3] =	stream.linear.scatter [tilespmem:s21], [sflag:$0x10], $0x1000, $0x38;
	[tilespmem:$0xF100] =	vst v63  }
0xdd: {  	_ =	swait.ge [sflag:s9], $0x1000  }
0xde: {  	[sflag:s9] =	ssyncset.done $0x0  }
0xdf: {  	s6 =	simm.s32 $0x7100;
	s1 =	simm.s32 $0x7000;
	[sflag:s9] =	ssyncadd.s32 $0xFFFFF000  }
0xe0: {  	[tilespmem:s6], [sflag:$0x1] =	stream.indirect.gather [hbm4b:s4+s19], $0x20, s1, s19, $0xb8;
	[tilespmem:$0xF100] =	vst v63  }
0xe1: {  	_ =	swait.ge [sflag:s10], $0x1000  }
0xe2: {  	s17 =	simm.s32 $0x8100;
	[sflag:s10] =	ssyncset.done $0x0  }
0xe3: {  	s18 =	simm.s32 $0x7080;
	s21 =	simm.s32 $0x1;
	[sflag:s10] =	ssyncadd.s32 $0xFFFFF000  }
0xe4: {  	[tilespmem:s17], [sflag:$0x2] =	stream.indirect.gather [hbm4b:s4+s19], $0x20, s18, s19, $0xb8;
	[tilespmem:$0xF100] =	vst v63  }
0xe5: {  	_ =	swait.ge [sflag:s21], $0x1000  }
0xe6: {  	[sflag:s21] =	ssyncset.done $0x0  }
0xe7: {  	s23 =	simm.s32 $0x2;
	s22 =	rddreg [dreg:$0x13];
	[sflag:s21] =	ssyncadd.s32 $0xFFFFF000  }
0xe8: {  	[hbm4b:s22+s3] =	stream.linear.scatter [tilespmem:s6], [sflag:$0x9], $0x1000, $0x38;
	[tilespmem:$0xF100] =	vst v63  }
0xe9: {  	_ =	swait.ge [sflag:s23], $0x1000  }
0xea: {  	[sflag:s23] =	ssyncset.done $0x0  }
0xeb: {  	s24 =	rddreg [dreg:$0x14];
	[sflag:s23] =	ssyncadd.s32 $0xFFFFF000  }
0xec: {  	[hbm4b:s24+s3] =	stream.linear.scatter [tilespmem:s17], [sflag:$0xA], $0x1000, $0x38;
	[tilespmem:$0xF100] =	vst v63  }
0xed: {  	_ =	swait.ge [sflag:s9], $0x1000  }
0xee: {  	[sflag:s9] =	ssyncset.done $0x0  }
0xef: {  	[sflag:s9] =	ssyncadd.s32 $0xFFFFF000  }
0xf0: {  	_ =	swait.ge [sflag:s10], $0x1000  }
0xf1: {  	[sflag:s10] =	ssyncset.done $0x0  }
0xf2: {  	[sflag:s10] =	ssyncadd.s32 $0xFFFFF000  }
0xf3: {  	_ =	swait.ge [sflag:s11], $0x1000  }
0xf4: {  	[sflag:s11] =	ssyncset.done $0x0  }
0xf5: {  	[sflag:s11] =	ssyncadd.s32 $0xFFFFF000  }
0xf6: {  	_ =	swait.ge [sflag:s12], $0x1000  }
0xf7: {  	[sflag:s12] =	ssyncset.done $0x0  }
0xf8: {  	[sflag:s12] =	ssyncadd.s32 $0xFFFFF000  }
0xf9: {  	_ =	swait.ge [sflag:s13], $0x1000  }
0xfa: {  	[sflag:s13] =	ssyncset.done $0x0  }
0xfb: {  	[sflag:s13] =	ssyncadd.s32 $0xFFFFF000  }
0xfc: {  	_ =	swait.ge [sflag:s14], $0x1000  }
0xfd: {  	[sflag:s14] =	ssyncset.done $0x0  }
0xfe: {  	[sflag:s14] =	ssyncadd.s32 $0xFFFFF000  }
0xff: {  	_ =	swait.ge [sflag:s15], $0x1000  }
0x100: {  	[sflag:s15] =	ssyncset.done $0x0  }
0x101: {  	[sflag:s15] =	ssyncadd.s32 $0xFFFFF000  }
0x102: {  	_ =	swait.ge [sflag:s16], $0x1000  }
0x103: {  	s25 =	rddreg [dreg:$0x17]  }
0x104: {  	s26 =	rddreg [dreg:$0x15];
	s17 =	sadd.s32 $0x1, s25  }
0x105: {  	p0 =	sne.s32 s17, s26  }
.Ltmp1:
0x106: {  	_ = 	snop;
	(pc) =	sbr.rel @p0 .LBB2_1-.Ltmp1, $4  }
0x107: {  	_ = 	snop  }
0x108: {  	s1 =	simm.s32 $0xB100  }
0x109: {  	s21 =	simm.s32 $0xA100;
	s6 =	simm.s32 $0x9100;
	[sflag:s16] =	ssyncset.done $0x0  }
0x10a: {  	s22 =	simm.s32 $0xC100;
	s23 =	simm.s32 $0xD100;
	[sflag:s16] =	ssyncadd.s32 $0xFFFFF000  }
0x10b: {  	_ =	sfence.sel $0x180000  }
0x10c: {  	[bflag:$0x0] =	sbarrier.arrive $0xFFFF  }
0x10d: {  	_ =	strace $0x90000047  }
0x10e: {  	s0 =	stileid.u32;
	[bflag:$0x2] =	sbarrier.arrive $0xFFFF  }
0x10f: {  	p0 =	sne.s32 s0, $0x0;
	s0 =	rddreg [dreg:$0x2]  }
0x110: {  	s0 =	sadd.s32 @!p0 $0x100000, s0  }
0x111: {  	[sflag:s0] =	ssyncadd.tile.s32 @!p0 $0x1;
	_ =	shalt  }
.Lfunc_end2:
_tile_overlayer_lowered:
.L_overlay_start_2:
0x112: {  	(tag) =	ssettag $0x2  }
0x113: {  	s0 =	rddreg [dreg:$0x0];
	s2 =	stileid.u32  }
0x114: {  	s1 =	rddreg [dreg:$0x1];
	p0 =	sne.s32 s2, $0x0  }
0x115: {  	s3 =	rddreg [dreg:$0x2];
	[bflag:$0x3] =	sbarrier.arrive $0xFFFF;
	s2 =	simm.s32 @!p0 $0x1C11  }
0x116: {  	[timem:s3], [sflag:s2] =	dma.local @!p0 [hbm:s0], s1  }
0x117: {  	s0 =	simm.s32 @!p0 $0x11  }
0x118: {  	_ =	swait.ge @!p0 [sflag:s0], s1  }
0x119: {  	s1 =	ssub.s32 @!p0 $0x0, s1;
	[sflag:s0] =	ssyncset.done @!p0 $0x0  }
0x11a: {  	[sflag:s0] =	ssyncadd.s32 @!p0 s1  }
0x11b: {  	[bflag:$0x3] =	sbarrier.arrive $0xFFFF  }
0x11c: {  	_ =	shalt  }

// kernel: sparse-core-data-format-call.cloned.1.call-start
scs
called_computation_lowered:
.L_overlay_start_0:
0x0: {  	s2 =	sld [smem:$0x3FD9]  }
0x1: {  	s3 =	sld [smem:$0x3FFE];
	_ =	sdelay $0x1  }
0x2: {  	s1 =	srdreg.scid  }
0x3: {  	s0 =	sand.u32 $0x1, s1  }
0x4: {  	s18 =	sshll.u32 s0, $0xA;
	s2 =	sadd.s32 s3, s2  }
0x5: {  	s2 =	sadd.s32 s2, s18  }
0x6: {  	[smem:$0x3FC5] =	sst s2  }
0x7: {  	_ = 	snop  }
0x8: {  	s2 =	sld [smem:$0x3FD0];
	(tm) =	ssettm $0x1  }
0x9: {  	s19 =	sld [smem:$0x3FFB];
	_ =	sdelay $0x3  }
0xa: {  	_ =	strace s19  }
0xb: {  	s3 =	sld [smem:$0x3FFC];
	_ =	sdelay $0x3  }
0xc: {  	_ =	strace s3  }
0xd: {  	s3 =	sld [smem:$0x3FFD];
	_ =	sdelay $0x3  }
0xe: {  	_ =	strace s3  }
0xf: {  	_ =	strace $0x8FFFFFFF  }
0x10: {  	s20 =	sld [smem:$0x3FDB];
	_ =	sdelay $0x1  }
0x11: {  	s4 =	simm.s32 $_scs_section_size  }
0x12: {  	s5 =	simm.s32 $_size__tile_overlayer_lowered;
	s6 =	simm.s32 $_tile_overlayer_lowered  }
0x13: {  	s23 =	simm.s32 $0x1BFF;
	s22 =	sshll.u32 s6, $0x1;
	s3 =	sadd.s32 s4, s20  }
0x14: {  	s7 =	simm.s32 $0x0;
	s21 =	sshll.u32 s5, $0x1;
	s5 =	sadd.s32 s22, s3  }
0x15: {  	[timem:s7], [sflag:s23] =	dma.local [hbm:s5], s21  }
0x16: {  	_ =	swait.ge [sflag:s23], s21  }
0x17: {  	s4 =	ssub.s32 $0x0, s21;
	[sflag:s23] =	ssyncset.done $0x0  }
0x18: {  	[sflag:s23] =	ssyncadd.s32 s4;
	_ =	sdelay $0x1  }
0x19: {  	s24 =	simm.s32 $0x1B8B  }
0x1a: {  	_ =	swait.ge [sflag:s24], $0x1  }
0x1b: {  	[sflag:s24] =	ssyncset.done $0x0  }
0x1c: {  	s26 =	simm.s32 $0x1B8E;
	s25 =	sld [smem:$0x3FFE];
	[sflag:s24] =	ssyncadd.s32 $0xFFFFFFFF  }
0x1d: {  	s27 =	simm.s32 $execute0_lowered;
	[smem:$0x3FD2] =	sst s26  }
0x1e: {  	s5 =	sshll.u32 s27, $0x1;
	_ =	strace $0x80000049;
	[dreg:$0x1] =	wrdreg $0xFFFFFFFF  }
0x1f: {  	s28 =	simm.s32 $_size_execute0_lowered;
	s3 =	sadd.s32 s3, s5;
	[dreg:$0x0] =	wrdreg $0x0  }
0x20: {  	s5 =	sshll.u32 s28, $0x1;
	[dreg:$0x2] =	wrdreg s3  }
0x21: {  	[dreg:$0x3] =	wrdreg s5  }
0x22: {  	[dreg:$0x4] =	wrdreg $0xC0  }
0x23: {  	_ =	task [dreg:s7], $0x5FFFF  }
0x24: {  	[dreg:$0x1] =	wrdreg $0xFFFFFFFF  }
0x25: {  	[dreg:$0x0] =	wrdreg $0x60  }
0x26: {  	[dreg:$0x2] =	wrdreg s25  }
0x27: {  	[dreg:$0x3] =	wrdreg s2  }
0x28: {  	[dreg:$0x4] =	wrdreg $0x9  }
0x29: {  	_ =	task.clear_ibuf [dreg:s7], $0x5FFFF;
	_ =	strace $0x90000049  }
0x2a: {  	s29 =	simm.s32 $0x9;
	_ =	strace $0x8000004B  }
0x2b: {  	_ =	swait.ge [sflag:s29], $0x1  }
0x2c: {  	[sflag:s29] =	ssyncadd.s32 $0xFFFFFFFF  }
0x2d: {  	_ =	strace $0x9000004B  }
0x2e: {  	_ =	sfence  }
0x2f: {  	s30 =	sld [smem:$0x0];
	_ =	sdelay $0x2  }
0x30: {  	s31 =	sshll.u32 s1, $0xD;
	s1 =	sshrl.u32 s1, $0x2  }
0x31: {  	s3 =	sand.u32 $0x4000, s31;
	s1 =	sadd.s32 s1, s30  }
0x32: {  	s0 =	sor.u32 s3, s0;
	s1 =	sshll.u32 s1, $0x11  }
0x33: {  	s0 =	sor.u32 s1, s0  }
0x34: {  	s0 =	sadd.s32 $0x8F2B, s0  }
0x35: {  	[sflag:s0] =	ssyncadd.remote.s32 $0x1  }
0x36: {  	_ =	sfence.sel $0xFFFF  }
0x37: {  	[dreg:$0x0] =	wrdreg $0xFFFFFFFF;
	(pc) =	sbr.abs _section_cstart, $3  }
0x38: {  	[dreg:$0x1] =	wrdreg $0xFFFFFFFF  }
0x39: {  	_ =	task.clear_ibuf [dreg:s7], $0x2FFFF;
	_ =	strace $0x9FFFFFFF  }
0x3a: {  	(tm) =	ssettm $0x7FFFFFFF  }
0x3b: {  	_ =	shalt  }
tec
execute0_lowered:
.L_overlay_start_1:
0x0: {  	(tag) =	ssettag $0x1  }
0x1: {  	s0 =	srdreg.scid  }
0x2: {  	s1 =	sshll.u32 s0, $0x4  }
0x3: {  	s6 =	rddreg [dreg:$0x0];
	s0 =	stileid.u32;
	s1 =	sand.u32 $0x10, s1  }
0x4: {  	s3 =	rddreg [dreg:$0x1];
	s1 =	sor.u32 s0, s1  }
0x5: {  	s5 =	simm.s32 $0x1;
	s31 =	simm.s32 $0x2;
	s2 =	sshll.u32 s1, $0x7  }
0x6: {  	s15 =	simm.s32 $0x0;
	s8 =	simm.s32 $0x8000;
	s4 =	ssub.s32 $0x1000, s2  }
0x7: {  	s14 =	simm.s32 $0x0;
	s9 =	simm.s32 $0x0;
	s30 =	sand.u32 $0xF80, s4  }
0x8: {  	s10 =	simm.s32 $0x0;
	s11 =	simm.s32 $0x0;
	p0 =	sne.s32 s30, $0x0  }
.Ltmp0:
0x9: {  	s7 =	sshrl.u32 s4, $0xC;
	s5 =	simm.s32 @!p0 $0x0;
	(pc) =	sbr.rel .LBB1_1-.Ltmp0, $4  }
0xa: {  	s13 =	simm.s32 $0x0;
	s1 =	rddreg [dreg:$0x2];
	s5 =	sadd.s32 s5, s7  }
0xb: {  	_ =	strace $0x8000004A;
	s4 =	simm.s32 $0x1;
	s5 =	smul.u32 $0x39, s5  }
0xc: {  	s6 =	sadd.s32 $0xC00, s6;
	s12 =	smov.u32 s2;
	[sflag:s4] =	ssyncpa.u1 $0x0  }
0xd: {  	[sflag:s31] =	ssyncpa.u1 $0x0;
	p0 =	por $0x0, $0x0;
	s7 =	sadd.s32 $0x1, s5  }
.LBB1_4:
0xe: {  	s20 =	sshra.s32 s20, $0x2  }
0xf: {  	s28 =	sand.u32 $0x78, s10;
	s21 =	sshll.u32 s9, $0xC;
	s22 =	sshll.u32 s10, $0x3  }
0x10: {  	s24 =	sshll.u32 s9, $0x7;
	p1 =	sgt.s32 s9, $0x1BC0;
	s30 =	sshra.s32 s9, $0x1F  }
0x11: {  	s26 =	sshra.s32 s10, $0x1F;
	s19 =	sadd.s32 s20, s19;
	s21 =	sand.u32 $0xFFFF8000, s21  }
0x12: {  	v5 =	vld [tilespmem:s17+$0xFFFFFFD0];
	[tilespmem:s18+$0x2040 ss:$0x81] =	vst.msk $0xffff, v4;
	s23 =	sand.u32 $0xFFFFFC00, s22;
	s29 =	sand.u32 $0x380, s24;
	s22 =	sand.u32 $0xC00, s22  }
0x13: {  	v58 =	vld [tilespmem:s17+$0xFFFFFFE0];
	[tilespmem:s18+$0x2850 ss:$0x81] =	vst.msk $0xffff, v3;
	s21 =	sadd.s32 s23, s21;
	s20 =	sor.u32 s28, s22;
	s22 =	smov.u32 s9  }
0x14: {  	v59 =	vld [tilespmem:s17+$0xFFFFFFF0];
	[tilespmem:s18+$0x3060 ss:$0x81] =	vst.msk $0xffff, v2;
	s24 =	sand.u32 s30, s9;
	s21 =	sshrl.u32 s21, $0xC;
	s22 =	simm.s32 @!p1 $0x1BC0  }
0x15: {  	v60 =	vld [tilespmem:s17+$0x0];
	[tilespmem:s18+$0x0 ss:$0x81] =	vst.msk $0xffff, v1;
	p1 =	sgt.s32 s10, $0xF80;
	s31 =	ssub.s32 s22, s24;
	s22 =	smov.u32 s10  }
0x16: {  	v61 =	vld [tilespmem:s17+$0x10];
	[tilespmem:s19+$0x3870 ss:$0x81] =	vst.msk $0xffff, v0;
	s25 =	smulhi.u32 $0x90FDC, s21;
	s24 =	sand.u32 s26, s10;
	s22 =	simm.s32 @!p1 $0xF80  }
0x17: {  	v62 =	vld [tilespmem:s17+$0x20];
	s20 =	sor.u32 s29, s20;
	[tilespmem:s19+$0x810 ss:$0x81] =	vst.msk $0xffff, v5;
	s27 =	sadd.s32 $0xFFFFE440, s31;
	s22 =	ssub.s32 s22, s24  }
0x18: {  	v63 =	vld [tilespmem:s17+$0xFFFFFFC0];
	[tilespmem:s19+$0x1020 ss:$0x81] =	vst.msk $0xffff, v58;
	s18 =	ssub.s32 $0x1C40, s31;
	s28 =	smul.u32 $0x1C40, s25;
	s29 =	sadd.s32 $0xFFFFF080, s22  }
0x19: {  	[tilespmem:s19+$0x1830 ss:$0x81] =	vst.msk $0xffff, v59;
	p1 =	sgt.s32 s27, $0x7F;
	s22 =	ssub.s32 $0x1000, s22;
	p2 =	sgt.s32 s29, $0x7F  }
0x1a: {  	s30 =	sand.u32 $0x7, s10;
	[tilespmem:s19+$0x2040 ss:$0x81] =	vst.msk $0xffff, v60;
	s18 =	simm.s32 @p1 $0x0;
	s22 =	simm.s32 @p2 $0x0  }
0x1b: {  	s20 =	sshrl.u32 s20, $0x3;
	[tilespmem:s19+$0x2850 ss:$0x81] =	vst.msk $0xffff, v61;
	s17 =	ssub.s32 s21, s28;
	s18 =	smul.u32 s22, s18  }
0x1c: {  	[tilespmem:s19+$0x3060 ss:$0x81] =	vst.msk $0xffff, v62;
	s20 =	sadd.s32 s3, s20;
	s21 =	sshll.u32 s30, $0x12;
	s17 =	sshll.u32 s17, $0x9  }
0x1d: {  	[tilespmem:s19+$0x0 ss:$0x81] =	vst.msk $0xffff, v63;
	s31 =	sor.u32 $0x400, s21;
	s17 =	sadd.s32 s17, s20;
	s18 =	sand.u32 $0x3FFFFFFF, s18  }
0x1e: {  	[hbm4b:s17+s31] =	stream.strided.scatter [tilespmem:s16], [sflag:$0x2], s18, s8, s31, $0x20;
	[tilespmem:$0x10100] =	vst v63  }
.LBB1_5:
0x1f: {  	p1 =	slt.u32 s13, $0x2  }
0x20: {  	s17 =	smov.u32 s15;
	p2 =	sgt.s32 @!p1 s15, $0x1BC0;
	s16 =	sshra.s32 @!p1 s15, $0x1F  }
0x21: {  	p3 =	sgt.s32 @!p1 s14, $0xF80;
	s18 =	sshra.s32 @!p1 s14, $0x1F;
	p2 =	por !p2, p1  }
0x22: {  	s15 =	sand.u32 @!p1 s16, s15;
	p3 =	por !p3, p1;
	s16 =	smov.u32 s14  }
0x23: {  	s14 =	sand.u32 @!p1 s18, s14;
	s17 =	simm.s32 @p2 $0x1BC0;
	s16 =	simm.s32 @p3 $0xF80  }
0x24: {  	s15 =	ssub.s32 @!p1 s17, s15;
	s14 =	ssub.s32 @!p1 s16, s14  }
0x25: {  	s18 =	smov.u32 s12;
	s16 =	sadd.s32 @!p1 $0xFFFFE440, s15;
	s17 =	sadd.s32 @!p1 $0xFFFFF080, s14  }
0x26: {  	s15 =	ssub.s32 @!p1 $0x1C40, s15;
	p2 =	sgt.s32 @!p1 s16, $0x7F;
	p3 =	sgt.s32 @!p1 s17, $0x7F  }
0x27: {  	s14 =	ssub.s32 @!p1 $0x1000, s14;
	p2 =	por !p2, p1;
	p3 =	por !p3, p1  }
0x28: {  	s16 =	sadd.s32 $0x80, s11;
	s15 =	simm.s32 @!p2 $0x0;
	s14 =	simm.s32 @!p3 $0x0  }
0x29: {  	p2 =	sgt.s32 s16, $0x1C3F;
	s14 =	smul.u32 @!p1 s14, s15;
	s15 =	sadd.s32 $0x1000, s12  }
0x2a: {  	s18 =	smov.u32 @p2 s15  }
0x2b: {  	s16 =	simm.s32 @p2 $0x0;
	p2 =	sgt.s32 s18, $0xFFF  }
0x2c: {  	s18 =	smov.u32 @p2 s2;
	p2 =	sne.s32 s13, s7  }
.Ltmp1:
0x2d: {  	p0 =	por !p0, !p0;
	s17 =	simm.s32 @!p1 $0x2;
	(pc) =	sbr.rel @!p2 .LBB1_6-.Ltmp1, $4  }
0x2e: {  	s15 =	smov.u32 s9;
	s9 =	smov.u32 s11;
	s14 =	sand.u32 @!p1 $0x3FFFFFFF, s14  }
0x2f: {  	s11 =	smov.u32 s16;
	_ =	swait.ge @!p1 [sflag:s17], s14;
	s19 =	ssub.s32 @!p1 $0x0, s14  }
0x30: {  	s14 =	smov.u32 s10;
	s13 =	sadd.s32 $0x1, s13;
	[sflag:s17] =	ssyncset.done @!p1 $0x0  }
0x31: {  	s10 =	smov.u32 s12;
	s12 =	smov.u32 s18;
	[sflag:s17] =	ssyncadd.s32 @!p1 s19  }
.LBB1_1:
0x32: {  	p1 =	sge.u32 s13, s5  }
0x33: {  	s16 =	sshrl.u32 @!p1 s12, $0x3  }
0x34: {  	s17 =	sshll.u32 @!p1 s11, $0x3;
	s16 =	smul.u32 @!p1 $0xE400, s16  }
0x35: {  	s18 =	sshll.u32 @!p1 s12, $0x7;
	s17 =	sand.u32 @!p1 $0xFFFFFC00, s17  }
0x36: {  	s16 =	sadd.s32 @!p1 s16, s17;
	s17 =	sand.u32 @!p1 $0x380, s18  }
0x37: {  	s16 =	sor.u32 @!p1 s17, s16  }
0x38: {  	s17 =	sshrl.u32 @!p1 s16, $0x7  }
0x39: {  	s17 =	smulhi.u32 @!p1 $0x47DC120, s17;
	_ =	sdelay $0x1  }
0x3a: {  	s18 =	sand.u32 @!p1 $0x7F, s11;
	s19 =	smul.u32 @!p1 $0x1C80, s17  }
0x3b: {  	s31 =	sadd.s32 $0xFFFFFFFF, s13;
	s16 =	sor.u32 @!p1 s18, s16;
	s18 =	sxor.u32 @!p1 $0xFFFFFFFF, s13  }
0x3c: {  	s18 =	sshll.u32 @!p1 s18, $0xE;
	s17 =	sand.u32 @!p1 $0xFFF, s17;
	s16 =	ssub.s32 @!p1 s16, s19  }
0x3d: {  	s17 =	smul.u32 @!p1 $0x390, s17;
	s19 =	sshrl.u32 @!p1 s16, $0x3;
	s16 =	sand.u32 @!p1 $0x7, s16  }
0x3e: {  	s18 =	sand.u32 @!p1 $0x4000, s18;
	s19 =	sadd.s32 @!p1 s6, s19;
	s16 =	sshll.u32 @!p1 s16, $0x12  }
0x3f: {  	s17 =	sadd.s32 @!p1 s17, s19;
	s16 =	sor.u32 @!p1 $0x400, s16;
	s19 =	simm.s32 @!p1 $0xE400  }
0x40: {  	[tilespmem:s18], [sflag:$0x1] =	stream.strided.gather @!p1 [hbm4b:s17+s16], $0x4000, s19, s16, $0x38;
	[tilespmem:$0x10100] =	vst v63  }
0x41: {  	p1 =	sge.u32 s31, s5  }
.Ltmp2:
0x42: {  	_ = 	snop;
	(pc) =	sbr.rel @p1 .LBB1_5-.Ltmp2, $1  }
0x43: {  	_ =	sdelay $0x3  }
0x44: {  	s16 =	simm.s32 $0x1  }
0x45: {  	_ =	swait.ge [sflag:s4], $0x4000;
	s16 =	simm.s32 @!p0 $0x0  }
0x46: {  	[sflag:s4] =	ssyncset.done $0x0;
	s17 =	sshll.u32 s16, $0xE  }
0x47: {  	[sflag:s4] =	ssyncadd.s32 $0xFFFFC000;
	s17 =	sor.u32 $0x40, s17  }
0x48: {  	s16 =	smul.u32 $0x10200, s16;
	v0 =	vld [tilespmem:s17+$0x30]  }
0x49: {  	v1 =	vld [tilespmem:s17+$0xFFFFFFD0]  }
0x4a: {  	s16 =	sshrl.u32 s16, $0x2;
	v5 =	vld [tilespmem:s17+$0xFFFFFFE0]  }
0x4b: {  	v6 =	vld [tilespmem:s17+$0xFFFFFFF0];
	s19 =	sor.u32 $0x8000, s16  }
0x4c: {  	s31 =	sand.u32 $0x1, s13;
	v4 =	vld [tilespmem:s17+$0x0];
	s18 =	sadd.s32 $0x0, s19  }
0x4d: {  	v3 =	vld [tilespmem:s17+$0x10];
	s16 =	smul.u32 $0x10200, s31;
	[tilespmem:s18+$0x3870 ss:$0x81] =	vst.msk $0xffff, v0  }
0x4e: {  	v2 =	vld [tilespmem:s17+$0x20];
	[tilespmem:s18+$0x810 ss:$0x81] =	vst.msk $0xffff, v1  }
0x4f: {  	s16 =	sshrl.u32 s16, $0x2;
	v1 =	vld [tilespmem:s17+$0xFFFFFFC0];
	[tilespmem:s18+$0x1020 ss:$0x81] =	vst.msk $0xffff, v5;
	s17 =	sadd.s32 $0x80, s17  }
0x50: {  	s20 =	simm.s32 $0x4;
	s21 =	simm.s32 $0x8;
	s16 =	sor.u32 $0x8000, s16;
	[tilespmem:s18+$0x1830 ss:$0x81] =	vst.msk $0xffff, v6;
	v0 =	vld [tilespmem:s17+$0x30]  }
.LBB1_3:
0x51: {  	p1 =	sne.s32 s21, $0x1FC;
	v5 =	vld [tilespmem:s17+$0xFFFFFFD0];
	[tilespmem:s18+$0x2040 ss:$0x81] =	vst.msk $0xffff, v4  }
0x52: {  	v6 =	vld [tilespmem:s17+$0xFFFFFFE0];
	[tilespmem:s18+$0x2850 ss:$0x81] =	vst.msk $0xffff, v3  }
0x53: {  	s22 =	sshra.s32 s20, $0x2;
	s20 =	smov.u32 s21;
	v7 =	vld [tilespmem:s17+$0xFFFFFFF0];
	[tilespmem:s18+$0x3060 ss:$0x81] =	vst.msk $0xffff, v2  }
.Ltmp3:
0x54: {  	v4 =	vld [tilespmem:s17+$0x0];
	[tilespmem:s18+$0x0 ss:$0x81] =	vst.msk $0xffff, v1;
	s18 =	sadd.s32 s22, s19;
	(pc) =	sbr.rel @p1 .LBB1_3-.Ltmp3, $4  }
0x55: {  	v3 =	vld [tilespmem:s17+$0x10];
	[tilespmem:s18+$0x3870 ss:$0x81] =	vst.msk $0xffff, v0  }
0x56: {  	[tilespmem:s18+$0x810 ss:$0x81] =	vst.msk $0xffff, v5;
	v2 =	vld [tilespmem:s17+$0x20]  }
0x57: {  	v1 =	vld [tilespmem:s17+$0xFFFFFFC0];
	[tilespmem:s18+$0x1020 ss:$0x81] =	vst.msk $0xffff, v6;
	s17 =	sadd.s32 $0x80, s17  }
0x58: {  	s21 =	sadd.s32 $0x4, s21;
	v0 =	vld [tilespmem:s17+$0x30];
	[tilespmem:s18+$0x1830 ss:$0x81] =	vst.msk $0xffff, v7  }
.Ltmp4:
0x59: {  	_ = 	snop;
	(pc) =	sbr.rel .LBB1_4-.Ltmp4, $1  }
0x5a: {  	_ =	sdelay $0x3  }
.LBB1_6:
0x5b: {  	_ =	sfence.sel $0x180000  }
0x5c: {  	s2 =	simm.s32 $0x1;
	[bflag:$0x0] =	sbarrier.arrive $0xFFFF  }
0x5d: {  	s31 =	simm.s32 $0x2;
	[sflag:s2] =	ssyncpa.u1 $0x1  }
0x5e: {  	[sflag:s31] =	ssyncpa.u1 $0x1  }
0x5f: {  	p0 =	sne.s32 s0, $0x0;
	_ =	strace $0x9000004A  }
0x60: {  	s0 =	sadd.s32 @!p0 $0x100000, s1;
	[bflag:$0x2] =	sbarrier.arrive $0xFFFF  }
0x61: {  	[sflag:s0] =	ssyncadd.tile.s32 @!p0 $0x1;
	_ =	shalt  }
.Lfunc_end1:
_tile_overlayer_lowered:
.L_overlay_start_2:
0x62: {  	(tag) =	ssettag $0x2  }
0x63: {  	s0 =	rddreg [dreg:$0x0];
	s2 =	stileid.u32  }
0x64: {  	s1 =	rddreg [dreg:$0x1];
	p0 =	sne.s32 s2, $0x0  }
0x65: {  	s3 =	rddreg [dreg:$0x2];
	[bflag:$0x3] =	sbarrier.arrive $0xFFFF;
	s2 =	simm.s32 @!p0 $0x1C01  }
0x66: {  	[timem:s3], [sflag:s2] =	dma.local @!p0 [hbm:s0], s1  }
0x67: {  	s0 =	simm.s32 @!p0 $0x1  }
0x68: {  	_ =	swait.ge @!p0 [sflag:s0], s1  }
0x69: {  	s1 =	ssub.s32 @!p0 $0x0, s1;
	[sflag:s0] =	ssyncset.done @!p0 $0x0  }
0x6a: {  	[sflag:s0] =	ssyncadd.s32 @!p0 s1  }
0x6b: {  	[bflag:$0x3] =	sbarrier.arrive $0xFFFF  }
0x6c: {  	_ =	shalt  }

</sc_bundles>
